<compile_context>
chip_gen: v7x
topology: tpu7x:2x2x1
jax: 0.10.2.dev20260603
libtpu: 0.0.44.dev20260713+nightly
codegen_flags: <defaults>
</compile_context>

<pallas_src>
import jax
import jax.numpy as jnp
from jax import lax
from jax.experimental import pallas as pl
from jax.experimental.pallas import tpu as pltpu
from jax.experimental.pallas import tpu_sc as plsc

N_NODES = 10000
N_PAD = 10240
D = 128
E = 320000
B = 16384

NC, NS = 2, 16
NW = NC * NS
E_PER_W = E // NW
CH = 80
NCH = E_PER_W // CH
ROWS_PER_TILE = N_PAD // NS

PAIRS_PER_W = B // NW
SCH = 128
NSCH = PAIRS_PER_W // SCH

_mesh = plsc.VectorSubcoreMesh(core_axis_name="c", subcore_axis_name="s")
_sc_params = pltpu.CompilerParams(use_tc_tiling_on_sc=False)
_sc_params_nl = pltpu.CompilerParams(use_tc_tiling_on_sc=False,
                                     needs_layout_passes=False)


def _agg_body(x_hbm, ei_hbm, feat_hbm, deg_hbm,
              feat_sh, deg_sh, idx_s, idx_d, rows0, rows1, degz, ones_v,
              sem0, sem1, sem_d):
    cid = lax.axis_index("c")
    sid = lax.axis_index("s")
    wid = cid * NS + sid

    zero = jnp.zeros((16,), jnp.float32)

    @pl.loop(0, CH)
    def _(r):
        for k in range(D // 16):
            rows0[r, pl.ds(16 * k, 16)] = zero

    @pl.loop(0, ROWS_PER_TILE // 16)
    def _(r):
        degz[pl.ds(16 * r, 16)] = zero

    for k in range(CH // 16):
        ones_v[pl.ds(16 * k, 16)] = jnp.ones((16,), jnp.float32)

    row0 = sid * ROWS_PER_TILE
    for b in range(ROWS_PER_TILE // CH):
        pltpu.sync_copy(rows0, feat_sh.at[pl.ds(row0 + b * CH, CH)])
    pltpu.sync_copy(degz, deg_sh.at[pl.ds(row0, ROWS_PER_TILE)])
    plsc.subcore_barrier()

    pltpu.sync_copy(ei_hbm.at[0, wid], idx_s)
    pltpu.sync_copy(ei_hbm.at[1, wid], idx_d)

    def start(c, buf, sem):
        pltpu.async_copy(x_hbm.at[idx_s.at[c]], buf, sem)

    def wait(buf, sem):
        pltpu.make_async_copy(x_hbm.at[idx_s.at[0]], buf, sem).wait()

    def scat(c, buf):
        pltpu.sync_copy(buf, feat_sh.at[idx_d.at[c]], add=True)
        pltpu.async_copy(ones_v, deg_sh.at[idx_d.at[c]], sem_d, add=True)

    def wait_deg():
        pltpu.make_async_copy(ones_v, deg_sh.at[idx_d.at[0]], sem_d).wait()

    start(0, rows0, sem0)

    @pl.loop(0, NCH // 2)
    def _(j):
        c0 = 2 * j
        start(c0 + 1, rows1, sem1)
        wait(rows0, sem0)
        scat(c0, rows0)
        start(c0 + 2, rows0, sem0)
        wait(rows1, sem1)
        scat(c0 + 1, rows1)

        @pl.when(j >= 2)
        def _():
            wait_deg()
            wait_deg()

    wait(rows0, sem0)
    scat(NCH - 1, rows0)
    for _ in range(5):
        wait_deg()

    plsc.subcore_barrier()
    pltpu.sync_copy(feat_sh.at[pl.ds(row0, ROWS_PER_TILE)],
                    feat_hbm.at[cid, pl.ds(row0, ROWS_PER_TILE)])
    pltpu.sync_copy(deg_sh.at[pl.ds(row0, ROWS_PER_TILE)],
                    deg_hbm.at[cid, pl.ds(row0, ROWS_PER_TILE)])


_agg_call = pl.kernel(
    _agg_body,
    out_type=[
        jax.ShapeDtypeStruct((NC, N_PAD, D), jnp.float32),
        jax.ShapeDtypeStruct((NC, N_PAD), jnp.float32),
    ],
    mesh=_mesh,
    scratch_types=[
        pltpu.VMEM_SHARED((N_PAD, D), jnp.float32),
        pltpu.VMEM_SHARED((N_PAD,), jnp.float32),
        pltpu.VMEM((NCH, CH), jnp.int32),
        pltpu.VMEM((NCH, CH), jnp.int32),
        pltpu.VMEM((CH, D), jnp.float32),
        pltpu.VMEM((CH, D), jnp.float32),
        pltpu.VMEM((ROWS_PER_TILE,), jnp.float32),
        pltpu.VMEM((CH,), jnp.float32),
        pltpu.SemaphoreType.DMA,
        pltpu.SemaphoreType.DMA,
        pltpu.SemaphoreType.DMA,
    ],
    compiler_params=_sc_params,
)


RB = 2000


def _densea_body(x_ref, ws_ref, xs_ref):
    xs_ref[...] = jnp.dot(x_ref[...], ws_ref[...],
                          preferred_element_type=jnp.float32)


_densea_call = pl.pallas_call(
    _densea_body,
    grid=(N_NODES // RB,),
    in_specs=[
        pl.BlockSpec((RB, D), lambda i: (i, 0)),
        pl.BlockSpec((D, D), lambda i: (0, 0)),
    ],
    out_specs=pl.BlockSpec((RB, D), lambda i: (i, 0)),
    out_shape=jax.ShapeDtypeStruct((N_NODES, D), jnp.float32),
)


def _denseb_body(feat_ref, deg_ref, xs_ref, wn_ref, h_ref):
    a = feat_ref[0] + feat_ref[1]
    deg = deg_ref[:, 0:1] + deg_ref[:, 1:2]
    mean = a / jnp.maximum(deg, 1.0)
    h_ref[...] = jnp.maximum(
        xs_ref[...]
        + jnp.dot(mean, wn_ref[...], preferred_element_type=jnp.float32),
        0.0)


_denseb_call = pl.pallas_call(
    _denseb_body,
    grid=(N_NODES // RB,),
    in_specs=[
        pl.BlockSpec((NC, RB, D), lambda i: (0, i, 0)),
        pl.BlockSpec((RB, NC), lambda i: (i, 0)),
        pl.BlockSpec((RB, D), lambda i: (i, 0)),
        pl.BlockSpec((D, D), lambda i: (0, 0)),
    ],
    out_specs=pl.BlockSpec((RB, D), lambda i: (i, 0)),
    out_shape=jax.ShapeDtypeStruct((N_NODES, D), jnp.float32),
)


def _pairgather_body(h_hbm, src_hbm, dst_hbm, nb_hbm,
                     us_hbm, vd_hbm, bsum_hbm,
                     idx_s, idx_d, hs0, hd0, hs1, hd1, hs2, hd2, nb_v, bias_v,
                     sem0, sem1, sem2, sem3, sem4, sem5):
    cid = lax.axis_index("c")
    sid = lax.axis_index("s")
    wid = cid * NS + sid

    pltpu.sync_copy(src_hbm.at[wid], idx_s)
    pltpu.sync_copy(dst_hbm.at[wid], idx_d)
    pltpu.sync_copy(nb_hbm, nb_v)

    bufs = [(hs0, hd0, sem0, sem1), (hs1, hd1, sem2, sem3),
            (hs2, hd2, sem4, sem5)]

    def startg(c, hs, hd, ss, sd):
        pltpu.async_copy(h_hbm.at[idx_s.at[c]], hs, ss)
        pltpu.async_copy(h_hbm.at[idx_d.at[c]], hd, sd)

    def waitg(hs, hd, ss, sd):
        pltpu.make_async_copy(h_hbm.at[idx_s.at[0]], hs, ss).wait()
        pltpu.make_async_copy(h_hbm.at[idx_d.at[0]], hd, sd).wait()

    one = jnp.ones((16,), jnp.int32)
    startg(0, *bufs[0])
    startg(1, *bufs[1])
    startg(2, *bufs[2])
    for c in range(NSCH):
        for g in range(SCH // 16):
            sv = idx_s[c, pl.ds(16 * g, 16)] + one
            dv = idx_d[c, pl.ds(16 * g, 16)] + one
            bs = plsc.load_gather(nb_v, [sv])
            bd = plsc.load_gather(nb_v, [dv])
            bias_v[pl.ds(16 * g, 16)] = bs + bd
        hs, hd, ss, sd = bufs[c % 3]
        waitg(hs, hd, ss, sd)
        base = wid * PAIRS_PER_W + c * SCH
        pltpu.sync_copy(hs, us_hbm.at[pl.ds(base, SCH)])
        pltpu.sync_copy(hd, vd_hbm.at[pl.ds(base, SCH)])
        pltpu.sync_copy(bias_v, bsum_hbm.at[pl.ds(base, SCH)])
        if c + 3 < NSCH:
            startg(c + 3, *bufs[c % 3])


_pairgather_call = pl.kernel(
    _pairgather_body,
    out_type=[
        jax.ShapeDtypeStruct((B, D), jnp.float32),
        jax.ShapeDtypeStruct((B, D), jnp.float32),
        jax.ShapeDtypeStruct((B,), jnp.float32),
    ],
    mesh=_mesh,
    scratch_types=[
        pltpu.VMEM((NSCH, SCH), jnp.int32),
        pltpu.VMEM((NSCH, SCH), jnp.int32),
        pltpu.VMEM((SCH, D), jnp.float32),
        pltpu.VMEM((SCH, D), jnp.float32),
        pltpu.VMEM((SCH, D), jnp.float32),
        pltpu.VMEM((SCH, D), jnp.float32),
        pltpu.VMEM((SCH, D), jnp.float32),
        pltpu.VMEM((SCH, D), jnp.float32),
        pltpu.VMEM((N_NODES + 1,), jnp.float32),
        pltpu.VMEM((SCH,), jnp.float32),
        pltpu.SemaphoreType.DMA,
        pltpu.SemaphoreType.DMA,
        pltpu.SemaphoreType.DMA,
        pltpu.SemaphoreType.DMA,
        pltpu.SemaphoreType.DMA,
        pltpu.SemaphoreType.DMA,
    ],
    compiler_params=_sc_params_nl,
)


SB = 2048


def _score_body(us_ref, vd_ref, bsum_ref, out_ref):
    out_ref[...] = jnp.sum(us_ref[...] * vd_ref[...], axis=1) + bsum_ref[...]


_score_call = pl.pallas_call(
    _score_body,
    grid=(B // SB,),
    in_specs=[
        pl.BlockSpec((SB, D), lambda i: (i, 0)),
        pl.BlockSpec((SB, D), lambda i: (i, 0)),
        pl.BlockSpec((SB,), lambda i: (i,)),
    ],
    out_specs=pl.BlockSpec((SB,), lambda i: (i,)),
    out_shape=jax.ShapeDtypeStruct((B,), jnp.float32),
)


def kernel(x, edge_index, src, dst, W_self, W_neigh, node_biases):
    x = x.astype(jnp.float32)
    ei4 = edge_index.astype(jnp.int32).reshape(2, NW, NCH, CH)
    src3 = src.astype(jnp.int32).reshape(NW, NSCH, SCH)
    dst3 = dst.astype(jnp.int32).reshape(NW, NSCH, SCH)
    nb = node_biases.astype(jnp.float32)

    feat, deg = _agg_call(x, ei4)
    xs = _densea_call(x, W_self)
    h = _denseb_call(feat, deg.T, xs, W_neigh)
    us, vd, bsum = _pairgather_call(h, src3, dst3, nb)
    return _score_call(us, vd, bsum)

# --- scband reference (transcript-rebuilt; emitter-appended) ---
"""Pipeline reference for scband-graph-sagerecommender-36816459662035 (READ-ONLY COPY).

The authoritative reference and input builder live on the scoring server;
editing this copy changes nothing except your own understanding.
"""

import jax, jax.numpy as jnp
import numpy as np

N_NODES = 10000
D_FEAT = 128
N_EDGES = 320000
B_PAIRS = 16384


def setup_inputs(seed: int = 0) -> dict:
    key = jax.random.key(seed)
    ks = jax.random.split(key, 8)
    x = jax.random.normal(ks[0], (N_NODES, D_FEAT), dtype=jnp.float32)
    edge_index = jax.random.randint(ks[1], (2, N_EDGES), 0, N_NODES, dtype=jnp.int64)
    src = jax.random.randint(ks[2], (B_PAIRS,), 0, N_NODES, dtype=jnp.int64)
    dst = jax.random.randint(ks[3], (B_PAIRS,), 0, N_NODES, dtype=jnp.int64)
    # Learned parameters: single GraphSAGE (mean) layer + per-node biases
    W_self = jax.random.normal(ks[4], (D_FEAT, D_FEAT), dtype=jnp.float32) * (1.0 / np.sqrt(D_FEAT))
    W_neigh = jax.random.normal(ks[5], (D_FEAT, D_FEAT), dtype=jnp.float32) * (1.0 / np.sqrt(D_FEAT))
    node_biases = jnp.zeros((N_NODES + 1,), dtype=jnp.float32)  # torch init: zeros, size N+1
    return {"x": x, "edge_index": edge_index, "src": src, "dst": dst,
            "W_self": W_self, "W_neigh": W_neigh, "node_biases": node_biases}


def reference(x, edge_index, src, dst, W_self, W_neigh, node_biases):
    N = x.shape[0]
    e_src = edge_index[0]
    e_dst = edge_index[1]
    # GraphSAGE mean aggregation: gather source features, scatter-add to dst, normalize by degree
    msgs = jnp.take(x, e_src, axis=0)                       # gather [E, d]
    agg = jax.ops.segment_sum(msgs, e_dst, num_segments=N)  # scatter-add [N, d]
    deg = jax.ops.segment_sum(jnp.ones((e_dst.shape[0],), dtype=x.dtype), e_dst, num_segments=N)
    mean_neigh = agg / jnp.clip(deg, 1.0, None)[:, None]
    h = jax.nn.relu(x @ W_self + mean_neigh @ W_neigh)      # gcn(nf) output
    # Recommender scoring head (faithful to forward)
    h_src = jnp.take(h, src, axis=0)
    h_dst = jnp.take(h, dst, axis=0)
    score = (h_src * h_dst).sum(axis=1) + node_biases[src + 1] + node_biases[dst + 1]
    return score

if __name__ == "__main__":
    import jax
    _d = setup_inputs()
    print(jax.jit(kernel)(*tuple(_d.values())))

</pallas_src>

<mosaic_0001>
#map = affine_map<(d0, d1) -> (0, 0)>
#map1 = affine_map<(d0, d1) -> (0, 0, 0)>
#map2 = affine_map<(d0, d1) -> (0)>
module attributes {stable_mosaic.version = 14 : i64} {
  func.func @_pairgather_body(%arg0: i32, %arg1: i32, %arg2: memref<10000x128xf32, #tpu.memory_space<hbm>>, %arg3: memref<32x4x128xi32, #tpu.memory_space<hbm>>, %arg4: memref<32x4x128xi32, #tpu.memory_space<hbm>>, %arg5: memref<10001xf32, #tpu.memory_space<hbm>>, %arg6: memref<16384x128xf32, #tpu.memory_space<hbm>>, %arg7: memref<16384x128xf32, #tpu.memory_space<hbm>>, %arg8: memref<16384xf32, #tpu.memory_space<hbm>>, %arg9: memref<4x128xi32, #tpu.memory_space<vmem>>, %arg10: memref<4x128xi32, #tpu.memory_space<vmem>>, %arg11: memref<128x128xf32, #tpu.memory_space<vmem>>, %arg12: memref<128x128xf32, #tpu.memory_space<vmem>>, %arg13: memref<128x128xf32, #tpu.memory_space<vmem>>, %arg14: memref<128x128xf32, #tpu.memory_space<vmem>>, %arg15: memref<128x128xf32, #tpu.memory_space<vmem>>, %arg16: memref<128x128xf32, #tpu.memory_space<vmem>>, %arg17: memref<10001xf32, #tpu.memory_space<vmem>>, %arg18: memref<128xf32, #tpu.memory_space<vmem>>, %arg19: memref<!tpu.dma_semaphore, #tpu.memory_space<semaphore_mem>>, %arg20: memref<!tpu.dma_semaphore, #tpu.memory_space<semaphore_mem>>, %arg21: memref<!tpu.dma_semaphore, #tpu.memory_space<semaphore_mem>>, %arg22: memref<!tpu.dma_semaphore, #tpu.memory_space<semaphore_mem>>, %arg23: memref<!tpu.dma_semaphore, #tpu.memory_space<semaphore_mem>>, %arg24: memref<!tpu.dma_semaphore, #tpu.memory_space<semaphore_mem>>) attributes {dimension_semantics = [#tpu.dimension_semantics<core_parallel>, #tpu.dimension_semantics<subcore_parallel>], iteration_bounds = array<i64: 2, 16>, scalar_prefetch = 0 : i64, scratch_operands = 16 : i64, tpu.core_type = #tpu.core_type<sc_vector_subcore>, window_params = [{transform_indices = #map}, {transform_indices = #map1}, {transform_indices = #map1}, {transform_indices = #map2}, {transform_indices = #map}, {transform_indices = #map}, {transform_indices = #map2}]} {
    %mul3A = arith.constant 16 : i32
    %mul3A_0 = arith.muli %arg0, %mul3A : i32
    %add3A = arith.addi %mul3A_0, %arg1 : i32
    "tpu.region"() ({
      %run_scoped3A = tpu.sem_alloc : memref<!tpu.dma_semaphore, #tpu.memory_space<semaphore_mem>>
      %dma_start3A_605 = arith.constant 0 : i32
      %dma_start3A_606 = arith.constant 0 : i32
      %dma_start3A_607 = tpu.memref_slice %arg3[%add3A, %dma_start3A_605, %dma_start3A_606] : memref<32x4x128xi32, #tpu.memory_space<hbm>> -> memref<1x4x128xi32, #tpu.memory_space<hbm>>
      %dma_start3A_608 = tpu.memref_squeeze %dma_start3A_607 : memref<1x4x128xi32, #tpu.memory_space<hbm>> -> memref<4x128xi32, #tpu.memory_space<hbm>>
      %dma_start3A_609 = arith.constant 0 : i32
      %dma_start3A_610 = arith.constant 0 : i32
      %dma_start3A_611 = tpu.memref_slice %arg3[%add3A, %dma_start3A_609, %dma_start3A_610] : memref<32x4x128xi32, #tpu.memory_space<hbm>> -> memref<1x4x128xi32, #tpu.memory_space<hbm>>
      %dma_start3A_612 = tpu.memref_squeeze %dma_start3A_611 : memref<1x4x128xi32, #tpu.memory_space<hbm>> -> memref<4x128xi32, #tpu.memory_space<hbm>>
      tpu.enqueue_dma source(%dma_start3A_612 : memref<4x128xi32, #tpu.memory_space<hbm>>) target(%arg9 : memref<4x128xi32, #tpu.memory_space<vmem>>) target_semaphore(%run_scoped3A : memref<!tpu.dma_semaphore, #tpu.memory_space<semaphore_mem>>)
      %dma_wait3A_613 = arith.constant 0 : i32
      %dma_wait3A_614 = arith.constant 0 : i32
      %dma_wait3A_615 = tpu.memref_slice %arg3[%add3A, %dma_wait3A_613, %dma_wait3A_614] : memref<32x4x128xi32, #tpu.memory_space<hbm>> -> memref<1x4x128xi32, #tpu.memory_space<hbm>>
      %dma_wait3A_616 = tpu.memref_squeeze %dma_wait3A_615 : memref<1x4x128xi32, #tpu.memory_space<hbm>> -> memref<4x128xi32, #tpu.memory_space<hbm>>
      %dma_wait3A_617 = arith.constant 0 : i32
      %dma_wait3A_618 = arith.constant 0 : i32
      %dma_wait3A_619 = tpu.memref_slice %arg3[%add3A, %dma_wait3A_617, %dma_wait3A_618] : memref<32x4x128xi32, #tpu.memory_space<hbm>> -> memref<1x4x128xi32, #tpu.memory_space<hbm>>
      %dma_wait3A_620 = tpu.memref_squeeze %dma_wait3A_619 : memref<1x4x128xi32, #tpu.memory_space<hbm>> -> memref<4x128xi32, #tpu.memory_space<hbm>>
      tpu.wait_dma2 semaphore(%run_scoped3A : memref<!tpu.dma_semaphore, #tpu.memory_space<semaphore_mem>>) src(%dma_wait3A_620 : memref<4x128xi32, #tpu.memory_space<hbm>>) dst(%arg9 : memref<4x128xi32, #tpu.memory_space<vmem>>)
      tpu.yield
    }) : () -> ()
    "tpu.region"() ({
      %run_scoped3A = tpu.sem_alloc : memref<!tpu.dma_semaphore, #tpu.memory_space<semaphore_mem>>
      %dma_start3A_605 = arith.constant 0 : i32
      %dma_start3A_606 = arith.constant 0 : i32
      %dma_start3A_607 = tpu.memref_slice %arg4[%add3A, %dma_start3A_605, %dma_start3A_606] : memref<32x4x128xi32, #tpu.memory_space<hbm>> -> memref<1x4x128xi32, #tpu.memory_space<hbm>>
      %dma_start3A_608 = tpu.memref_squeeze %dma_start3A_607 : memref<1x4x128xi32, #tpu.memory_space<hbm>> -> memref<4x128xi32, #tpu.memory_space<hbm>>
      %dma_start3A_609 = arith.constant 0 : i32
      %dma_start3A_610 = arith.constant 0 : i32
      %dma_start3A_611 = tpu.memref_slice %arg4[%add3A, %dma_start3A_609, %dma_start3A_610] : memref<32x4x128xi32, #tpu.memory_space<hbm>> -> memref<1x4x128xi32, #tpu.memory_space<hbm>>
      %dma_start3A_612 = tpu.memref_squeeze %dma_start3A_611 : memref<1x4x128xi32, #tpu.memory_space<hbm>> -> memref<4x128xi32, #tpu.memory_space<hbm>>
      tpu.enqueue_dma source(%dma_start3A_612 : memref<4x128xi32, #tpu.memory_space<hbm>>) target(%arg10 : memref<4x128xi32, #tpu.memory_space<vmem>>) target_semaphore(%run_scoped3A : memref<!tpu.dma_semaphore, #tpu.memory_space<semaphore_mem>>)
      %dma_wait3A_613 = arith.constant 0 : i32
      %dma_wait3A_614 = arith.constant 0 : i32
      %dma_wait3A_615 = tpu.memref_slice %arg4[%add3A, %dma_wait3A_613, %dma_wait3A_614] : memref<32x4x128xi32, #tpu.memory_space<hbm>> -> memref<1x4x128xi32, #tpu.memory_space<hbm>>
      %dma_wait3A_616 = tpu.memref_squeeze %dma_wait3A_615 : memref<1x4x128xi32, #tpu.memory_space<hbm>> -> memref<4x128xi32, #tpu.memory_space<hbm>>
      %dma_wait3A_617 = arith.constant 0 : i32
      %dma_wait3A_618 = arith.constant 0 : i32
      %dma_wait3A_619 = tpu.memref_slice %arg4[%add3A, %dma_wait3A_617, %dma_wait3A_618] : memref<32x4x128xi32, #tpu.memory_space<hbm>> -> memref<1x4x128xi32, #tpu.memory_space<hbm>>
      %dma_wait3A_620 = tpu.memref_squeeze %dma_wait3A_619 : memref<1x4x128xi32, #tpu.memory_space<hbm>> -> memref<4x128xi32, #tpu.memory_space<hbm>>
      tpu.wait_dma2 semaphore(%run_scoped3A : memref<!tpu.dma_semaphore, #tpu.memory_space<semaphore_mem>>) src(%dma_wait3A_620 : memref<4x128xi32, #tpu.memory_space<hbm>>) dst(%arg10 : memref<4x128xi32, #tpu.memory_space<vmem>>)
      tpu.yield
    }) : () -> ()
    "tpu.region"() ({
      %run_scoped3A = tpu.sem_alloc : memref<!tpu.dma_semaphore, #tpu.memory_space<semaphore_mem>>
      tpu.enqueue_dma source(%arg5 : memref<10001xf32, #tpu.memory_space<hbm>>) target(%arg17 : memref<10001xf32, #tpu.memory_space<vmem>>) target_semaphore(%run_scoped3A : memref<!tpu.dma_semaphore, #tpu.memory_space<semaphore_mem>>)
      tpu.wait_dma2 semaphore(%run_scoped3A : memref<!tpu.dma_semaphore, #tpu.memory_space<semaphore_mem>>) src(%arg5 : memref<10001xf32, #tpu.memory_space<hbm>>) dst(%arg17 : memref<10001xf32, #tpu.memory_space<vmem>>)
      tpu.yield
    }) : () -> ()
    %broadcast_in_dim3A = arith.constant 1 : i32
    %broadcast_in_dim3A_1 = vector.broadcast %broadcast_in_dim3A : i32 to vector<16xi32>
    %dma_start3A = arith.constant 0 : i32
    %dma_start3A_2 = arith.constant 0 : i32
    %dma_start3A_3 = tpu.memref_slice %arg9[%dma_start3A, %dma_start3A_2] : memref<4x128xi32, #tpu.memory_space<vmem>> -> memref<1x128xi32, #tpu.memory_space<vmem>>
    %dma_start3A_4 = tpu.memref_squeeze %dma_start3A_3 : memref<1x128xi32, #tpu.memory_space<vmem>> -> memref<128xi32, #tpu.memory_space<vmem>>
    %dma_start3A_5 = arith.constant 0 : i32
    %dma_start3A_6 = arith.constant 0 : i32
    %dma_start3A_7 = tpu.memref_slice %arg2[%dma_start3A_5, %dma_start3A_6] : memref<10000x128xf32, #tpu.memory_space<hbm>> -> memref<10000x128xf32, #tpu.memory_space<hbm>>
    tpu.enqueue_indirect_dma source(%dma_start3A_7 : memref<10000x128xf32, #tpu.memory_space<hbm>>) target(%arg11 : memref<128x128xf32, #tpu.memory_space<vmem>>) offsets(%dma_start3A_4 : memref<128xi32, #tpu.memory_space<vmem>>) semaphore(%arg19 : memref<!tpu.dma_semaphore, #tpu.memory_space<semaphore_mem>>)
    %dma_start3A_8 = arith.constant 0 : i32
    %dma_start3A_9 = arith.constant 0 : i32
    %dma_start3A_10 = tpu.memref_slice %arg10[%dma_start3A_8, %dma_start3A_9] : memref<4x128xi32, #tpu.memory_space<vmem>> -> memref<1x128xi32, #tpu.memory_space<vmem>>
    %dma_start3A_11 = tpu.memref_squeeze %dma_start3A_10 : memref<1x128xi32, #tpu.memory_space<vmem>> -> memref<128xi32, #tpu.memory_space<vmem>>
    %dma_start3A_12 = arith.constant 0 : i32
    %dma_start3A_13 = arith.constant 0 : i32
    %dma_start3A_14 = tpu.memref_slice %arg2[%dma_start3A_12, %dma_start3A_13] : memref<10000x128xf32, #tpu.memory_space<hbm>> -> memref<10000x128xf32, #tpu.memory_space<hbm>>
    tpu.enqueue_indirect_dma source(%dma_start3A_14 : memref<10000x128xf32, #tpu.memory_space<hbm>>) target(%arg12 : memref<128x128xf32, #tpu.memory_space<vmem>>) offsets(%dma_start3A_11 : memref<128xi32, #tpu.memory_space<vmem>>) semaphore(%arg20 : memref<!tpu.dma_semaphore, #tpu.memory_space<semaphore_mem>>)
    %dma_start3A_15 = arith.constant 1 : i32
    %dma_start3A_16 = arith.constant 0 : i32
    %dma_start3A_17 = tpu.memref_slice %arg9[%dma_start3A_15, %dma_start3A_16] : memref<4x128xi32, #tpu.memory_space<vmem>> -> memref<1x128xi32, #tpu.memory_space<vmem>>
    %dma_start3A_18 = tpu.memref_squeeze %dma_start3A_17 : memref<1x128xi32, #tpu.memory_space<vmem>> -> memref<128xi32, #tpu.memory_space<vmem>>
    %dma_start3A_19 = arith.constant 0 : i32
    %dma_start3A_20 = arith.constant 0 : i32
    %dma_start3A_21 = tpu.memref_slice %arg2[%dma_start3A_19, %dma_start3A_20] : memref<10000x128xf32, #tpu.memory_space<hbm>> -> memref<10000x128xf32, #tpu.memory_space<hbm>>
    tpu.enqueue_indirect_dma source(%dma_start3A_21 : memref<10000x128xf32, #tpu.memory_space<hbm>>) target(%arg13 : memref<128x128xf32, #tpu.memory_space<vmem>>) offsets(%dma_start3A_18 : memref<128xi32, #tpu.memory_space<vmem>>) semaphore(%arg21 : memref<!tpu.dma_semaphore, #tpu.memory_space<semaphore_mem>>)
    %dma_start3A_22 = arith.constant 1 : i32
    %dma_start3A_23 = arith.constant 0 : i32
    %dma_start3A_24 = tpu.memref_slice %arg10[%dma_start3A_22, %dma_start3A_23] : memref<4x128xi32, #tpu.memory_space<vmem>> -> memref<1x128xi32, #tpu.memory_space<vmem>>
    %dma_start3A_25 = tpu.memref_squeeze %dma_start3A_24 : memref<1x128xi32, #tpu.memory_space<vmem>> -> memref<128xi32, #tpu.memory_space<vmem>>
    %dma_start3A_26 = arith.constant 0 : i32
    %dma_start3A_27 = arith.constant 0 : i32
    %dma_start3A_28 = tpu.memref_slice %arg2[%dma_start3A_26, %dma_start3A_27] : memref<10000x128xf32, #tpu.memory_space<hbm>> -> memref<10000x128xf32, #tpu.memory_space<hbm>>
    tpu.enqueue_indirect_dma source(%dma_start3A_28 : memref<10000x128xf32, #tpu.memory_space<hbm>>) target(%arg14 : memref<128x128xf32, #tpu.memory_space<vmem>>) offsets(%dma_start3A_25 : memref<128xi32, #tpu.memory_space<vmem>>) semaphore(%arg22 : memref<!tpu.dma_semaphore, #tpu.memory_space<semaphore_mem>>)
    %dma_start3A_29 = arith.constant 2 : i32
    %dma_start3A_30 = arith.constant 0 : i32
    %dma_start3A_31 = tpu.memref_slice %arg9[%dma_start3A_29, %dma_start3A_30] : memref<4x128xi32, #tpu.memory_space<vmem>> -> memref<1x128xi32, #tpu.memory_space<vmem>>
    %dma_start3A_32 = tpu.memref_squeeze %dma_start3A_31 : memref<1x128xi32, #tpu.memory_space<vmem>> -> memref<128xi32, #tpu.memory_space<vmem>>
    %dma_start3A_33 = arith.constant 0 : i32
    %dma_start3A_34 = arith.constant 0 : i32
    %dma_start3A_35 = tpu.memref_slice %arg2[%dma_start3A_33, %dma_start3A_34] : memref<10000x128xf32, #tpu.memory_space<hbm>> -> memref<10000x128xf32, #tpu.memory_space<hbm>>
    tpu.enqueue_indirect_dma source(%dma_start3A_35 : memref<10000x128xf32, #tpu.memory_space<hbm>>) target(%arg15 : memref<128x128xf32, #tpu.memory_space<vmem>>) offsets(%dma_start3A_32 : memref<128xi32, #tpu.memory_space<vmem>>) semaphore(%arg23 : memref<!tpu.dma_semaphore, #tpu.memory_space<semaphore_mem>>)
    %dma_start3A_36 = arith.constant 2 : i32
    %dma_start3A_37 = arith.constant 0 : i32
    %dma_start3A_38 = tpu.memref_slice %arg10[%dma_start3A_36, %dma_start3A_37] : memref<4x128xi32, #tpu.memory_space<vmem>> -> memref<1x128xi32, #tpu.memory_space<vmem>>
    %dma_start3A_39 = tpu.memref_squeeze %dma_start3A_38 : memref<1x128xi32, #tpu.memory_space<vmem>> -> memref<128xi32, #tpu.memory_space<vmem>>
    %dma_start3A_40 = arith.constant 0 : i32
    %dma_start3A_41 = arith.constant 0 : i32
    %dma_start3A_42 = tpu.memref_slice %arg2[%dma_start3A_40, %dma_start3A_41] : memref<10000x128xf32, #tpu.memory_space<hbm>> -> memref<10000x128xf32, #tpu.memory_space<hbm>>
    tpu.enqueue_indirect_dma source(%dma_start3A_42 : memref<10000x128xf32, #tpu.memory_space<hbm>>) target(%arg16 : memref<128x128xf32, #tpu.memory_space<vmem>>) offsets(%dma_start3A_39 : memref<128xi32, #tpu.memory_space<vmem>>) semaphore(%arg24 : memref<!tpu.dma_semaphore, #tpu.memory_space<semaphore_mem>>)
    %get3A = arith.constant 0 : i32
    %get3A_43 = arith.index_cast %get3A : i32 to index
    %get3A_44 = arith.constant 0 : index
    %get3A_45 = tpu.vector_load %arg9[%get3A_43, %get3A_44] {strides = array<i32>} : memref<4x128xi32, #tpu.memory_space<vmem>>, vector<16xi32>,
    %add3A_46 = arith.addi %get3A_45, %broadcast_in_dim3A_1 : vector<16xi32>
    %get3A_47 = arith.constant 0 : i32
    %get3A_48 = arith.index_cast %get3A_47 : i32 to index
    %get3A_49 = arith.constant 0 : index
    %get3A_50 = tpu.vector_load %arg10[%get3A_48, %get3A_49] {strides = array<i32>} : memref<4x128xi32, #tpu.memory_space<vmem>>, vector<16xi32>,
    %add3A_51 = arith.addi %get3A_50, %broadcast_in_dim3A_1 : vector<16xi32>
    %gather3A = tpu.vector_load_idx %arg17[%add3A_46] : memref<10001xf32, #tpu.memory_space<vmem>>[vector<16xi32>], vector<16xf32>,
    %gather3A_52 = tpu.vector_load_idx %arg17[%add3A_51] : memref<10001xf32, #tpu.memory_space<vmem>>[vector<16xi32>], vector<16xf32>,
    %add3A_53 = arith.addf %gather3A, %gather3A_52 : vector<16xf32>
    %swap3A = arith.constant 0 : index
    %swap3A_54 = tpu.vector_load %arg18[%swap3A] {strides = array<i32>} : memref<128xf32, #tpu.memory_space<vmem>>, vector<16xf32>,
    tpu.vector_store %arg18[%swap3A], %add3A_53 {strides = array<i32>} : memref<128xf32, #tpu.memory_space<vmem>>, vector<16xf32>,
    %get3A_55 = arith.constant 0 : i32
    %get3A_56 = arith.index_cast %get3A_55 : i32 to index
    %get3A_57 = arith.constant 16 : index
    %get3A_58 = tpu.vector_load %arg9[%get3A_56, %get3A_57] {strides = array<i32>} : memref<4x128xi32, #tpu.memory_space<vmem>>, vector<16xi32>,
    %add3A_59 = arith.addi %get3A_58, %broadcast_in_dim3A_1 : vector<16xi32>
    %get3A_60 = arith.constant 0 : i32
    %get3A_61 = arith.index_cast %get3A_60 : i32 to index
    %get3A_62 = arith.constant 16 : index
    %get3A_63 = tpu.vector_load %arg10[%get3A_61, %get3A_62] {strides = array<i32>} : memref<4x128xi32, #tpu.memory_space<vmem>>, vector<16xi32>,
    %add3A_64 = arith.addi %get3A_63, %broadcast_in_dim3A_1 : vector<16xi32>
    %gather3A_65 = tpu.vector_load_idx %arg17[%add3A_59] : memref<10001xf32, #tpu.memory_space<vmem>>[vector<16xi32>], vector<16xf32>,
    %gather3A_66 = tpu.vector_load_idx %arg17[%add3A_64] : memref<10001xf32, #tpu.memory_space<vmem>>[vector<16xi32>], vector<16xf32>,
    %add3A_67 = arith.addf %gather3A_65, %gather3A_66 : vector<16xf32>
    %swap3A_68 = arith.constant 16 : index
    %swap3A_69 = tpu.vector_load %arg18[%swap3A_68] {strides = array<i32>} : memref<128xf32, #tpu.memory_space<vmem>>, vector<16xf32>,
    tpu.vector_store %arg18[%swap3A_68], %add3A_67 {strides = array<i32>} : memref<128xf32, #tpu.memory_space<vmem>>, vector<16xf32>,
    %get3A_70 = arith.constant 0 : i32
    %get3A_71 = arith.index_cast %get3A_70 : i32 to index
    %get3A_72 = arith.constant 32 : index
    %get3A_73 = tpu.vector_load %arg9[%get3A_71, %get3A_72] {strides = array<i32>} : memref<4x128xi32, #tpu.memory_space<vmem>>, vector<16xi32>,
    %add3A_74 = arith.addi %get3A_73, %broadcast_in_dim3A_1 : vector<16xi32>
    %get3A_75 = arith.constant 0 : i32
    %get3A_76 = arith.index_cast %get3A_75 : i32 to index
    %get3A_77 = arith.constant 32 : index
    %get3A_78 = tpu.vector_load %arg10[%get3A_76, %get3A_77] {strides = array<i32>} : memref<4x128xi32, #tpu.memory_space<vmem>>, vector<16xi32>,
    %add3A_79 = arith.addi %get3A_78, %broadcast_in_dim3A_1 : vector<16xi32>
    %gather3A_80 = tpu.vector_load_idx %arg17[%add3A_74] : memref<10001xf32, #tpu.memory_space<vmem>>[vector<16xi32>], vector<16xf32>,
    %gather3A_81 = tpu.vector_load_idx %arg17[%add3A_79] : memref<10001xf32, #tpu.memory_space<vmem>>[vector<16xi32>], vector<16xf32>,
    %add3A_82 = arith.addf %gather3A_80, %gather3A_81 : vector<16xf32>
    %swap3A_83 = arith.constant 32 : index
    %swap3A_84 = tpu.vector_load %arg18[%swap3A_83] {strides = array<i32>} : memref<128xf32, #tpu.memory_space<vmem>>, vector<16xf32>,
    tpu.vector_store %arg18[%swap3A_83], %add3A_82 {strides = array<i32>} : memref<128xf32, #tpu.memory_space<vmem>>, vector<16xf32>,
    %get3A_85 = arith.constant 0 : i32
    %get3A_86 = arith.index_cast %get3A_85 : i32 to index
    %get3A_87 = arith.constant 48 : index
    %get3A_88 = tpu.vector_load %arg9[%get3A_86, %get3A_87] {strides = array<i32>} : memref<4x128xi32, #tpu.memory_space<vmem>>, vector<16xi32>,
    %add3A_89 = arith.addi %get3A_88, %broadcast_in_dim3A_1 : vector<16xi32>
    %get3A_90 = arith.constant 0 : i32
    %get3A_91 = arith.index_cast %get3A_90 : i32 to index
    %get3A_92 = arith.constant 48 : index
    %get3A_93 = tpu.vector_load %arg10[%get3A_91, %get3A_92] {strides = array<i32>} : memref<4x128xi32, #tpu.memory_space<vmem>>, vector<16xi32>,
    %add3A_94 = arith.addi %get3A_93, %broadcast_in_dim3A_1 : vector<16xi32>
    %gather3A_95 = tpu.vector_load_idx %arg17[%add3A_89] : memref<10001xf32, #tpu.memory_space<vmem>>[vector<16xi32>], vector<16xf32>,
    %gather3A_96 = tpu.vector_load_idx %arg17[%add3A_94] : memref<10001xf32, #tpu.memory_space<vmem>>[vector<16xi32>], vector<16xf32>,
    %add3A_97 = arith.addf %gather3A_95, %gather3A_96 : vector<16xf32>
    %swap3A_98 = arith.constant 48 : index
    %swap3A_99 = tpu.vector_load %arg18[%swap3A_98] {strides = array<i32>} : memref<128xf32, #tpu.memory_space<vmem>>, vector<16xf32>,
    tpu.vector_store %arg18[%swap3A_98], %add3A_97 {strides = array<i32>} : memref<128xf32, #tpu.memory_space<vmem>>, vector<16xf32>,
    %get3A_100 = arith.constant 0 : i32
    %get3A_101 = arith.index_cast %get3A_100 : i32 to index
    %get3A_102 = arith.constant 64 : index
    %get3A_103 = tpu.vector_load %arg9[%get3A_101, %get3A_102] {strides = array<i32>} : memref<4x128xi32, #tpu.memory_space<vmem>>, vector<16xi32>,
    %add3A_104 = arith.addi %get3A_103, %broadcast_in_dim3A_1 : vector<16xi32>
    %get3A_105 = arith.constant 0 : i32
    %get3A_106 = arith.index_cast %get3A_105 : i32 to index
    %get3A_107 = arith.constant 64 : index
    %get3A_108 = tpu.vector_load %arg10[%get3A_106, %get3A_107] {strides = array<i32>} : memref<4x128xi32, #tpu.memory_space<vmem>>, vector<16xi32>,
    %add3A_109 = arith.addi %get3A_108, %broadcast_in_dim3A_1 : vector<16xi32>
    %gather3A_110 = tpu.vector_load_idx %arg17[%add3A_104] : memref<10001xf32, #tpu.memory_space<vmem>>[vector<16xi32>], vector<16xf32>,
    %gather3A_111 = tpu.vector_load_idx %arg17[%add3A_109] : memref<10001xf32, #tpu.memory_space<vmem>>[vector<16xi32>], vector<16xf32>,
    %add3A_112 = arith.addf %gather3A_110, %gather3A_111 : vector<16xf32>
    %swap3A_113 = arith.constant 64 : index
    %swap3A_114 = tpu.vector_load %arg18[%swap3A_113] {strides = array<i32>} : memref<128xf32, #tpu.memory_space<vmem>>, vector<16xf32>,
    tpu.vector_store %arg18[%swap3A_113], %add3A_112 {strides = array<i32>} : memref<128xf32, #tpu.memory_space<vmem>>, vector<16xf32>,
    %get3A_115 = arith.constant 0 : i32
    %get3A_116 = arith.index_cast %get3A_115 : i32 to index
    %get3A_117 = arith.constant 80 : index
    %get3A_118 = tpu.vector_load %arg9[%get3A_116, %get3A_117] {strides = array<i32>} : memref<4x128xi32, #tpu.memory_space<vmem>>, vector<16xi32>,
    %add3A_119 = arith.addi %get3A_118, %broadcast_in_dim3A_1 : vector<16xi32>
    %get3A_120 = arith.constant 0 : i32
    %get3A_121 = arith.index_cast %get3A_120 : i32 to index
    %get3A_122 = arith.constant 80 : index
    %get3A_123 = tpu.vector_load %arg10[%get3A_121, %get3A_122] {strides = array<i32>} : memref<4x128xi32, #tpu.memory_space<vmem>>, vector<16xi32>,
    %add3A_124 = arith.addi %get3A_123, %broadcast_in_dim3A_1 : vector<16xi32>
    %gather3A_125 = tpu.vector_load_idx %arg17[%add3A_119] : memref<10001xf32, #tpu.memory_space<vmem>>[vector<16xi32>], vector<16xf32>,
    %gather3A_126 = tpu.vector_load_idx %arg17[%add3A_124] : memref<10001xf32, #tpu.memory_space<vmem>>[vector<16xi32>], vector<16xf32>,
    %add3A_127 = arith.addf %gather3A_125, %gather3A_126 : vector<16xf32>
    %swap3A_128 = arith.constant 80 : index
    %swap3A_129 = tpu.vector_load %arg18[%swap3A_128] {strides = array<i32>} : memref<128xf32, #tpu.memory_space<vmem>>, vector<16xf32>,
    tpu.vector_store %arg18[%swap3A_128], %add3A_127 {strides = array<i32>} : memref<128xf32, #tpu.memory_space<vmem>>, vector<16xf32>,
    %get3A_130 = arith.constant 0 : i32
    %get3A_131 = arith.index_cast %get3A_130 : i32 to index
    %get3A_132 = arith.constant 96 : index
    %get3A_133 = tpu.vector_load %arg9[%get3A_131, %get3A_132] {strides = array<i32>} : memref<4x128xi32, #tpu.memory_space<vmem>>, vector<16xi32>,
    %add3A_134 = arith.addi %get3A_133, %broadcast_in_dim3A_1 : vector<16xi32>
    %get3A_135 = arith.constant 0 : i32
    %get3A_136 = arith.index_cast %get3A_135 : i32 to index
    %get3A_137 = arith.constant 96 : index
    %get3A_138 = tpu.vector_load %arg10[%get3A_136, %get3A_137] {strides = array<i32>} : memref<4x128xi32, #tpu.memory_space<vmem>>, vector<16xi32>,
    %add3A_139 = arith.addi %get3A_138, %broadcast_in_dim3A_1 : vector<16xi32>
    %gather3A_140 = tpu.vector_load_idx %arg17[%add3A_134] : memref<10001xf32, #tpu.memory_space<vmem>>[vector<16xi32>], vector<16xf32>,
    %gather3A_141 = tpu.vector_load_idx %arg17[%add3A_139] : memref<10001xf32, #tpu.memory_space<vmem>>[vector<16xi32>], vector<16xf32>,
    %add3A_142 = arith.addf %gather3A_140, %gather3A_141 : vector<16xf32>
    %swap3A_143 = arith.constant 96 : index
    %swap3A_144 = tpu.vector_load %arg18[%swap3A_143] {strides = array<i32>} : memref<128xf32, #tpu.memory_space<vmem>>, vector<16xf32>,
    tpu.vector_store %arg18[%swap3A_143], %add3A_142 {strides = array<i32>} : memref<128xf32, #tpu.memory_space<vmem>>, vector<16xf32>,
    %get3A_145 = arith.constant 0 : i32
    %get3A_146 = arith.index_cast %get3A_145 : i32 to index
    %get3A_147 = arith.constant 112 : index
    %get3A_148 = tpu.vector_load %arg9[%get3A_146, %get3A_147] {strides = array<i32>} : memref<4x128xi32, #tpu.memory_space<vmem>>, vector<16xi32>,
    %add3A_149 = arith.addi %get3A_148, %broadcast_in_dim3A_1 : vector<16xi32>
    %get3A_150 = arith.constant 0 : i32
    %get3A_151 = arith.index_cast %get3A_150 : i32 to index
    %get3A_152 = arith.constant 112 : index
    %get3A_153 = tpu.vector_load %arg10[%get3A_151, %get3A_152] {strides = array<i32>} : memref<4x128xi32, #tpu.memory_space<vmem>>, vector<16xi32>,
    %add3A_154 = arith.addi %get3A_153, %broadcast_in_dim3A_1 : vector<16xi32>
    %gather3A_155 = tpu.vector_load_idx %arg17[%add3A_149] : memref<10001xf32, #tpu.memory_space<vmem>>[vector<16xi32>], vector<16xf32>,
    %gather3A_156 = tpu.vector_load_idx %arg17[%add3A_154] : memref<10001xf32, #tpu.memory_space<vmem>>[vector<16xi32>], vector<16xf32>,
    %add3A_157 = arith.addf %gather3A_155, %gather3A_156 : vector<16xf32>
    %swap3A_158 = arith.constant 112 : index
    %swap3A_159 = tpu.vector_load %arg18[%swap3A_158] {strides = array<i32>} : memref<128xf32, #tpu.memory_space<vmem>>, vector<16xf32>,
    tpu.vector_store %arg18[%swap3A_158], %add3A_157 {strides = array<i32>} : memref<128xf32, #tpu.memory_space<vmem>>, vector<16xf32>,
    %dma_wait3A = arith.constant 0 : i32
    %dma_wait3A_160 = arith.constant 0 : i32
    %dma_wait3A_161 = tpu.memref_slice %arg9[%dma_wait3A, %dma_wait3A_160] : memref<4x128xi32, #tpu.memory_space<vmem>> -> memref<1x128xi32, #tpu.memory_space<vmem>>
    %dma_wait3A_162 = tpu.memref_squeeze %dma_wait3A_161 : memref<1x128xi32, #tpu.memory_space<vmem>> -> memref<128xi32, #tpu.memory_space<vmem>>
    %dma_wait3A_163 = arith.constant 0 : i32
    %dma_wait3A_164 = arith.constant 0 : i32
    %dma_wait3A_165 = tpu.memref_slice %arg2[%dma_wait3A_163, %dma_wait3A_164] : memref<10000x128xf32, #tpu.memory_space<hbm>> -> memref<10000x128xf32, #tpu.memory_space<hbm>>
    tpu.wait_indirect_dma semaphore(%arg19 : memref<!tpu.dma_semaphore, #tpu.memory_space<semaphore_mem>>) src(%dma_wait3A_165 : memref<10000x128xf32, #tpu.memory_space<hbm>>) dst(%arg11 : memref<128x128xf32, #tpu.memory_space<vmem>>)
    %dma_wait3A_166 = arith.constant 0 : i32
    %dma_wait3A_167 = arith.constant 0 : i32
    %dma_wait3A_168 = tpu.memref_slice %arg10[%dma_wait3A_166, %dma_wait3A_167] : memref<4x128xi32, #tpu.memory_space<vmem>> -> memref<1x128xi32, #tpu.memory_space<vmem>>
    %dma_wait3A_169 = tpu.memref_squeeze %dma_wait3A_168 : memref<1x128xi32, #tpu.memory_space<vmem>> -> memref<128xi32, #tpu.memory_space<vmem>>
    %dma_wait3A_170 = arith.constant 0 : i32
    %dma_wait3A_171 = arith.constant 0 : i32
    %dma_wait3A_172 = tpu.memref_slice %arg2[%dma_wait3A_170, %dma_wait3A_171] : memref<10000x128xf32, #tpu.memory_space<hbm>> -> memref<10000x128xf32, #tpu.memory_space<hbm>>
    tpu.wait_indirect_dma semaphore(%arg20 : memref<!tpu.dma_semaphore, #tpu.memory_space<semaphore_mem>>) src(%dma_wait3A_172 : memref<10000x128xf32, #tpu.memory_space<hbm>>) dst(%arg12 : memref<128x128xf32, #tpu.memory_space<vmem>>)
    %mul3A_173 = arith.constant 512 : i32
    %mul3A_174 = arith.muli %add3A, %mul3A_173 : i32
    %add3A_175 = arith.constant 0 : i32
    %add3A_176 = arith.addi %mul3A_174, %add3A_175 : i32
    "tpu.region"() ({
      %run_scoped3A = tpu.sem_alloc : memref<!tpu.dma_semaphore, #tpu.memory_space<semaphore_mem>>
      %dma_start3A_605 = arith.constant 0 : i32
      %dma_start3A_606 = tpu.memref_slice %arg6[%add3A_176, %dma_start3A_605] : memref<16384x128xf32, #tpu.memory_space<hbm>> -> memref<128x128xf32, #tpu.memory_space<hbm>>
      %dma_start3A_607 = arith.constant 0 : i32
      %dma_start3A_608 = tpu.memref_slice %arg6[%add3A_176, %dma_start3A_607] : memref<16384x128xf32, #tpu.memory_space<hbm>> -> memref<128x128xf32, #tpu.memory_space<hbm>>
      tpu.enqueue_dma source(%arg11 : memref<128x128xf32, #tpu.memory_space<vmem>>) target(%dma_start3A_608 : memref<128x128xf32, #tpu.memory_space<hbm>>) target_semaphore(%run_scoped3A : memref<!tpu.dma_semaphore, #tpu.memory_space<semaphore_mem>>)
      %dma_wait3A_609 = arith.constant 0 : i32
      %dma_wait3A_610 = tpu.memref_slice %arg6[%add3A_176, %dma_wait3A_609] : memref<16384x128xf32, #tpu.memory_space<hbm>> -> memref<128x128xf32, #tpu.memory_space<hbm>>
      %dma_wait3A_611 = arith.constant 0 : i32
      %dma_wait3A_612 = tpu.memref_slice %arg6[%add3A_176, %dma_wait3A_611] : memref<16384x128xf32, #tpu.memory_space<hbm>> -> memref<128x128xf32, #tpu.memory_space<hbm>>
      tpu.wait_dma2 semaphore(%run_scoped3A : memref<!tpu.dma_semaphore, #tpu.memory_space<semaphore_mem>>) src(%arg11 : memref<128x128xf32, #tpu.memory_space<vmem>>) dst(%dma_wait3A_612 : memref<128x128xf32, #tpu.memory_space<hbm>>)
      tpu.yield
    }) : () -> ()
    "tpu.region"() ({
      %run_scoped3A = tpu.sem_alloc : memref<!tpu.dma_semaphore, #tpu.memory_space<semaphore_mem>>
      %dma_start3A_605 = arith.constant 0 : i32
      %dma_start3A_606 = tpu.memref_slice %arg7[%add3A_176, %dma_start3A_605] : memref<16384x128xf32, #tpu.memory_space<hbm>> -> memref<128x128xf32, #tpu.memory_space<hbm>>
      %dma_start3A_607 = arith.constant 0 : i32
      %dma_start3A_608 = tpu.memref_slice %arg7[%add3A_176, %dma_start3A_607] : memref<16384x128xf32, #tpu.memory_space<hbm>> -> memref<128x128xf32, #tpu.memory_space<hbm>>
      tpu.enqueue_dma source(%arg12 : memref<128x128xf32, #tpu.memory_space<vmem>>) target(%dma_start3A_608 : memref<128x128xf32, #tpu.memory_space<hbm>>) target_semaphore(%run_scoped3A : memref<!tpu.dma_semaphore, #tpu.memory_space<semaphore_mem>>)
      %dma_wait3A_609 = arith.constant 0 : i32
      %dma_wait3A_610 = tpu.memref_slice %arg7[%add3A_176, %dma_wait3A_609] : memref<16384x128xf32, #tpu.memory_space<hbm>> -> memref<128x128xf32, #tpu.memory_space<hbm>>
      %dma_wait3A_611 = arith.constant 0 : i32
      %dma_wait3A_612 = tpu.memref_slice %arg7[%add3A_176, %dma_wait3A_611] : memref<16384x128xf32, #tpu.memory_space<hbm>> -> memref<128x128xf32, #tpu.memory_space<hbm>>
      tpu.wait_dma2 semaphore(%run_scoped3A : memref<!tpu.dma_semaphore, #tpu.memory_space<semaphore_mem>>) src(%arg12 : memref<128x128xf32, #tpu.memory_space<vmem>>) dst(%dma_wait3A_612 : memref<128x128xf32, #tpu.memory_space<hbm>>)
      tpu.yield
    }) : () -> ()
    "tpu.region"() ({
      %run_scoped3A = tpu.sem_alloc : memref<!tpu.dma_semaphore, #tpu.memory_space<semaphore_mem>>
      %dma_start3A_605 = tpu.memref_slice %arg8[%add3A_176] : memref<16384xf32, #tpu.memory_space<hbm>> -> memref<128xf32, #tpu.memory_space<hbm>>
      %dma_start3A_606 = tpu.memref_slice %arg8[%add3A_176] : memref<16384xf32, #tpu.memory_space<hbm>> -> memref<128xf32, #tpu.memory_space<hbm>>
      tpu.enqueue_dma source(%arg18 : memref<128xf32, #tpu.memory_space<vmem>>) target(%dma_start3A_606 : memref<128xf32, #tpu.memory_space<hbm>>) target_semaphore(%run_scoped3A : memref<!tpu.dma_semaphore, #tpu.memory_space<semaphore_mem>>)
      %dma_wait3A_607 = tpu.memref_slice %arg8[%add3A_176] : memref<16384xf32, #tpu.memory_space<hbm>> -> memref<128xf32, #tpu.memory_space<hbm>>
      %dma_wait3A_608 = tpu.memref_slice %arg8[%add3A_176] : memref<16384xf32, #tpu.memory_space<hbm>> -> memref<128xf32, #tpu.memory_space<hbm>>
      tpu.wait_dma2 semaphore(%run_scoped3A : memref<!tpu.dma_semaphore, #tpu.memory_space<semaphore_mem>>) src(%arg18 : memref<128xf32, #tpu.memory_space<vmem>>) dst(%dma_wait3A_608 : memref<128xf32, #tpu.memory_space<hbm>>)
      tpu.yield
    }) : () -> ()
    %dma_start3A_177 = arith.constant 3 : i32
    %dma_start3A_178 = arith.constant 0 : i32
    %dma_start3A_179 = tpu.memref_slice %arg9[%dma_start3A_177, %dma_start3A_178] : memref<4x128xi32, #tpu.memory_space<vmem>> -> memref<1x128xi32, #tpu.memory_space<vmem>>
    %dma_start3A_180 = tpu.memref_squeeze %dma_start3A_179 : memref<1x128xi32, #tpu.memory_space<vmem>> -> memref<128xi32, #tpu.memory_space<vmem>>
    %dma_start3A_181 = arith.constant 0 : i32
    %dma_start3A_182 = arith.constant 0 : i32
    %dma_start3A_183 = tpu.memref_slice %arg2[%dma_start3A_181, %dma_start3A_182] : memref<10000x128xf32, #tpu.memory_space<hbm>> -> memref<10000x128xf32, #tpu.memory_space<hbm>>
    tpu.enqueue_indirect_dma source(%dma_start3A_183 : memref<10000x128xf32, #tpu.memory_space<hbm>>) target(%arg11 : memref<128x128xf32, #tpu.memory_space<vmem>>) offsets(%dma_start3A_180 : memref<128xi32, #tpu.memory_space<vmem>>) semaphore(%arg19 : memref<!tpu.dma_semaphore, #tpu.memory_space<semaphore_mem>>)
    %dma_start3A_184 = arith.constant 3 : i32
    %dma_start3A_185 = arith.constant 0 : i32
    %dma_start3A_186 = tpu.memref_slice %arg10[%dma_start3A_184, %dma_start3A_185] : memref<4x128xi32, #tpu.memory_space<vmem>> -> memref<1x128xi32, #tpu.memory_space<vmem>>
    %dma_start3A_187 = tpu.memref_squeeze %dma_start3A_186 : memref<1x128xi32, #tpu.memory_space<vmem>> -> memref<128xi32, #tpu.memory_space<vmem>>
    %dma_start3A_188 = arith.constant 0 : i32
    %dma_start3A_189 = arith.constant 0 : i32
    %dma_start3A_190 = tpu.memref_slice %arg2[%dma_start3A_188, %dma_start3A_189] : memref<10000x128xf32, #tpu.memory_space<hbm>> -> memref<10000x128xf32, #tpu.memory_space<hbm>>
    tpu.enqueue_indirect_dma source(%dma_start3A_190 : memref<10000x128xf32, #tpu.memory_space<hbm>>) target(%arg12 : memref<128x128xf32, #tpu.memory_space<vmem>>) offsets(%dma_start3A_187 : memref<128xi32, #tpu.memory_space<vmem>>) semaphore(%arg20 : memref<!tpu.dma_semaphore, #tpu.memory_space<semaphore_mem>>)
    %get3A_191 = arith.constant 1 : i32
    %get3A_192 = arith.index_cast %get3A_191 : i32 to index
    %get3A_193 = arith.constant 0 : index
    %get3A_194 = tpu.vector_load %arg9[%get3A_192, %get3A_193] {strides = array<i32>} : memref<4x128xi32, #tpu.memory_space<vmem>>, vector<16xi32>,
    %add3A_195 = arith.addi %get3A_194, %broadcast_in_dim3A_1 : vector<16xi32>
    %get3A_196 = arith.constant 1 : i32
    %get3A_197 = arith.index_cast %get3A_196 : i32 to index
    %get3A_198 = arith.constant 0 : index
    %get3A_199 = tpu.vector_load %arg10[%get3A_197, %get3A_198] {strides = array<i32>} : memref<4x128xi32, #tpu.memory_space<vmem>>, vector<16xi32>,
    %add3A_200 = arith.addi %get3A_199, %broadcast_in_dim3A_1 : vector<16xi32>
    %gather3A_201 = tpu.vector_load_idx %arg17[%add3A_195] : memref<10001xf32, #tpu.memory_space<vmem>>[vector<16xi32>], vector<16xf32>,
    %gather3A_202 = tpu.vector_load_idx %arg17[%add3A_200] : memref<10001xf32, #tpu.memory_space<vmem>>[vector<16xi32>], vector<16xf32>,
    %add3A_203 = arith.addf %gather3A_201, %gather3A_202 : vector<16xf32>
    %swap3A_204 = arith.constant 0 : index
    %swap3A_205 = tpu.vector_load %arg18[%swap3A_204] {strides = array<i32>} : memref<128xf32, #tpu.memory_space<vmem>>, vector<16xf32>,
    tpu.vector_store %arg18[%swap3A_204], %add3A_203 {strides = array<i32>} : memref<128xf32, #tpu.memory_space<vmem>>, vector<16xf32>,
    %get3A_206 = arith.constant 1 : i32
    %get3A_207 = arith.index_cast %get3A_206 : i32 to index
    %get3A_208 = arith.constant 16 : index
    %get3A_209 = tpu.vector_load %arg9[%get3A_207, %get3A_208] {strides = array<i32>} : memref<4x128xi32, #tpu.memory_space<vmem>>, vector<16xi32>,
    %add3A_210 = arith.addi %get3A_209, %broadcast_in_dim3A_1 : vector<16xi32>
    %get3A_211 = arith.constant 1 : i32
    %get3A_212 = arith.index_cast %get3A_211 : i32 to index
    %get3A_213 = arith.constant 16 : index
    %get3A_214 = tpu.vector_load %arg10[%get3A_212, %get3A_213] {strides = array<i32>} : memref<4x128xi32, #tpu.memory_space<vmem>>, vector<16xi32>,
    %add3A_215 = arith.addi %get3A_214, %broadcast_in_dim3A_1 : vector<16xi32>
    %gather3A_216 = tpu.vector_load_idx %arg17[%add3A_210] : memref<10001xf32, #tpu.memory_space<vmem>>[vector<16xi32>], vector<16xf32>,
    %gather3A_217 = tpu.vector_load_idx %arg17[%add3A_215] : memref<10001xf32, #tpu.memory_space<vmem>>[vector<16xi32>], vector<16xf32>,
    %add3A_218 = arith.addf %gather3A_216, %gather3A_217 : vector<16xf32>
    %swap3A_219 = arith.constant 16 : index
    %swap3A_220 = tpu.vector_load %arg18[%swap3A_219] {strides = array<i32>} : memref<128xf32, #tpu.memory_space<vmem>>, vector<16xf32>,
    tpu.vector_store %arg18[%swap3A_219], %add3A_218 {strides = array<i32>} : memref<128xf32, #tpu.memory_space<vmem>>, vector<16xf32>,
    %get3A_221 = arith.constant 1 : i32
    %get3A_222 = arith.index_cast %get3A_221 : i32 to index
    %get3A_223 = arith.constant 32 : index
    %get3A_224 = tpu.vector_load %arg9[%get3A_222, %get3A_223] {strides = array<i32>} : memref<4x128xi32, #tpu.memory_space<vmem>>, vector<16xi32>,
    %add3A_225 = arith.addi %get3A_224, %broadcast_in_dim3A_1 : vector<16xi32>
    %get3A_226 = arith.constant 1 : i32
    %get3A_227 = arith.index_cast %get3A_226 : i32 to index
    %get3A_228 = arith.constant 32 : index
    %get3A_229 = tpu.vector_load %arg10[%get3A_227, %get3A_228] {strides = array<i32>} : memref<4x128xi32, #tpu.memory_space<vmem>>, vector<16xi32>,
    %add3A_230 = arith.addi %get3A_229, %broadcast_in_dim3A_1 : vector<16xi32>
    %gather3A_231 = tpu.vector_load_idx %arg17[%add3A_225] : memref<10001xf32, #tpu.memory_space<vmem>>[vector<16xi32>], vector<16xf32>,
    %gather3A_232 = tpu.vector_load_idx %arg17[%add3A_230] : memref<10001xf32, #tpu.memory_space<vmem>>[vector<16xi32>], vector<16xf32>,
    %add3A_233 = arith.addf %gather3A_231, %gather3A_232 : vector<16xf32>
    %swap3A_234 = arith.constant 32 : index
    %swap3A_235 = tpu.vector_load %arg18[%swap3A_234] {strides = array<i32>} : memref<128xf32, #tpu.memory_space<vmem>>, vector<16xf32>,
    tpu.vector_store %arg18[%swap3A_234], %add3A_233 {strides = array<i32>} : memref<128xf32, #tpu.memory_space<vmem>>, vector<16xf32>,
    %get3A_236 = arith.constant 1 : i32
    %get3A_237 = arith.index_cast %get3A_236 : i32 to index
    %get3A_238 = arith.constant 48 : index
    %get3A_239 = tpu.vector_load %arg9[%get3A_237, %get3A_238] {strides = array<i32>} : memref<4x128xi32, #tpu.memory_space<vmem>>, vector<16xi32>,
    %add3A_240 = arith.addi %get3A_239, %broadcast_in_dim3A_1 : vector<16xi32>
    %get3A_241 = arith.constant 1 : i32
    %get3A_242 = arith.index_cast %get3A_241 : i32 to index
    %get3A_243 = arith.constant 48 : index
    %get3A_244 = tpu.vector_load %arg10[%get3A_242, %get3A_243] {strides = array<i32>} : memref<4x128xi32, #tpu.memory_space<vmem>>, vector<16xi32>,
    %add3A_245 = arith.addi %get3A_244, %broadcast_in_dim3A_1 : vector<16xi32>
    %gather3A_246 = tpu.vector_load_idx %arg17[%add3A_240] : memref<10001xf32, #tpu.memory_space<vmem>>[vector<16xi32>], vector<16xf32>,
    %gather3A_247 = tpu.vector_load_idx %arg17[%add3A_245] : memref<10001xf32, #tpu.memory_space<vmem>>[vector<16xi32>], vector<16xf32>,
    %add3A_248 = arith.addf %gather3A_246, %gather3A_247 : vector<16xf32>
    %swap3A_249 = arith.constant 48 : index
    %swap3A_250 = tpu.vector_load %arg18[%swap3A_249] {strides = array<i32>} : memref<128xf32, #tpu.memory_space<vmem>>, vector<16xf32>,
    tpu.vector_store %arg18[%swap3A_249], %add3A_248 {strides = array<i32>} : memref<128xf32, #tpu.memory_space<vmem>>, vector<16xf32>,
    %get3A_251 = arith.constant 1 : i32
    %get3A_252 = arith.index_cast %get3A_251 : i32 to index
    %get3A_253 = arith.constant 64 : index
    %get3A_254 = tpu.vector_load %arg9[%get3A_252, %get3A_253] {strides = array<i32>} : memref<4x128xi32, #tpu.memory_space<vmem>>, vector<16xi32>,
    %add3A_255 = arith.addi %get3A_254, %broadcast_in_dim3A_1 : vector<16xi32>
    %get3A_256 = arith.constant 1 : i32
    %get3A_257 = arith.index_cast %get3A_256 : i32 to index
    %get3A_258 = arith.constant 64 : index
    %get3A_259 = tpu.vector_load %arg10[%get3A_257, %get3A_258] {strides = array<i32>} : memref<4x128xi32, #tpu.memory_space<vmem>>, vector<16xi32>,
    %add3A_260 = arith.addi %get3A_259, %broadcast_in_dim3A_1 : vector<16xi32>
    %gather3A_261 = tpu.vector_load_idx %arg17[%add3A_255] : memref<10001xf32, #tpu.memory_space<vmem>>[vector<16xi32>], vector<16xf32>,
    %gather3A_262 = tpu.vector_load_idx %arg17[%add3A_260] : memref<10001xf32, #tpu.memory_space<vmem>>[vector<16xi32>], vector<16xf32>,
    %add3A_263 = arith.addf %gather3A_261, %gather3A_262 : vector<16xf32>
    %swap3A_264 = arith.constant 64 : index
    %swap3A_265 = tpu.vector_load %arg18[%swap3A_264] {strides = array<i32>} : memref<128xf32, #tpu.memory_space<vmem>>, vector<16xf32>,
    tpu.vector_store %arg18[%swap3A_264], %add3A_263 {strides = array<i32>} : memref<128xf32, #tpu.memory_space<vmem>>, vector<16xf32>,
    %get3A_266 = arith.constant 1 : i32
    %get3A_267 = arith.index_cast %get3A_266 : i32 to index
    %get3A_268 = arith.constant 80 : index
    %get3A_269 = tpu.vector_load %arg9[%get3A_267, %get3A_268] {strides = array<i32>} : memref<4x128xi32, #tpu.memory_space<vmem>>, vector<16xi32>,
    %add3A_270 = arith.addi %get3A_269, %broadcast_in_dim3A_1 : vector<16xi32>
    %get3A_271 = arith.constant 1 : i32
    %get3A_272 = arith.index_cast %get3A_271 : i32 to index
    %get3A_273 = arith.constant 80 : index
    %get3A_274 = tpu.vector_load %arg10[%get3A_272, %get3A_273] {strides = array<i32>} : memref<4x128xi32, #tpu.memory_space<vmem>>, vector<16xi32>,
    %add3A_275 = arith.addi %get3A_274, %broadcast_in_dim3A_1 : vector<16xi32>
    %gather3A_276 = tpu.vector_load_idx %arg17[%add3A_270] : memref<10001xf32, #tpu.memory_space<vmem>>[vector<16xi32>], vector<16xf32>,
    %gather3A_277 = tpu.vector_load_idx %arg17[%add3A_275] : memref<10001xf32, #tpu.memory_space<vmem>>[vector<16xi32>], vector<16xf32>,
    %add3A_278 = arith.addf %gather3A_276, %gather3A_277 : vector<16xf32>
    %swap3A_279 = arith.constant 80 : index
    %swap3A_280 = tpu.vector_load %arg18[%swap3A_279] {strides = array<i32>} : memref<128xf32, #tpu.memory_space<vmem>>, vector<16xf32>,
    tpu.vector_store %arg18[%swap3A_279], %add3A_278 {strides = array<i32>} : memref<128xf32, #tpu.memory_space<vmem>>, vector<16xf32>,
    %get3A_281 = arith.constant 1 : i32
    %get3A_282 = arith.index_cast %get3A_281 : i32 to index
    %get3A_283 = arith.constant 96 : index
    %get3A_284 = tpu.vector_load %arg9[%get3A_282, %get3A_283] {strides = array<i32>} : memref<4x128xi32, #tpu.memory_space<vmem>>, vector<16xi32>,
    %add3A_285 = arith.addi %get3A_284, %broadcast_in_dim3A_1 : vector<16xi32>
    %get3A_286 = arith.constant 1 : i32
    %get3A_287 = arith.index_cast %get3A_286 : i32 to index
    %get3A_288 = arith.constant 96 : index
    %get3A_289 = tpu.vector_load %arg10[%get3A_287, %get3A_288] {strides = array<i32>} : memref<4x128xi32, #tpu.memory_space<vmem>>, vector<16xi32>,
    %add3A_290 = arith.addi %get3A_289, %broadcast_in_dim3A_1 : vector<16xi32>
    %gather3A_291 = tpu.vector_load_idx %arg17[%add3A_285] : memref<10001xf32, #tpu.memory_space<vmem>>[vector<16xi32>], vector<16xf32>,
    %gather3A_292 = tpu.vector_load_idx %arg17[%add3A_290] : memref<10001xf32, #tpu.memory_space<vmem>>[vector<16xi32>], vector<16xf32>,
    %add3A_293 = arith.addf %gather3A_291, %gather3A_292 : vector<16xf32>
    %swap3A_294 = arith.constant 96 : index
    %swap3A_295 = tpu.vector_load %arg18[%swap3A_294] {strides = array<i32>} : memref<128xf32, #tpu.memory_space<vmem>>, vector<16xf32>,
    tpu.vector_store %arg18[%swap3A_294], %add3A_293 {strides = array<i32>} : memref<128xf32, #tpu.memory_space<vmem>>, vector<16xf32>,
    %get3A_296 = arith.constant 1 : i32
    %get3A_297 = arith.index_cast %get3A_296 : i32 to index
    %get3A_298 = arith.constant 112 : index
    %get3A_299 = tpu.vector_load %arg9[%get3A_297, %get3A_298] {strides = array<i32>} : memref<4x128xi32, #tpu.memory_space<vmem>>, vector<16xi32>,
    %add3A_300 = arith.addi %get3A_299, %broadcast_in_dim3A_1 : vector<16xi32>
    %get3A_301 = arith.constant 1 : i32
    %get3A_302 = arith.index_cast %get3A_301 : i32 to index
    %get3A_303 = arith.constant 112 : index
    %get3A_304 = tpu.vector_load %arg10[%get3A_302, %get3A_303] {strides = array<i32>} : memref<4x128xi32, #tpu.memory_space<vmem>>, vector<16xi32>,
    %add3A_305 = arith.addi %get3A_304, %broadcast_in_dim3A_1 : vector<16xi32>
    %gather3A_306 = tpu.vector_load_idx %arg17[%add3A_300] : memref<10001xf32, #tpu.memory_space<vmem>>[vector<16xi32>], vector<16xf32>,
    %gather3A_307 = tpu.vector_load_idx %arg17[%add3A_305] : memref<10001xf32, #tpu.memory_space<vmem>>[vector<16xi32>], vector<16xf32>,
    %add3A_308 = arith.addf %gather3A_306, %gather3A_307 : vector<16xf32>
    %swap3A_309 = arith.constant 112 : index
    %swap3A_310 = tpu.vector_load %arg18[%swap3A_309] {strides = array<i32>} : memref<128xf32, #tpu.memory_space<vmem>>, vector<16xf32>,
    tpu.vector_store %arg18[%swap3A_309], %add3A_308 {strides = array<i32>} : memref<128xf32, #tpu.memory_space<vmem>>, vector<16xf32>,
    %dma_wait3A_311 = arith.constant 0 : i32
    %dma_wait3A_312 = arith.constant 0 : i32
    %dma_wait3A_313 = tpu.memref_slice %arg9[%dma_wait3A_311, %dma_wait3A_312] : memref<4x128xi32, #tpu.memory_space<vmem>> -> memref<1x128xi32, #tpu.memory_space<vmem>>
    %dma_wait3A_314 = tpu.memref_squeeze %dma_wait3A_313 : memref<1x128xi32, #tpu.memory_space<vmem>> -> memref<128xi32, #tpu.memory_space<vmem>>
    %dma_wait3A_315 = arith.constant 0 : i32
    %dma_wait3A_316 = arith.constant 0 : i32
    %dma_wait3A_317 = tpu.memref_slice %arg2[%dma_wait3A_315, %dma_wait3A_316] : memref<10000x128xf32, #tpu.memory_space<hbm>> -> memref<10000x128xf32, #tpu.memory_space<hbm>>
    tpu.wait_indirect_dma semaphore(%arg21 : memref<!tpu.dma_semaphore, #tpu.memory_space<semaphore_mem>>) src(%dma_wait3A_317 : memref<10000x128xf32, #tpu.memory_space<hbm>>) dst(%arg13 : memref<128x128xf32, #tpu.memory_space<vmem>>)
    %dma_wait3A_318 = arith.constant 0 : i32
    %dma_wait3A_319 = arith.constant 0 : i32
    %dma_wait3A_320 = tpu.memref_slice %arg10[%dma_wait3A_318, %dma_wait3A_319] : memref<4x128xi32, #tpu.memory_space<vmem>> -> memref<1x128xi32, #tpu.memory_space<vmem>>
    %dma_wait3A_321 = tpu.memref_squeeze %dma_wait3A_320 : memref<1x128xi32, #tpu.memory_space<vmem>> -> memref<128xi32, #tpu.memory_space<vmem>>
    %dma_wait3A_322 = arith.constant 0 : i32
    %dma_wait3A_323 = arith.constant 0 : i32
    %dma_wait3A_324 = tpu.memref_slice %arg2[%dma_wait3A_322, %dma_wait3A_323] : memref<10000x128xf32, #tpu.memory_space<hbm>> -> memref<10000x128xf32, #tpu.memory_space<hbm>>
    tpu.wait_indirect_dma semaphore(%arg22 : memref<!tpu.dma_semaphore, #tpu.memory_space<semaphore_mem>>) src(%dma_wait3A_324 : memref<10000x128xf32, #tpu.memory_space<hbm>>) dst(%arg14 : memref<128x128xf32, #tpu.memory_space<vmem>>)
    %mul3A_325 = arith.constant 512 : i32
    %mul3A_326 = arith.muli %add3A, %mul3A_325 : i32
    %add3A_327 = arith.constant 128 : i32
    %add3A_328 = arith.addi %mul3A_326, %add3A_327 : i32
    "tpu.region"() ({
      %run_scoped3A = tpu.sem_alloc : memref<!tpu.dma_semaphore, #tpu.memory_space<semaphore_mem>>
      %dma_start3A_605 = arith.constant 0 : i32
      %dma_start3A_606 = tpu.memref_slice %arg6[%add3A_328, %dma_start3A_605] : memref<16384x128xf32, #tpu.memory_space<hbm>> -> memref<128x128xf32, #tpu.memory_space<hbm>>
      %dma_start3A_607 = arith.constant 0 : i32
      %dma_start3A_608 = tpu.memref_slice %arg6[%add3A_328, %dma_start3A_607] : memref<16384x128xf32, #tpu.memory_space<hbm>> -> memref<128x128xf32, #tpu.memory_space<hbm>>
      tpu.enqueue_dma source(%arg13 : memref<128x128xf32, #tpu.memory_space<vmem>>) target(%dma_start3A_608 : memref<128x128xf32, #tpu.memory_space<hbm>>) target_semaphore(%run_scoped3A : memref<!tpu.dma_semaphore, #tpu.memory_space<semaphore_mem>>)
      %dma_wait3A_609 = arith.constant 0 : i32
      %dma_wait3A_610 = tpu.memref_slice %arg6[%add3A_328, %dma_wait3A_609] : memref<16384x128xf32, #tpu.memory_space<hbm>> -> memref<128x128xf32, #tpu.memory_space<hbm>>
      %dma_wait3A_611 = arith.constant 0 : i32
      %dma_wait3A_612 = tpu.memref_slice %arg6[%add3A_328, %dma_wait3A_611] : memref<16384x128xf32, #tpu.memory_space<hbm>> -> memref<128x128xf32, #tpu.memory_space<hbm>>
      tpu.wait_dma2 semaphore(%run_scoped3A : memref<!tpu.dma_semaphore, #tpu.memory_space<semaphore_mem>>) src(%arg13 : memref<128x128xf32, #tpu.memory_space<vmem>>) dst(%dma_wait3A_612 : memref<128x128xf32, #tpu.memory_space<hbm>>)
      tpu.yield
    }) : () -> ()
    "tpu.region"() ({
      %run_scoped3A = tpu.sem_alloc : memref<!tpu.dma_semaphore, #tpu.memory_space<semaphore_mem>>
      %dma_start3A_605 = arith.constant 0 : i32
      %dma_start3A_606 = tpu.memref_slice %arg7[%add3A_328, %dma_start3A_605] : memref<16384x128xf32, #tpu.memory_space<hbm>> -> memref<128x128xf32, #tpu.memory_space<hbm>>
      %dma_start3A_607 = arith.constant 0 : i32
      %dma_start3A_608 = tpu.memref_slice %arg7[%add3A_328, %dma_start3A_607] : memref<16384x128xf32, #tpu.memory_space<hbm>> -> memref<128x128xf32, #tpu.memory_space<hbm>>
      tpu.enqueue_dma source(%arg14 : memref<128x128xf32, #tpu.memory_space<vmem>>) target(%dma_start3A_608 : memref<128x128xf32, #tpu.memory_space<hbm>>) target_semaphore(%run_scoped3A : memref<!tpu.dma_semaphore, #tpu.memory_space<semaphore_mem>>)
      %dma_wait3A_609 = arith.constant 0 : i32
      %dma_wait3A_610 = tpu.memref_slice %arg7[%add3A_328, %dma_wait3A_609] : memref<16384x128xf32, #tpu.memory_space<hbm>> -> memref<128x128xf32, #tpu.memory_space<hbm>>
      %dma_wait3A_611 = arith.constant 0 : i32
      %dma_wait3A_612 = tpu.memref_slice %arg7[%add3A_328, %dma_wait3A_611] : memref<16384x128xf32, #tpu.memory_space<hbm>> -> memref<128x128xf32, #tpu.memory_space<hbm>>
      tpu.wait_dma2 semaphore(%run_scoped3A : memref<!tpu.dma_semaphore, #tpu.memory_space<semaphore_mem>>) src(%arg14 : memref<128x128xf32, #tpu.memory_space<vmem>>) dst(%dma_wait3A_612 : memref<128x128xf32, #tpu.memory_space<hbm>>)
      tpu.yield
    }) : () -> ()
    "tpu.region"() ({
      %run_scoped3A = tpu.sem_alloc : memref<!tpu.dma_semaphore, #tpu.memory_space<semaphore_mem>>
      %dma_start3A_605 = tpu.memref_slice %arg8[%add3A_328] : memref<16384xf32, #tpu.memory_space<hbm>> -> memref<128xf32, #tpu.memory_space<hbm>>
      %dma_start3A_606 = tpu.memref_slice %arg8[%add3A_328] : memref<16384xf32, #tpu.memory_space<hbm>> -> memref<128xf32, #tpu.memory_space<hbm>>
      tpu.enqueue_dma source(%arg18 : memref<128xf32, #tpu.memory_space<vmem>>) target(%dma_start3A_606 : memref<128xf32, #tpu.memory_space<hbm>>) target_semaphore(%run_scoped3A : memref<!tpu.dma_semaphore, #tpu.memory_space<semaphore_mem>>)
      %dma_wait3A_607 = tpu.memref_slice %arg8[%add3A_328] : memref<16384xf32, #tpu.memory_space<hbm>> -> memref<128xf32, #tpu.memory_space<hbm>>
      %dma_wait3A_608 = tpu.memref_slice %arg8[%add3A_328] : memref<16384xf32, #tpu.memory_space<hbm>> -> memref<128xf32, #tpu.memory_space<hbm>>
      tpu.wait_dma2 semaphore(%run_scoped3A : memref<!tpu.dma_semaphore, #tpu.memory_space<semaphore_mem>>) src(%arg18 : memref<128xf32, #tpu.memory_space<vmem>>) dst(%dma_wait3A_608 : memref<128xf32, #tpu.memory_space<hbm>>)
      tpu.yield
    }) : () -> ()
    %get3A_329 = arith.constant 2 : i32
    %get3A_330 = arith.index_cast %get3A_329 : i32 to index
    %get3A_331 = arith.constant 0 : index
    %get3A_332 = tpu.vector_load %arg9[%get3A_330, %get3A_331] {strides = array<i32>} : memref<4x128xi32, #tpu.memory_space<vmem>>, vector<16xi32>,
    %add3A_333 = arith.addi %get3A_332, %broadcast_in_dim3A_1 : vector<16xi32>
    %get3A_334 = arith.constant 2 : i32
    %get3A_335 = arith.index_cast %get3A_334 : i32 to index
    %get3A_336 = arith.constant 0 : index
    %get3A_337 = tpu.vector_load %arg10[%get3A_335, %get3A_336] {strides = array<i32>} : memref<4x128xi32, #tpu.memory_space<vmem>>, vector<16xi32>,
    %add3A_338 = arith.addi %get3A_337, %broadcast_in_dim3A_1 : vector<16xi32>
    %gather3A_339 = tpu.vector_load_idx %arg17[%add3A_333] : memref<10001xf32, #tpu.memory_space<vmem>>[vector<16xi32>], vector<16xf32>,
    %gather3A_340 = tpu.vector_load_idx %arg17[%add3A_338] : memref<10001xf32, #tpu.memory_space<vmem>>[vector<16xi32>], vector<16xf32>,
    %add3A_341 = arith.addf %gather3A_339, %gather3A_340 : vector<16xf32>
    %swap3A_342 = arith.constant 0 : index
    %swap3A_343 = tpu.vector_load %arg18[%swap3A_342] {strides = array<i32>} : memref<128xf32, #tpu.memory_space<vmem>>, vector<16xf32>,
    tpu.vector_store %arg18[%swap3A_342], %add3A_341 {strides = array<i32>} : memref<128xf32, #tpu.memory_space<vmem>>, vector<16xf32>,
    %get3A_344 = arith.constant 2 : i32
    %get3A_345 = arith.index_cast %get3A_344 : i32 to index
    %get3A_346 = arith.constant 16 : index
    %get3A_347 = tpu.vector_load %arg9[%get3A_345, %get3A_346] {strides = array<i32>} : memref<4x128xi32, #tpu.memory_space<vmem>>, vector<16xi32>,
    %add3A_348 = arith.addi %get3A_347, %broadcast_in_dim3A_1 : vector<16xi32>
    %get3A_349 = arith.constant 2 : i32
    %get3A_350 = arith.index_cast %get3A_349 : i32 to index
    %get3A_351 = arith.constant 16 : index
    %get3A_352 = tpu.vector_load %arg10[%get3A_350, %get3A_351] {strides = array<i32>} : memref<4x128xi32, #tpu.memory_space<vmem>>, vector<16xi32>,
    %add3A_353 = arith.addi %get3A_352, %broadcast_in_dim3A_1 : vector<16xi32>
    %gather3A_354 = tpu.vector_load_idx %arg17[%add3A_348] : memref<10001xf32, #tpu.memory_space<vmem>>[vector<16xi32>], vector<16xf32>,
    %gather3A_355 = tpu.vector_load_idx %arg17[%add3A_353] : memref<10001xf32, #tpu.memory_space<vmem>>[vector<16xi32>], vector<16xf32>,
    %add3A_356 = arith.addf %gather3A_354, %gather3A_355 : vector<16xf32>
    %swap3A_357 = arith.constant 16 : index
    %swap3A_358 = tpu.vector_load %arg18[%swap3A_357] {strides = array<i32>} : memref<128xf32, #tpu.memory_space<vmem>>, vector<16xf32>,
    tpu.vector_store %arg18[%swap3A_357], %add3A_356 {strides = array<i32>} : memref<128xf32, #tpu.memory_space<vmem>>, vector<16xf32>,
    %get3A_359 = arith.constant 2 : i32
    %get3A_360 = arith.index_cast %get3A_359 : i32 to index
    %get3A_361 = arith.constant 32 : index
    %get3A_362 = tpu.vector_load %arg9[%get3A_360, %get3A_361] {strides = array<i32>} : memref<4x128xi32, #tpu.memory_space<vmem>>, vector<16xi32>,
    %add3A_363 = arith.addi %get3A_362, %broadcast_in_dim3A_1 : vector<16xi32>
    %get3A_364 = arith.constant 2 : i32
    %get3A_365 = arith.index_cast %get3A_364 : i32 to index
    %get3A_366 = arith.constant 32 : index
    %get3A_367 = tpu.vector_load %arg10[%get3A_365, %get3A_366] {strides = array<i32>} : memref<4x128xi32, #tpu.memory_space<vmem>>, vector<16xi32>,
    %add3A_368 = arith.addi %get3A_367, %broadcast_in_dim3A_1 : vector<16xi32>
    %gather3A_369 = tpu.vector_load_idx %arg17[%add3A_363] : memref<10001xf32, #tpu.memory_space<vmem>>[vector<16xi32>], vector<16xf32>,
    %gather3A_370 = tpu.vector_load_idx %arg17[%add3A_368] : memref<10001xf32, #tpu.memory_space<vmem>>[vector<16xi32>], vector<16xf32>,
    %add3A_371 = arith.addf %gather3A_369, %gather3A_370 : vector<16xf32>
    %swap3A_372 = arith.constant 32 : index
    %swap3A_373 = tpu.vector_load %arg18[%swap3A_372] {strides = array<i32>} : memref<128xf32, #tpu.memory_space<vmem>>, vector<16xf32>,
    tpu.vector_store %arg18[%swap3A_372], %add3A_371 {strides = array<i32>} : memref<128xf32, #tpu.memory_space<vmem>>, vector<16xf32>,
    %get3A_374 = arith.constant 2 : i32
    %get3A_375 = arith.index_cast %get3A_374 : i32 to index
    %get3A_376 = arith.constant 48 : index
    %get3A_377 = tpu.vector_load %arg9[%get3A_375, %get3A_376] {strides = array<i32>} : memref<4x128xi32, #tpu.memory_space<vmem>>, vector<16xi32>,
    %add3A_378 = arith.addi %get3A_377, %broadcast_in_dim3A_1 : vector<16xi32>
    %get3A_379 = arith.constant 2 : i32
    %get3A_380 = arith.index_cast %get3A_379 : i32 to index
    %get3A_381 = arith.constant 48 : index
    %get3A_382 = tpu.vector_load %arg10[%get3A_380, %get3A_381] {strides = array<i32>} : memref<4x128xi32, #tpu.memory_space<vmem>>, vector<16xi32>,
    %add3A_383 = arith.addi %get3A_382, %broadcast_in_dim3A_1 : vector<16xi32>
    %gather3A_384 = tpu.vector_load_idx %arg17[%add3A_378] : memref<10001xf32, #tpu.memory_space<vmem>>[vector<16xi32>], vector<16xf32>,
    %gather3A_385 = tpu.vector_load_idx %arg17[%add3A_383] : memref<10001xf32, #tpu.memory_space<vmem>>[vector<16xi32>], vector<16xf32>,
    %add3A_386 = arith.addf %gather3A_384, %gather3A_385 : vector<16xf32>
    %swap3A_387 = arith.constant 48 : index
    %swap3A_388 = tpu.vector_load %arg18[%swap3A_387] {strides = array<i32>} : memref<128xf32, #tpu.memory_space<vmem>>, vector<16xf32>,
    tpu.vector_store %arg18[%swap3A_387], %add3A_386 {strides = array<i32>} : memref<128xf32, #tpu.memory_space<vmem>>, vector<16xf32>,
    %get3A_389 = arith.constant 2 : i32
    %get3A_390 = arith.index_cast %get3A_389 : i32 to index
    %get3A_391 = arith.constant 64 : index
    %get3A_392 = tpu.vector_load %arg9[%get3A_390, %get3A_391] {strides = array<i32>} : memref<4x128xi32, #tpu.memory_space<vmem>>, vector<16xi32>,
    %add3A_393 = arith.addi %get3A_392, %broadcast_in_dim3A_1 : vector<16xi32>
    %get3A_394 = arith.constant 2 : i32
    %get3A_395 = arith.index_cast %get3A_394 : i32 to index
    %get3A_396 = arith.constant 64 : index
    %get3A_397 = tpu.vector_load %arg10[%get3A_395, %get3A_396] {strides = array<i32>} : memref<4x128xi32, #tpu.memory_space<vmem>>, vector<16xi32>,
    %add3A_398 = arith.addi %get3A_397, %broadcast_in_dim3A_1 : vector<16xi32>
    %gather3A_399 = tpu.vector_load_idx %arg17[%add3A_393] : memref<10001xf32, #tpu.memory_space<vmem>>[vector<16xi32>], vector<16xf32>,
    %gather3A_400 = tpu.vector_load_idx %arg17[%add3A_398] : memref<10001xf32, #tpu.memory_space<vmem>>[vector<16xi32>], vector<16xf32>,
    %add3A_401 = arith.addf %gather3A_399, %gather3A_400 : vector<16xf32>
    %swap3A_402 = arith.constant 64 : index
    %swap3A_403 = tpu.vector_load %arg18[%swap3A_402] {strides = array<i32>} : memref<128xf32, #tpu.memory_space<vmem>>, vector<16xf32>,
    tpu.vector_store %arg18[%swap3A_402], %add3A_401 {strides = array<i32>} : memref<128xf32, #tpu.memory_space<vmem>>, vector<16xf32>,
    %get3A_404 = arith.constant 2 : i32
    %get3A_405 = arith.index_cast %get3A_404 : i32 to index
    %get3A_406 = arith.constant 80 : index
    %get3A_407 = tpu.vector_load %arg9[%get3A_405, %get3A_406] {strides = array<i32>} : memref<4x128xi32, #tpu.memory_space<vmem>>, vector<16xi32>,
    %add3A_408 = arith.addi %get3A_407, %broadcast_in_dim3A_1 : vector<16xi32>
    %get3A_409 = arith.constant 2 : i32
    %get3A_410 = arith.index_cast %get3A_409 : i32 to index
    %get3A_411 = arith.constant 80 : index
    %get3A_412 = tpu.vector_load %arg10[%get3A_410, %get3A_411] {strides = array<i32>} : memref<4x128xi32, #tpu.memory_space<vmem>>, vector<16xi32>,
    %add3A_413 = arith.addi %get3A_412, %broadcast_in_dim3A_1 : vector<16xi32>
    %gather3A_414 = tpu.vector_load_idx %arg17[%add3A_408] : memref<10001xf32, #tpu.memory_space<vmem>>[vector<16xi32>], vector<16xf32>,
    %gather3A_415 = tpu.vector_load_idx %arg17[%add3A_413] : memref<10001xf32, #tpu.memory_space<vmem>>[vector<16xi32>], vector<16xf32>,
    %add3A_416 = arith.addf %gather3A_414, %gather3A_415 : vector<16xf32>
    %swap3A_417 = arith.constant 80 : index
    %swap3A_418 = tpu.vector_load %arg18[%swap3A_417] {strides = array<i32>} : memref<128xf32, #tpu.memory_space<vmem>>, vector<16xf32>,
    tpu.vector_store %arg18[%swap3A_417], %add3A_416 {strides = array<i32>} : memref<128xf32, #tpu.memory_space<vmem>>, vector<16xf32>,
    %get3A_419 = arith.constant 2 : i32
    %get3A_420 = arith.index_cast %get3A_419 : i32 to index
    %get3A_421 = arith.constant 96 : index
    %get3A_422 = tpu.vector_load %arg9[%get3A_420, %get3A_421] {strides = array<i32>} : memref<4x128xi32, #tpu.memory_space<vmem>>, vector<16xi32>,
    %add3A_423 = arith.addi %get3A_422, %broadcast_in_dim3A_1 : vector<16xi32>
    %get3A_424 = arith.constant 2 : i32
    %get3A_425 = arith.index_cast %get3A_424 : i32 to index
    %get3A_426 = arith.constant 96 : index
    %get3A_427 = tpu.vector_load %arg10[%get3A_425, %get3A_426] {strides = array<i32>} : memref<4x128xi32, #tpu.memory_space<vmem>>, vector<16xi32>,
    %add3A_428 = arith.addi %get3A_427, %broadcast_in_dim3A_1 : vector<16xi32>
    %gather3A_429 = tpu.vector_load_idx %arg17[%add3A_423] : memref<10001xf32, #tpu.memory_space<vmem>>[vector<16xi32>], vector<16xf32>,
    %gather3A_430 = tpu.vector_load_idx %arg17[%add3A_428] : memref<10001xf32, #tpu.memory_space<vmem>>[vector<16xi32>], vector<16xf32>,
    %add3A_431 = arith.addf %gather3A_429, %gather3A_430 : vector<16xf32>
    %swap3A_432 = arith.constant 96 : index
    %swap3A_433 = tpu.vector_load %arg18[%swap3A_432] {strides = array<i32>} : memref<128xf32, #tpu.memory_space<vmem>>, vector<16xf32>,
    tpu.vector_store %arg18[%swap3A_432], %add3A_431 {strides = array<i32>} : memref<128xf32, #tpu.memory_space<vmem>>, vector<16xf32>,
    %get3A_434 = arith.constant 2 : i32
    %get3A_435 = arith.index_cast %get3A_434 : i32 to index
    %get3A_436 = arith.constant 112 : index
    %get3A_437 = tpu.vector_load %arg9[%get3A_435, %get3A_436] {strides = array<i32>} : memref<4x128xi32, #tpu.memory_space<vmem>>, vector<16xi32>,
    %add3A_438 = arith.addi %get3A_437, %broadcast_in_dim3A_1 : vector<16xi32>
    %get3A_439 = arith.constant 2 : i32
    %get3A_440 = arith.index_cast %get3A_439 : i32 to index
    %get3A_441 = arith.constant 112 : index
    %get3A_442 = tpu.vector_load %arg10[%get3A_440, %get3A_441] {strides = array<i32>} : memref<4x128xi32, #tpu.memory_space<vmem>>, vector<16xi32>,
    %add3A_443 = arith.addi %get3A_442, %broadcast_in_dim3A_1 : vector<16xi32>
    %gather3A_444 = tpu.vector_load_idx %arg17[%add3A_438] : memref<10001xf32, #tpu.memory_space<vmem>>[vector<16xi32>], vector<16xf32>,
    %gather3A_445 = tpu.vector_load_idx %arg17[%add3A_443] : memref<10001xf32, #tpu.memory_space<vmem>>[vector<16xi32>], vector<16xf32>,
    %add3A_446 = arith.addf %gather3A_444, %gather3A_445 : vector<16xf32>
    %swap3A_447 = arith.constant 112 : index
    %swap3A_448 = tpu.vector_load %arg18[%swap3A_447] {strides = array<i32>} : memref<128xf32, #tpu.memory_space<vmem>>, vector<16xf32>,
    tpu.vector_store %arg18[%swap3A_447], %add3A_446 {strides = array<i32>} : memref<128xf32, #tpu.memory_space<vmem>>, vector<16xf32>,
    %dma_wait3A_449 = arith.constant 0 : i32
    %dma_wait3A_450 = arith.constant 0 : i32
    %dma_wait3A_451 = tpu.memref_slice %arg9[%dma_wait3A_449, %dma_wait3A_450] : memref<4x128xi32, #tpu.memory_space<vmem>> -> memref<1x128xi32, #tpu.memory_space<vmem>>
    %dma_wait3A_452 = tpu.memref_squeeze %dma_wait3A_451 : memref<1x128xi32, #tpu.memory_space<vmem>> -> memref<128xi32, #tpu.memory_space<vmem>>
    %dma_wait3A_453 = arith.constant 0 : i32
    %dma_wait3A_454 = arith.constant 0 : i32
    %dma_wait3A_455 = tpu.memref_slice %arg2[%dma_wait3A_453, %dma_wait3A_454] : memref<10000x128xf32, #tpu.memory_space<hbm>> -> memref<10000x128xf32, #tpu.memory_space<hbm>>
    tpu.wait_indirect_dma semaphore(%arg23 : memref<!tpu.dma_semaphore, #tpu.memory_space<semaphore_mem>>) src(%dma_wait3A_455 : memref<10000x128xf32, #tpu.memory_space<hbm>>) dst(%arg15 : memref<128x128xf32, #tpu.memory_space<vmem>>)
    %dma_wait3A_456 = arith.constant 0 : i32
    %dma_wait3A_457 = arith.constant 0 : i32
    %dma_wait3A_458 = tpu.memref_slice %arg10[%dma_wait3A_456, %dma_wait3A_457] : memref<4x128xi32, #tpu.memory_space<vmem>> -> memref<1x128xi32, #tpu.memory_space<vmem>>
    %dma_wait3A_459 = tpu.memref_squeeze %dma_wait3A_458 : memref<1x128xi32, #tpu.memory_space<vmem>> -> memref<128xi32, #tpu.memory_space<vmem>>
    %dma_wait3A_460 = arith.constant 0 : i32
    %dma_wait3A_461 = arith.constant 0 : i32
    %dma_wait3A_462 = tpu.memref_slice %arg2[%dma_wait3A_460, %dma_wait3A_461] : memref<10000x128xf32, #tpu.memory_space<hbm>> -> memref<10000x128xf32, #tpu.memory_space<hbm>>
    tpu.wait_indirect_dma semaphore(%arg24 : memref<!tpu.dma_semaphore, #tpu.memory_space<semaphore_mem>>) src(%dma_wait3A_462 : memref<10000x128xf32, #tpu.memory_space<hbm>>) dst(%arg16 : memref<128x128xf32, #tpu.memory_space<vmem>>)
    %mul3A_463 = arith.constant 512 : i32
    %mul3A_464 = arith.muli %add3A, %mul3A_463 : i32
    %add3A_465 = arith.constant 256 : i32
    %add3A_466 = arith.addi %mul3A_464, %add3A_465 : i32
    "tpu.region"() ({
      %run_scoped3A = tpu.sem_alloc : memref<!tpu.dma_semaphore, #tpu.memory_space<semaphore_mem>>
      %dma_start3A_605 = arith.constant 0 : i32
      %dma_start3A_606 = tpu.memref_slice %arg6[%add3A_466, %dma_start3A_605] : memref<16384x128xf32, #tpu.memory_space<hbm>> -> memref<128x128xf32, #tpu.memory_space<hbm>>
      %dma_start3A_607 = arith.constant 0 : i32
      %dma_start3A_608 = tpu.memref_slice %arg6[%add3A_466, %dma_start3A_607] : memref<16384x128xf32, #tpu.memory_space<hbm>> -> memref<128x128xf32, #tpu.memory_space<hbm>>
      tpu.enqueue_dma source(%arg15 : memref<128x128xf32, #tpu.memory_space<vmem>>) target(%dma_start3A_608 : memref<128x128xf32, #tpu.memory_space<hbm>>) target_semaphore(%run_scoped3A : memref<!tpu.dma_semaphore, #tpu.memory_space<semaphore_mem>>)
      %dma_wait3A_609 = arith.constant 0 : i32
      %dma_wait3A_610 = tpu.memref_slice %arg6[%add3A_466, %dma_wait3A_609] : memref<16384x128xf32, #tpu.memory_space<hbm>> -> memref<128x128xf32, #tpu.memory_space<hbm>>
      %dma_wait3A_611 = arith.constant 0 : i32
      %dma_wait3A_612 = tpu.memref_slice %arg6[%add3A_466, %dma_wait3A_611] : memref<16384x128xf32, #tpu.memory_space<hbm>> -> memref<128x128xf32, #tpu.memory_space<hbm>>
      tpu.wait_dma2 semaphore(%run_scoped3A : memref<!tpu.dma_semaphore, #tpu.memory_space<semaphore_mem>>) src(%arg15 : memref<128x128xf32, #tpu.memory_space<vmem>>) dst(%dma_wait3A_612 : memref<128x128xf32, #tpu.memory_space<hbm>>)
      tpu.yield
    }) : () -> ()
    "tpu.region"() ({
      %run_scoped3A = tpu.sem_alloc : memref<!tpu.dma_semaphore, #tpu.memory_space<semaphore_mem>>
      %dma_start3A_605 = arith.constant 0 : i32
      %dma_start3A_606 = tpu.memref_slice %arg7[%add3A_466, %dma_start3A_605] : memref<16384x128xf32, #tpu.memory_space<hbm>> -> memref<128x128xf32, #tpu.memory_space<hbm>>
      %dma_start3A_607 = arith.constant 0 : i32
      %dma_start3A_608 = tpu.memref_slice %arg7[%add3A_466, %dma_start3A_607] : memref<16384x128xf32, #tpu.memory_space<hbm>> -> memref<128x128xf32, #tpu.memory_space<hbm>>
      tpu.enqueue_dma source(%arg16 : memref<128x128xf32, #tpu.memory_space<vmem>>) target(%dma_start3A_608 : memref<128x128xf32, #tpu.memory_space<hbm>>) target_semaphore(%run_scoped3A : memref<!tpu.dma_semaphore, #tpu.memory_space<semaphore_mem>>)
      %dma_wait3A_609 = arith.constant 0 : i32
      %dma_wait3A_610 = tpu.memref_slice %arg7[%add3A_466, %dma_wait3A_609] : memref<16384x128xf32, #tpu.memory_space<hbm>> -> memref<128x128xf32, #tpu.memory_space<hbm>>
      %dma_wait3A_611 = arith.constant 0 : i32
      %dma_wait3A_612 = tpu.memref_slice %arg7[%add3A_466, %dma_wait3A_611] : memref<16384x128xf32, #tpu.memory_space<hbm>> -> memref<128x128xf32, #tpu.memory_space<hbm>>
      tpu.wait_dma2 semaphore(%run_scoped3A : memref<!tpu.dma_semaphore, #tpu.memory_space<semaphore_mem>>) src(%arg16 : memref<128x128xf32, #tpu.memory_space<vmem>>) dst(%dma_wait3A_612 : memref<128x128xf32, #tpu.memory_space<hbm>>)
      tpu.yield
    }) : () -> ()
    "tpu.region"() ({
      %run_scoped3A = tpu.sem_alloc : memref<!tpu.dma_semaphore, #tpu.memory_space<semaphore_mem>>
      %dma_start3A_605 = tpu.memref_slice %arg8[%add3A_466] : memref<16384xf32, #tpu.memory_space<hbm>> -> memref<128xf32, #tpu.memory_space<hbm>>
      %dma_start3A_606 = tpu.memref_slice %arg8[%add3A_466] : memref<16384xf32, #tpu.memory_space<hbm>> -> memref<128xf32, #tpu.memory_space<hbm>>
      tpu.enqueue_dma source(%arg18 : memref<128xf32, #tpu.memory_space<vmem>>) target(%dma_start3A_606 : memref<128xf32, #tpu.memory_space<hbm>>) target_semaphore(%run_scoped3A : memref<!tpu.dma_semaphore, #tpu.memory_space<semaphore_mem>>)
      %dma_wait3A_607 = tpu.memref_slice %arg8[%add3A_466] : memref<16384xf32, #tpu.memory_space<hbm>> -> memref<128xf32, #tpu.memory_space<hbm>>
      %dma_wait3A_608 = tpu.memref_slice %arg8[%add3A_466] : memref<16384xf32, #tpu.memory_space<hbm>> -> memref<128xf32, #tpu.memory_space<hbm>>
      tpu.wait_dma2 semaphore(%run_scoped3A : memref<!tpu.dma_semaphore, #tpu.memory_space<semaphore_mem>>) src(%arg18 : memref<128xf32, #tpu.memory_space<vmem>>) dst(%dma_wait3A_608 : memref<128xf32, #tpu.memory_space<hbm>>)
      tpu.yield
    }) : () -> ()
    %get3A_467 = arith.constant 3 : i32
    %get3A_468 = arith.index_cast %get3A_467 : i32 to index
    %get3A_469 = arith.constant 0 : index
    %get3A_470 = tpu.vector_load %arg9[%get3A_468, %get3A_469] {strides = array<i32>} : memref<4x128xi32, #tpu.memory_space<vmem>>, vector<16xi32>,
    %add3A_471 = arith.addi %get3A_470, %broadcast_in_dim3A_1 : vector<16xi32>
    %get3A_472 = arith.constant 3 : i32
    %get3A_473 = arith.index_cast %get3A_472 : i32 to index
    %get3A_474 = arith.constant 0 : index
    %get3A_475 = tpu.vector_load %arg10[%get3A_473, %get3A_474] {strides = array<i32>} : memref<4x128xi32, #tpu.memory_space<vmem>>, vector<16xi32>,
    %add3A_476 = arith.addi %get3A_475, %broadcast_in_dim3A_1 : vector<16xi32>
    %gather3A_477 = tpu.vector_load_idx %arg17[%add3A_471] : memref<10001xf32, #tpu.memory_space<vmem>>[vector<16xi32>], vector<16xf32>,
    %gather3A_478 = tpu.vector_load_idx %arg17[%add3A_476] : memref<10001xf32, #tpu.memory_space<vmem>>[vector<16xi32>], vector<16xf32>,
    %add3A_479 = arith.addf %gather3A_477, %gather3A_478 : vector<16xf32>
    %swap3A_480 = arith.constant 0 : index
    %swap3A_481 = tpu.vector_load %arg18[%swap3A_480] {strides = array<i32>} : memref<128xf32, #tpu.memory_space<vmem>>, vector<16xf32>,
    tpu.vector_store %arg18[%swap3A_480], %add3A_479 {strides = array<i32>} : memref<128xf32, #tpu.memory_space<vmem>>, vector<16xf32>,
    %get3A_482 = arith.constant 3 : i32
    %get3A_483 = arith.index_cast %get3A_482 : i32 to index
    %get3A_484 = arith.constant 16 : index
    %get3A_485 = tpu.vector_load %arg9[%get3A_483, %get3A_484] {strides = array<i32>} : memref<4x128xi32, #tpu.memory_space<vmem>>, vector<16xi32>,
    %add3A_486 = arith.addi %get3A_485, %broadcast_in_dim3A_1 : vector<16xi32>
    %get3A_487 = arith.constant 3 : i32
    %get3A_488 = arith.index_cast %get3A_487 : i32 to index
    %get3A_489 = arith.constant 16 : index
    %get3A_490 = tpu.vector_load %arg10[%get3A_488, %get3A_489] {strides = array<i32>} : memref<4x128xi32, #tpu.memory_space<vmem>>, vector<16xi32>,
    %add3A_491 = arith.addi %get3A_490, %broadcast_in_dim3A_1 : vector<16xi32>
    %gather3A_492 = tpu.vector_load_idx %arg17[%add3A_486] : memref<10001xf32, #tpu.memory_space<vmem>>[vector<16xi32>], vector<16xf32>,
    %gather3A_493 = tpu.vector_load_idx %arg17[%add3A_491] : memref<10001xf32, #tpu.memory_space<vmem>>[vector<16xi32>], vector<16xf32>,
    %add3A_494 = arith.addf %gather3A_492, %gather3A_493 : vector<16xf32>
    %swap3A_495 = arith.constant 16 : index
    %swap3A_496 = tpu.vector_load %arg18[%swap3A_495] {strides = array<i32>} : memref<128xf32, #tpu.memory_space<vmem>>, vector<16xf32>,
    tpu.vector_store %arg18[%swap3A_495], %add3A_494 {strides = array<i32>} : memref<128xf32, #tpu.memory_space<vmem>>, vector<16xf32>,
    %get3A_497 = arith.constant 3 : i32
    %get3A_498 = arith.index_cast %get3A_497 : i32 to index
    %get3A_499 = arith.constant 32 : index
    %get3A_500 = tpu.vector_load %arg9[%get3A_498, %get3A_499] {strides = array<i32>} : memref<4x128xi32, #tpu.memory_space<vmem>>, vector<16xi32>,
    %add3A_501 = arith.addi %get3A_500, %broadcast_in_dim3A_1 : vector<16xi32>
    %get3A_502 = arith.constant 3 : i32
    %get3A_503 = arith.index_cast %get3A_502 : i32 to index
    %get3A_504 = arith.constant 32 : index
    %get3A_505 = tpu.vector_load %arg10[%get3A_503, %get3A_504] {strides = array<i32>} : memref<4x128xi32, #tpu.memory_space<vmem>>, vector<16xi32>,
    %add3A_506 = arith.addi %get3A_505, %broadcast_in_dim3A_1 : vector<16xi32>
    %gather3A_507 = tpu.vector_load_idx %arg17[%add3A_501] : memref<10001xf32, #tpu.memory_space<vmem>>[vector<16xi32>], vector<16xf32>,
    %gather3A_508 = tpu.vector_load_idx %arg17[%add3A_506] : memref<10001xf32, #tpu.memory_space<vmem>>[vector<16xi32>], vector<16xf32>,
    %add3A_509 = arith.addf %gather3A_507, %gather3A_508 : vector<16xf32>
    %swap3A_510 = arith.constant 32 : index
    %swap3A_511 = tpu.vector_load %arg18[%swap3A_510] {strides = array<i32>} : memref<128xf32, #tpu.memory_space<vmem>>, vector<16xf32>,
    tpu.vector_store %arg18[%swap3A_510], %add3A_509 {strides = array<i32>} : memref<128xf32, #tpu.memory_space<vmem>>, vector<16xf32>,
    %get3A_512 = arith.constant 3 : i32
    %get3A_513 = arith.index_cast %get3A_512 : i32 to index
    %get3A_514 = arith.constant 48 : index
    %get3A_515 = tpu.vector_load %arg9[%get3A_513, %get3A_514] {strides = array<i32>} : memref<4x128xi32, #tpu.memory_space<vmem>>, vector<16xi32>,
    %add3A_516 = arith.addi %get3A_515, %broadcast_in_dim3A_1 : vector<16xi32>
    %get3A_517 = arith.constant 3 : i32
    %get3A_518 = arith.index_cast %get3A_517 : i32 to index
    %get3A_519 = arith.constant 48 : index
    %get3A_520 = tpu.vector_load %arg10[%get3A_518, %get3A_519] {strides = array<i32>} : memref<4x128xi32, #tpu.memory_space<vmem>>, vector<16xi32>,
    %add3A_521 = arith.addi %get3A_520, %broadcast_in_dim3A_1 : vector<16xi32>
    %gather3A_522 = tpu.vector_load_idx %arg17[%add3A_516] : memref<10001xf32, #tpu.memory_space<vmem>>[vector<16xi32>], vector<16xf32>,
    %gather3A_523 = tpu.vector_load_idx %arg17[%add3A_521] : memref<10001xf32, #tpu.memory_space<vmem>>[vector<16xi32>], vector<16xf32>,
    %add3A_524 = arith.addf %gather3A_522, %gather3A_523 : vector<16xf32>
    %swap3A_525 = arith.constant 48 : index
    %swap3A_526 = tpu.vector_load %arg18[%swap3A_525] {strides = array<i32>} : memref<128xf32, #tpu.memory_space<vmem>>, vector<16xf32>,
    tpu.vector_store %arg18[%swap3A_525], %add3A_524 {strides = array<i32>} : memref<128xf32, #tpu.memory_space<vmem>>, vector<16xf32>,
    %get3A_527 = arith.constant 3 : i32
    %get3A_528 = arith.index_cast %get3A_527 : i32 to index
    %get3A_529 = arith.constant 64 : index
    %get3A_530 = tpu.vector_load %arg9[%get3A_528, %get3A_529] {strides = array<i32>} : memref<4x128xi32, #tpu.memory_space<vmem>>, vector<16xi32>,
    %add3A_531 = arith.addi %get3A_530, %broadcast_in_dim3A_1 : vector<16xi32>
    %get3A_532 = arith.constant 3 : i32
    %get3A_533 = arith.index_cast %get3A_532 : i32 to index
    %get3A_534 = arith.constant 64 : index
    %get3A_535 = tpu.vector_load %arg10[%get3A_533, %get3A_534] {strides = array<i32>} : memref<4x128xi32, #tpu.memory_space<vmem>>, vector<16xi32>,
    %add3A_536 = arith.addi %get3A_535, %broadcast_in_dim3A_1 : vector<16xi32>
    %gather3A_537 = tpu.vector_load_idx %arg17[%add3A_531] : memref<10001xf32, #tpu.memory_space<vmem>>[vector<16xi32>], vector<16xf32>,
    %gather3A_538 = tpu.vector_load_idx %arg17[%add3A_536] : memref<10001xf32, #tpu.memory_space<vmem>>[vector<16xi32>], vector<16xf32>,
    %add3A_539 = arith.addf %gather3A_537, %gather3A_538 : vector<16xf32>
    %swap3A_540 = arith.constant 64 : index
    %swap3A_541 = tpu.vector_load %arg18[%swap3A_540] {strides = array<i32>} : memref<128xf32, #tpu.memory_space<vmem>>, vector<16xf32>,
    tpu.vector_store %arg18[%swap3A_540], %add3A_539 {strides = array<i32>} : memref<128xf32, #tpu.memory_space<vmem>>, vector<16xf32>,
    %get3A_542 = arith.constant 3 : i32
    %get3A_543 = arith.index_cast %get3A_542 : i32 to index
    %get3A_544 = arith.constant 80 : index
    %get3A_545 = tpu.vector_load %arg9[%get3A_543, %get3A_544] {strides = array<i32>} : memref<4x128xi32, #tpu.memory_space<vmem>>, vector<16xi32>,
    %add3A_546 = arith.addi %get3A_545, %broadcast_in_dim3A_1 : vector<16xi32>
    %get3A_547 = arith.constant 3 : i32
    %get3A_548 = arith.index_cast %get3A_547 : i32 to index
    %get3A_549 = arith.constant 80 : index
    %get3A_550 = tpu.vector_load %arg10[%get3A_548, %get3A_549] {strides = array<i32>} : memref<4x128xi32, #tpu.memory_space<vmem>>, vector<16xi32>,
    %add3A_551 = arith.addi %get3A_550, %broadcast_in_dim3A_1 : vector<16xi32>
    %gather3A_552 = tpu.vector_load_idx %arg17[%add3A_546] : memref<10001xf32, #tpu.memory_space<vmem>>[vector<16xi32>], vector<16xf32>,
    %gather3A_553 = tpu.vector_load_idx %arg17[%add3A_551] : memref<10001xf32, #tpu.memory_space<vmem>>[vector<16xi32>], vector<16xf32>,
    %add3A_554 = arith.addf %gather3A_552, %gather3A_553 : vector<16xf32>
    %swap3A_555 = arith.constant 80 : index
    %swap3A_556 = tpu.vector_load %arg18[%swap3A_555] {strides = array<i32>} : memref<128xf32, #tpu.memory_space<vmem>>, vector<16xf32>,
    tpu.vector_store %arg18[%swap3A_555], %add3A_554 {strides = array<i32>} : memref<128xf32, #tpu.memory_space<vmem>>, vector<16xf32>,
    %get3A_557 = arith.constant 3 : i32
    %get3A_558 = arith.index_cast %get3A_557 : i32 to index
    %get3A_559 = arith.constant 96 : index
    %get3A_560 = tpu.vector_load %arg9[%get3A_558, %get3A_559] {strides = array<i32>} : memref<4x128xi32, #tpu.memory_space<vmem>>, vector<16xi32>,
    %add3A_561 = arith.addi %get3A_560, %broadcast_in_dim3A_1 : vector<16xi32>
    %get3A_562 = arith.constant 3 : i32
    %get3A_563 = arith.index_cast %get3A_562 : i32 to index
    %get3A_564 = arith.constant 96 : index
    %get3A_565 = tpu.vector_load %arg10[%get3A_563, %get3A_564] {strides = array<i32>} : memref<4x128xi32, #tpu.memory_space<vmem>>, vector<16xi32>,
    %add3A_566 = arith.addi %get3A_565, %broadcast_in_dim3A_1 : vector<16xi32>
    %gather3A_567 = tpu.vector_load_idx %arg17[%add3A_561] : memref<10001xf32, #tpu.memory_space<vmem>>[vector<16xi32>], vector<16xf32>,
    %gather3A_568 = tpu.vector_load_idx %arg17[%add3A_566] : memref<10001xf32, #tpu.memory_space<vmem>>[vector<16xi32>], vector<16xf32>,
    %add3A_569 = arith.addf %gather3A_567, %gather3A_568 : vector<16xf32>
    %swap3A_570 = arith.constant 96 : index
    %swap3A_571 = tpu.vector_load %arg18[%swap3A_570] {strides = array<i32>} : memref<128xf32, #tpu.memory_space<vmem>>, vector<16xf32>,
    tpu.vector_store %arg18[%swap3A_570], %add3A_569 {strides = array<i32>} : memref<128xf32, #tpu.memory_space<vmem>>, vector<16xf32>,
    %get3A_572 = arith.constant 3 : i32
    %get3A_573 = arith.index_cast %get3A_572 : i32 to index
    %get3A_574 = arith.constant 112 : index
    %get3A_575 = tpu.vector_load %arg9[%get3A_573, %get3A_574] {strides = array<i32>} : memref<4x128xi32, #tpu.memory_space<vmem>>, vector<16xi32>,
    %add3A_576 = arith.addi %get3A_575, %broadcast_in_dim3A_1 : vector<16xi32>
    %get3A_577 = arith.constant 3 : i32
    %get3A_578 = arith.index_cast %get3A_577 : i32 to index
    %get3A_579 = arith.constant 112 : index
    %get3A_580 = tpu.vector_load %arg10[%get3A_578, %get3A_579] {strides = array<i32>} : memref<4x128xi32, #tpu.memory_space<vmem>>, vector<16xi32>,
    %add3A_581 = arith.addi %get3A_580, %broadcast_in_dim3A_1 : vector<16xi32>
    %gather3A_582 = tpu.vector_load_idx %arg17[%add3A_576] : memref<10001xf32, #tpu.memory_space<vmem>>[vector<16xi32>], vector<16xf32>,
    %gather3A_583 = tpu.vector_load_idx %arg17[%add3A_581] : memref<10001xf32, #tpu.memory_space<vmem>>[vector<16xi32>], vector<16xf32>,
    %add3A_584 = arith.addf %gather3A_582, %gather3A_583 : vector<16xf32>
    %swap3A_585 = arith.constant 112 : index
    %swap3A_586 = tpu.vector_load %arg18[%swap3A_585] {strides = array<i32>} : memref<128xf32, #tpu.memory_space<vmem>>, vector<16xf32>,
    tpu.vector_store %arg18[%swap3A_585], %add3A_584 {strides = array<i32>} : memref<128xf32, #tpu.memory_space<vmem>>, vector<16xf32>,
    %dma_wait3A_587 = arith.constant 0 : i32
    %dma_wait3A_588 = arith.constant 0 : i32
    %dma_wait3A_589 = tpu.memref_slice %arg9[%dma_wait3A_587, %dma_wait3A_588] : memref<4x128xi32, #tpu.memory_space<vmem>> -> memref<1x128xi32, #tpu.memory_space<vmem>>
    %dma_wait3A_590 = tpu.memref_squeeze %dma_wait3A_589 : memref<1x128xi32, #tpu.memory_space<vmem>> -> memref<128xi32, #tpu.memory_space<vmem>>
    %dma_wait3A_591 = arith.constant 0 : i32
    %dma_wait3A_592 = arith.constant 0 : i32
    %dma_wait3A_593 = tpu.memref_slice %arg2[%dma_wait3A_591, %dma_wait3A_592] : memref<10000x128xf32, #tpu.memory_space<hbm>> -> memref<10000x128xf32, #tpu.memory_space<hbm>>
    tpu.wait_indirect_dma semaphore(%arg19 : memref<!tpu.dma_semaphore, #tpu.memory_space<semaphore_mem>>) src(%dma_wait3A_593 : memref<10000x128xf32, #tpu.memory_space<hbm>>) dst(%arg11 : memref<128x128xf32, #tpu.memory_space<vmem>>)
    %dma_wait3A_594 = arith.constant 0 : i32
    %dma_wait3A_595 = arith.constant 0 : i32
    %dma_wait3A_596 = tpu.memref_slice %arg10[%dma_wait3A_594, %dma_wait3A_595] : memref<4x128xi32, #tpu.memory_space<vmem>> -> memref<1x128xi32, #tpu.memory_space<vmem>>
    %dma_wait3A_597 = tpu.memref_squeeze %dma_wait3A_596 : memref<1x128xi32, #tpu.memory_space<vmem>> -> memref<128xi32, #tpu.memory_space<vmem>>
    %dma_wait3A_598 = arith.constant 0 : i32
    %dma_wait3A_599 = arith.constant 0 : i32
    %dma_wait3A_600 = tpu.memref_slice %arg2[%dma_wait3A_598, %dma_wait3A_599] : memref<10000x128xf32, #tpu.memory_space<hbm>> -> memref<10000x128xf32, #tpu.memory_space<hbm>>
    tpu.wait_indirect_dma semaphore(%arg20 : memref<!tpu.dma_semaphore, #tpu.memory_space<semaphore_mem>>) src(%dma_wait3A_600 : memref<10000x128xf32, #tpu.memory_space<hbm>>) dst(%arg12 : memref<128x128xf32, #tpu.memory_space<vmem>>)
    %mul3A_601 = arith.constant 512 : i32
    %mul3A_602 = arith.muli %add3A, %mul3A_601 : i32
    %add3A_603 = arith.constant 384 : i32
    %add3A_604 = arith.addi %mul3A_602, %add3A_603 : i32
    "tpu.region"() ({
      %run_scoped3A = tpu.sem_alloc : memref<!tpu.dma_semaphore, #tpu.memory_space<semaphore_mem>>
      %dma_start3A_605 = arith.constant 0 : i32
      %dma_start3A_606 = tpu.memref_slice %arg6[%add3A_604, %dma_start3A_605] : memref<16384x128xf32, #tpu.memory_space<hbm>> -> memref<128x128xf32, #tpu.memory_space<hbm>>
      %dma_start3A_607 = arith.constant 0 : i32
      %dma_start3A_608 = tpu.memref_slice %arg6[%add3A_604, %dma_start3A_607] : memref<16384x128xf32, #tpu.memory_space<hbm>> -> memref<128x128xf32, #tpu.memory_space<hbm>>
      tpu.enqueue_dma source(%arg11 : memref<128x128xf32, #tpu.memory_space<vmem>>) target(%dma_start3A_608 : memref<128x128xf32, #tpu.memory_space<hbm>>) target_semaphore(%run_scoped3A : memref<!tpu.dma_semaphore, #tpu.memory_space<semaphore_mem>>)
      %dma_wait3A_609 = arith.constant 0 : i32
      %dma_wait3A_610 = tpu.memref_slice %arg6[%add3A_604, %dma_wait3A_609] : memref<16384x128xf32, #tpu.memory_space<hbm>> -> memref<128x128xf32, #tpu.memory_space<hbm>>
      %dma_wait3A_611 = arith.constant 0 : i32
      %dma_wait3A_612 = tpu.memref_slice %arg6[%add3A_604, %dma_wait3A_611] : memref<16384x128xf32, #tpu.memory_space<hbm>> -> memref<128x128xf32, #tpu.memory_space<hbm>>
      tpu.wait_dma2 semaphore(%run_scoped3A : memref<!tpu.dma_semaphore, #tpu.memory_space<semaphore_mem>>) src(%arg11 : memref<128x128xf32, #tpu.memory_space<vmem>>) dst(%dma_wait3A_612 : memref<128x128xf32, #tpu.memory_space<hbm>>)
      tpu.yield
    }) : () -> ()
    "tpu.region"() ({
      %run_scoped3A = tpu.sem_alloc : memref<!tpu.dma_semaphore, #tpu.memory_space<semaphore_mem>>
      %dma_start3A_605 = arith.constant 0 : i32
      %dma_start3A_606 = tpu.memref_slice %arg7[%add3A_604, %dma_start3A_605] : memref<16384x128xf32, #tpu.memory_space<hbm>> -> memref<128x128xf32, #tpu.memory_space<hbm>>
      %dma_start3A_607 = arith.constant 0 : i32
      %dma_start3A_608 = tpu.memref_slice %arg7[%add3A_604, %dma_start3A_607] : memref<16384x128xf32, #tpu.memory_space<hbm>> -> memref<128x128xf32, #tpu.memory_space<hbm>>
      tpu.enqueue_dma source(%arg12 : memref<128x128xf32, #tpu.memory_space<vmem>>) target(%dma_start3A_608 : memref<128x128xf32, #tpu.memory_space<hbm>>) target_semaphore(%run_scoped3A : memref<!tpu.dma_semaphore, #tpu.memory_space<semaphore_mem>>)
      %dma_wait3A_609 = arith.constant 0 : i32
      %dma_wait3A_610 = tpu.memref_slice %arg7[%add3A_604, %dma_wait3A_609] : memref<16384x128xf32, #tpu.memory_space<hbm>> -> memref<128x128xf32, #tpu.memory_space<hbm>>
      %dma_wait3A_611 = arith.constant 0 : i32
      %dma_wait3A_612 = tpu.memref_slice %arg7[%add3A_604, %dma_wait3A_611] : memref<16384x128xf32, #tpu.memory_space<hbm>> -> memref<128x128xf32, #tpu.memory_space<hbm>>
      tpu.wait_dma2 semaphore(%run_scoped3A : memref<!tpu.dma_semaphore, #tpu.memory_space<semaphore_mem>>) src(%arg12 : memref<128x128xf32, #tpu.memory_space<vmem>>) dst(%dma_wait3A_612 : memref<128x128xf32, #tpu.memory_space<hbm>>)
      tpu.yield
    }) : () -> ()
    "tpu.region"() ({
      %run_scoped3A = tpu.sem_alloc : memref<!tpu.dma_semaphore, #tpu.memory_space<semaphore_mem>>
      %dma_start3A_605 = tpu.memref_slice %arg8[%add3A_604] : memref<16384xf32, #tpu.memory_space<hbm>> -> memref<128xf32, #tpu.memory_space<hbm>>
      %dma_start3A_606 = tpu.memref_slice %arg8[%add3A_604] : memref<16384xf32, #tpu.memory_space<hbm>> -> memref<128xf32, #tpu.memory_space<hbm>>
      tpu.enqueue_dma source(%arg18 : memref<128xf32, #tpu.memory_space<vmem>>) target(%dma_start3A_606 : memref<128xf32, #tpu.memory_space<hbm>>) target_semaphore(%run_scoped3A : memref<!tpu.dma_semaphore, #tpu.memory_space<semaphore_mem>>)
      %dma_wait3A_607 = tpu.memref_slice %arg8[%add3A_604] : memref<16384xf32, #tpu.memory_space<hbm>> -> memref<128xf32, #tpu.memory_space<hbm>>
      %dma_wait3A_608 = tpu.memref_slice %arg8[%add3A_604] : memref<16384xf32, #tpu.memory_space<hbm>> -> memref<128xf32, #tpu.memory_space<hbm>>
      tpu.wait_dma2 semaphore(%run_scoped3A : memref<!tpu.dma_semaphore, #tpu.memory_space<semaphore_mem>>) src(%arg18 : memref<128xf32, #tpu.memory_space<vmem>>) dst(%dma_wait3A_608 : memref<128xf32, #tpu.memory_space<hbm>>)
      tpu.yield
    }) : () -> ()
    return
  }
}

#map = affine_map<(d0, d1) -> (0, 0)>
#map1 = affine_map<(d0, d1) -> (0, 0, 0, 0)>
#map2 = affine_map<(d0, d1) -> (0, 0, 0)>
module attributes {stable_mosaic.version = 14 : i64} {
  func.func @_agg_body(%arg0: i32, %arg1: i32, %arg2: memref<10000x128xf32, #tpu.memory_space<hbm>>, %arg3: memref<2x32x125x80xi32, #tpu.memory_space<hbm>>, %arg4: memref<2x10240x128xf32, #tpu.memory_space<hbm>>, %arg5: memref<2x10240xf32, #tpu.memory_space<hbm>>, %arg6: memref<10240x128xf32, #tpu.memory_space<vmem_shared>>, %arg7: memref<10240xf32, #tpu.memory_space<vmem_shared>>, %arg8: memref<125x80xi32, #tpu.memory_space<vmem>>, %arg9: memref<125x80xi32, #tpu.memory_space<vmem>>, %arg10: memref<80x128xf32, #tpu.memory_space<vmem>>, %arg11: memref<80x128xf32, #tpu.memory_space<vmem>>, %arg12: memref<640xf32, #tpu.memory_space<vmem>>, %arg13: memref<80xf32, #tpu.memory_space<vmem>>, %arg14: memref<!tpu.dma_semaphore, #tpu.memory_space<semaphore_mem>>, %arg15: memref<!tpu.dma_semaphore, #tpu.memory_space<semaphore_mem>>, %arg16: memref<!tpu.dma_semaphore, #tpu.memory_space<semaphore_mem>>) attributes {dimension_semantics = [#tpu.dimension_semantics<core_parallel>, #tpu.dimension_semantics<subcore_parallel>], iteration_bounds = array<i64: 2, 16>, scalar_prefetch = 0 : i64, scratch_operands = 11 : i64, tpu.core_type = #tpu.core_type<sc_vector_subcore>, window_params = [{transform_indices = #map}, {transform_indices = #map1}, {transform_indices = #map2}, {transform_indices = #map}]} {
    %mul3A = arith.constant 16 : i32
    %mul3A_0 = arith.muli %arg0, %mul3A : i32
    %add3A = arith.addi %mul3A_0, %arg1 : i32
    %broadcast_in_dim3A = arith.constant 0.000000e+00 : f32
    %broadcast_in_dim3A_1 = vector.broadcast %broadcast_in_dim3A : f32 to vector<16xf32>
    %scan3A = arith.constant 0 : i32
    %scan3A_2 = arith.constant 80 : i32
    %scan3A_3 = arith.addi %scan3A, %scan3A_2 : i32
    %scan3A_4 = arith.constant 1 : i32
    scf.for %scan3A_114 = %scan3A to %scan3A_3 step %scan3A_4  : i32 {
      %mul3A_115 = arith.constant 1 : i32
      %mul3A_116 = arith.muli %scan3A_114, %mul3A_115 : i32
      %add3A_117 = arith.constant 0 : i32
      %add3A_118 = arith.addi %add3A_117, %mul3A_116 : i32
      %swap3A_119 = arith.index_cast %add3A_118 : i32 to index
      %swap3A_120 = arith.constant 0 : index
      %swap3A_121 = tpu.vector_load %arg10[%swap3A_119, %swap3A_120] {strides = array<i32>} : memref<80x128xf32, #tpu.memory_space<vmem>>, vector<1x16xf32>,
      %swap3A_122 = vector.shape_cast %swap3A_121 : vector<1x16xf32> to vector<16xf32>
      %swap3A_123 = vector.shape_cast %broadcast_in_dim3A_1 : vector<16xf32> to vector<1x16xf32>
      tpu.vector_store %arg10[%swap3A_119, %swap3A_120], %swap3A_123 {strides = array<i32>} : memref<80x128xf32, #tpu.memory_space<vmem>>, vector<1x16xf32>,
      %swap3A_124 = arith.index_cast %add3A_118 : i32 to index
      %swap3A_125 = arith.constant 16 : index
      %swap3A_126 = tpu.vector_load %arg10[%swap3A_124, %swap3A_125] {strides = array<i32>} : memref<80x128xf32, #tpu.memory_space<vmem>>, vector<1x16xf32>,
      %swap3A_127 = vector.shape_cast %swap3A_126 : vector<1x16xf32> to vector<16xf32>
      %swap3A_128 = vector.shape_cast %broadcast_in_dim3A_1 : vector<16xf32> to vector<1x16xf32>
      tpu.vector_store %arg10[%swap3A_124, %swap3A_125], %swap3A_128 {strides = array<i32>} : memref<80x128xf32, #tpu.memory_space<vmem>>, vector<1x16xf32>,
      %swap3A_129 = arith.index_cast %add3A_118 : i32 to index
      %swap3A_130 = arith.constant 32 : index
      %swap3A_131 = tpu.vector_load %arg10[%swap3A_129, %swap3A_130] {strides = array<i32>} : memref<80x128xf32, #tpu.memory_space<vmem>>, vector<1x16xf32>,
      %swap3A_132 = vector.shape_cast %swap3A_131 : vector<1x16xf32> to vector<16xf32>
      %swap3A_133 = vector.shape_cast %broadcast_in_dim3A_1 : vector<16xf32> to vector<1x16xf32>
      tpu.vector_store %arg10[%swap3A_129, %swap3A_130], %swap3A_133 {strides = array<i32>} : memref<80x128xf32, #tpu.memory_space<vmem>>, vector<1x16xf32>,
      %swap3A_134 = arith.index_cast %add3A_118 : i32 to index
      %swap3A_135 = arith.constant 48 : index
      %swap3A_136 = tpu.vector_load %arg10[%swap3A_134, %swap3A_135] {strides = array<i32>} : memref<80x128xf32, #tpu.memory_space<vmem>>, vector<1x16xf32>,
      %swap3A_137 = vector.shape_cast %swap3A_136 : vector<1x16xf32> to vector<16xf32>
      %swap3A_138 = vector.shape_cast %broadcast_in_dim3A_1 : vector<16xf32> to vector<1x16xf32>
      tpu.vector_store %arg10[%swap3A_134, %swap3A_135], %swap3A_138 {strides = array<i32>} : memref<80x128xf32, #tpu.memory_space<vmem>>, vector<1x16xf32>,
      %swap3A_139 = arith.index_cast %add3A_118 : i32 to index
      %swap3A_140 = arith.constant 64 : index
      %swap3A_141 = tpu.vector_load %arg10[%swap3A_139, %swap3A_140] {strides = array<i32>} : memref<80x128xf32, #tpu.memory_space<vmem>>, vector<1x16xf32>,
      %swap3A_142 = vector.shape_cast %swap3A_141 : vector<1x16xf32> to vector<16xf32>
      %swap3A_143 = vector.shape_cast %broadcast_in_dim3A_1 : vector<16xf32> to vector<1x16xf32>
      tpu.vector_store %arg10[%swap3A_139, %swap3A_140], %swap3A_143 {strides = array<i32>} : memref<80x128xf32, #tpu.memory_space<vmem>>, vector<1x16xf32>,
      %swap3A_144 = arith.index_cast %add3A_118 : i32 to index
      %swap3A_145 = arith.constant 80 : index
      %swap3A_146 = tpu.vector_load %arg10[%swap3A_144, %swap3A_145] {strides = array<i32>} : memref<80x128xf32, #tpu.memory_space<vmem>>, vector<1x16xf32>,
      %swap3A_147 = vector.shape_cast %swap3A_146 : vector<1x16xf32> to vector<16xf32>
      %swap3A_148 = vector.shape_cast %broadcast_in_dim3A_1 : vector<16xf32> to vector<1x16xf32>
      tpu.vector_store %arg10[%swap3A_144, %swap3A_145], %swap3A_148 {strides = array<i32>} : memref<80x128xf32, #tpu.memory_space<vmem>>, vector<1x16xf32>,
      %swap3A_149 = arith.index_cast %add3A_118 : i32 to index
      %swap3A_150 = arith.constant 96 : index
      %swap3A_151 = tpu.vector_load %arg10[%swap3A_149, %swap3A_150] {strides = array<i32>} : memref<80x128xf32, #tpu.memory_space<vmem>>, vector<1x16xf32>,
      %swap3A_152 = vector.shape_cast %swap3A_151 : vector<1x16xf32> to vector<16xf32>
      %swap3A_153 = vector.shape_cast %broadcast_in_dim3A_1 : vector<16xf32> to vector<1x16xf32>
      tpu.vector_store %arg10[%swap3A_149, %swap3A_150], %swap3A_153 {strides = array<i32>} : memref<80x128xf32, #tpu.memory_space<vmem>>, vector<1x16xf32>,
      %swap3A_154 = arith.index_cast %add3A_118 : i32 to index
      %swap3A_155 = arith.constant 112 : index
      %swap3A_156 = tpu.vector_load %arg10[%swap3A_154, %swap3A_155] {strides = array<i32>} : memref<80x128xf32, #tpu.memory_space<vmem>>, vector<1x16xf32>,
      %swap3A_157 = vector.shape_cast %swap3A_156 : vector<1x16xf32> to vector<16xf32>
      %swap3A_158 = vector.shape_cast %broadcast_in_dim3A_1 : vector<16xf32> to vector<1x16xf32>
      tpu.vector_store %arg10[%swap3A_154, %swap3A_155], %swap3A_158 {strides = array<i32>} : memref<80x128xf32, #tpu.memory_space<vmem>>, vector<1x16xf32>,
    }
    %scan3A_5 = arith.constant 80 : i32
    %scan3A_6 = arith.constant 0 : i32
    %scan3A_7 = arith.constant 40 : i32
    %scan3A_8 = arith.addi %scan3A_6, %scan3A_7 : i32
    %scan3A_9 = arith.constant 1 : i32
    scf.for %scan3A_114 = %scan3A_6 to %scan3A_8 step %scan3A_9  : i32 {
      %mul3A_115 = arith.constant 1 : i32
      %mul3A_116 = arith.muli %scan3A_114, %mul3A_115 : i32
      %add3A_117 = arith.constant 0 : i32
      %add3A_118 = arith.addi %add3A_117, %mul3A_116 : i32
      %mul3A_119 = arith.constant 16 : i32
      %mul3A_120 = arith.muli %mul3A_119, %add3A_118 : i32
      %swap3A_121 = arith.index_cast %mul3A_120 : i32 to index
      %swap3A_122 = tpu.vector_load %arg12[%swap3A_121] {strides = array<i32>} : memref<640xf32, #tpu.memory_space<vmem>>, vector<16xf32>,
      %swap3A_123 = vector.shape_cast %swap3A_122 : vector<16xf32> to vector<16xf32>
      %swap3A_124 = vector.shape_cast %broadcast_in_dim3A_1 : vector<16xf32> to vector<16xf32>
      tpu.vector_store %arg12[%swap3A_121], %swap3A_124 {strides = array<i32>} : memref<640xf32, #tpu.memory_space<vmem>>, vector<16xf32>,
    }
    %scan3A_10 = arith.constant 40 : i32
    %broadcast_in_dim3A_11 = arith.constant 1.000000e+00 : f32
    %broadcast_in_dim3A_12 = vector.broadcast %broadcast_in_dim3A_11 : f32 to vector<16xf32>
    %swap3A = arith.constant 0 : index
    %swap3A_13 = tpu.vector_load %arg13[%swap3A] {strides = array<i32>} : memref<80xf32, #tpu.memory_space<vmem>>, vector<16xf32>,
    %swap3A_14 = vector.shape_cast %swap3A_13 : vector<16xf32> to vector<16xf32>
    %swap3A_15 = vector.shape_cast %broadcast_in_dim3A_12 : vector<16xf32> to vector<16xf32>
    tpu.vector_store %arg13[%swap3A], %swap3A_15 {strides = array<i32>} : memref<80xf32, #tpu.memory_space<vmem>>, vector<16xf32>,
    %broadcast_in_dim3A_16 = arith.constant 1.000000e+00 : f32
    %broadcast_in_dim3A_17 = vector.broadcast %broadcast_in_dim3A_16 : f32 to vector<16xf32>
    %swap3A_18 = arith.constant 16 : index
    %swap3A_19 = tpu.vector_load %arg13[%swap3A_18] {strides = array<i32>} : memref<80xf32, #tpu.memory_space<vmem>>, vector<16xf32>,
    %swap3A_20 = vector.shape_cast %swap3A_19 : vector<16xf32> to vector<16xf32>
    %swap3A_21 = vector.shape_cast %broadcast_in_dim3A_17 : vector<16xf32> to vector<16xf32>
    tpu.vector_store %arg13[%swap3A_18], %swap3A_21 {strides = array<i32>} : memref<80xf32, #tpu.memory_space<vmem>>, vector<16xf32>,
    %broadcast_in_dim3A_22 = arith.constant 1.000000e+00 : f32
    %broadcast_in_dim3A_23 = vector.broadcast %broadcast_in_dim3A_22 : f32 to vector<16xf32>
    %swap3A_24 = arith.constant 32 : index
    %swap3A_25 = tpu.vector_load %arg13[%swap3A_24] {strides = array<i32>} : memref<80xf32, #tpu.memory_space<vmem>>, vector<16xf32>,
    %swap3A_26 = vector.shape_cast %swap3A_25 : vector<16xf32> to vector<16xf32>
    %swap3A_27 = vector.shape_cast %broadcast_in_dim3A_23 : vector<16xf32> to vector<16xf32>
    tpu.vector_store %arg13[%swap3A_24], %swap3A_27 {strides = array<i32>} : memref<80xf32, #tpu.memory_space<vmem>>, vector<16xf32>,
    %broadcast_in_dim3A_28 = arith.constant 1.000000e+00 : f32
    %broadcast_in_dim3A_29 = vector.broadcast %broadcast_in_dim3A_28 : f32 to vector<16xf32>
    %swap3A_30 = arith.constant 48 : index
    %swap3A_31 = tpu.vector_load %arg13[%swap3A_30] {strides = array<i32>} : memref<80xf32, #tpu.memory_space<vmem>>, vector<16xf32>,
    %swap3A_32 = vector.shape_cast %swap3A_31 : vector<16xf32> to vector<16xf32>
    %swap3A_33 = vector.shape_cast %broadcast_in_dim3A_29 : vector<16xf32> to vector<16xf32>
    tpu.vector_store %arg13[%swap3A_30], %swap3A_33 {strides = array<i32>} : memref<80xf32, #tpu.memory_space<vmem>>, vector<16xf32>,
    %broadcast_in_dim3A_34 = arith.constant 1.000000e+00 : f32
    %broadcast_in_dim3A_35 = vector.broadcast %broadcast_in_dim3A_34 : f32 to vector<16xf32>
    %swap3A_36 = arith.constant 64 : index
    %swap3A_37 = tpu.vector_load %arg13[%swap3A_36] {strides = array<i32>} : memref<80xf32, #tpu.memory_space<vmem>>, vector<16xf32>,
    %swap3A_38 = vector.shape_cast %swap3A_37 : vector<16xf32> to vector<16xf32>
    %swap3A_39 = vector.shape_cast %broadcast_in_dim3A_35 : vector<16xf32> to vector<16xf32>
    tpu.vector_store %arg13[%swap3A_36], %swap3A_39 {strides = array<i32>} : memref<80xf32, #tpu.memory_space<vmem>>, vector<16xf32>,
    %mul3A_40 = arith.constant 640 : i32
    %mul3A_41 = arith.muli %arg1, %mul3A_40 : i32
    %add3A_42 = arith.constant 0 : i32
    %add3A_43 = arith.addi %mul3A_41, %add3A_42 : i32
    "tpu.region"() ({
      %run_scoped3A_114 = tpu.sem_alloc : memref<!tpu.dma_semaphore, #tpu.memory_space<semaphore_mem>>
      %dma_start3A_115 = arith.constant 0 : i32
      %dma_start3A_116 = tpu.memref_slice %arg6[%add3A_43, %dma_start3A_115] : memref<10240x128xf32, #tpu.memory_space<vmem_shared>> -> memref<80x128xf32, #tpu.memory_space<vmem_shared>>
      %dma_start3A_117 = arith.constant 0 : i32
      %dma_start3A_118 = tpu.memref_slice %arg6[%add3A_43, %dma_start3A_117] : memref<10240x128xf32, #tpu.memory_space<vmem_shared>> -> memref<80x128xf32, #tpu.memory_space<vmem_shared>>
      tpu.enqueue_dma source(%arg10 : memref<80x128xf32, #tpu.memory_space<vmem>>) target(%dma_start3A_118 : memref<80x128xf32, #tpu.memory_space<vmem_shared>>) target_semaphore(%run_scoped3A_114 : memref<!tpu.dma_semaphore, #tpu.memory_space<semaphore_mem>>)
      %dma_wait3A_119 = arith.constant 0 : i32
      %dma_wait3A_120 = tpu.memref_slice %arg6[%add3A_43, %dma_wait3A_119] : memref<10240x128xf32, #tpu.memory_space<vmem_shared>> -> memref<80x128xf32, #tpu.memory_space<vmem_shared>>
      %dma_wait3A_121 = arith.constant 0 : i32
      %dma_wait3A_122 = tpu.memref_slice %arg6[%add3A_43, %dma_wait3A_121] : memref<10240x128xf32, #tpu.memory_space<vmem_shared>> -> memref<80x128xf32, #tpu.memory_space<vmem_shared>>
      tpu.wait_dma2 semaphore(%run_scoped3A_114 : memref<!tpu.dma_semaphore, #tpu.memory_space<semaphore_mem>>) src(%arg10 : memref<80x128xf32, #tpu.memory_space<vmem>>) dst(%dma_wait3A_122 : memref<80x128xf32, #tpu.memory_space<vmem_shared>>)
      tpu.yield
    }) : () -> ()
    %add3A_44 = arith.constant 80 : i32
    %add3A_45 = arith.addi %mul3A_41, %add3A_44 : i32
    "tpu.region"() ({
      %run_scoped3A_114 = tpu.sem_alloc : memref<!tpu.dma_semaphore, #tpu.memory_space<semaphore_mem>>
      %dma_start3A_115 = arith.constant 0 : i32
      %dma_start3A_116 = tpu.memref_slice %arg6[%add3A_45, %dma_start3A_115] : memref<10240x128xf32, #tpu.memory_space<vmem_shared>> -> memref<80x128xf32, #tpu.memory_space<vmem_shared>>
      %dma_start3A_117 = arith.constant 0 : i32
      %dma_start3A_118 = tpu.memref_slice %arg6[%add3A_45, %dma_start3A_117] : memref<10240x128xf32, #tpu.memory_space<vmem_shared>> -> memref<80x128xf32, #tpu.memory_space<vmem_shared>>
      tpu.enqueue_dma source(%arg10 : memref<80x128xf32, #tpu.memory_space<vmem>>) target(%dma_start3A_118 : memref<80x128xf32, #tpu.memory_space<vmem_shared>>) target_semaphore(%run_scoped3A_114 : memref<!tpu.dma_semaphore, #tpu.memory_space<semaphore_mem>>)
      %dma_wait3A_119 = arith.constant 0 : i32
      %dma_wait3A_120 = tpu.memref_slice %arg6[%add3A_45, %dma_wait3A_119] : memref<10240x128xf32, #tpu.memory_space<vmem_shared>> -> memref<80x128xf32, #tpu.memory_space<vmem_shared>>
      %dma_wait3A_121 = arith.constant 0 : i32
      %dma_wait3A_122 = tpu.memref_slice %arg6[%add3A_45, %dma_wait3A_121] : memref<10240x128xf32, #tpu.memory_space<vmem_shared>> -> memref<80x128xf32, #tpu.memory_space<vmem_shared>>
      tpu.wait_dma2 semaphore(%run_scoped3A_114 : memref<!tpu.dma_semaphore, #tpu.memory_space<semaphore_mem>>) src(%arg10 : memref<80x128xf32, #tpu.memory_space<vmem>>) dst(%dma_wait3A_122 : memref<80x128xf32, #tpu.memory_space<vmem_shared>>)
      tpu.yield
    }) : () -> ()
    %add3A_46 = arith.constant 160 : i32
    %add3A_47 = arith.addi %mul3A_41, %add3A_46 : i32
    "tpu.region"() ({
      %run_scoped3A_114 = tpu.sem_alloc : memref<!tpu.dma_semaphore, #tpu.memory_space<semaphore_mem>>
      %dma_start3A_115 = arith.constant 0 : i32
      %dma_start3A_116 = tpu.memref_slice %arg6[%add3A_47, %dma_start3A_115] : memref<10240x128xf32, #tpu.memory_space<vmem_shared>> -> memref<80x128xf32, #tpu.memory_space<vmem_shared>>
      %dma_start3A_117 = arith.constant 0 : i32
      %dma_start3A_118 = tpu.memref_slice %arg6[%add3A_47, %dma_start3A_117] : memref<10240x128xf32, #tpu.memory_space<vmem_shared>> -> memref<80x128xf32, #tpu.memory_space<vmem_shared>>
      tpu.enqueue_dma source(%arg10 : memref<80x128xf32, #tpu.memory_space<vmem>>) target(%dma_start3A_118 : memref<80x128xf32, #tpu.memory_space<vmem_shared>>) target_semaphore(%run_scoped3A_114 : memref<!tpu.dma_semaphore, #tpu.memory_space<semaphore_mem>>)
      %dma_wait3A_119 = arith.constant 0 : i32
      %dma_wait3A_120 = tpu.memref_slice %arg6[%add3A_47, %dma_wait3A_119] : memref<10240x128xf32, #tpu.memory_space<vmem_shared>> -> memref<80x128xf32, #tpu.memory_space<vmem_shared>>
      %dma_wait3A_121 = arith.constant 0 : i32
      %dma_wait3A_122 = tpu.memref_slice %arg6[%add3A_47, %dma_wait3A_121] : memref<10240x128xf32, #tpu.memory_space<vmem_shared>> -> memref<80x128xf32, #tpu.memory_space<vmem_shared>>
      tpu.wait_dma2 semaphore(%run_scoped3A_114 : memref<!tpu.dma_semaphore, #tpu.memory_space<semaphore_mem>>) src(%arg10 : memref<80x128xf32, #tpu.memory_space<vmem>>) dst(%dma_wait3A_122 : memref<80x128xf32, #tpu.memory_space<vmem_shared>>)
      tpu.yield
    }) : () -> ()
    %add3A_48 = arith.constant 240 : i32
    %add3A_49 = arith.addi %mul3A_41, %add3A_48 : i32
    "tpu.region"() ({
      %run_scoped3A_114 = tpu.sem_alloc : memref<!tpu.dma_semaphore, #tpu.memory_space<semaphore_mem>>
      %dma_start3A_115 = arith.constant 0 : i32
      %dma_start3A_116 = tpu.memref_slice %arg6[%add3A_49, %dma_start3A_115] : memref<10240x128xf32, #tpu.memory_space<vmem_shared>> -> memref<80x128xf32, #tpu.memory_space<vmem_shared>>
      %dma_start3A_117 = arith.constant 0 : i32
      %dma_start3A_118 = tpu.memref_slice %arg6[%add3A_49, %dma_start3A_117] : memref<10240x128xf32, #tpu.memory_space<vmem_shared>> -> memref<80x128xf32, #tpu.memory_space<vmem_shared>>
      tpu.enqueue_dma source(%arg10 : memref<80x128xf32, #tpu.memory_space<vmem>>) target(%dma_start3A_118 : memref<80x128xf32, #tpu.memory_space<vmem_shared>>) target_semaphore(%run_scoped3A_114 : memref<!tpu.dma_semaphore, #tpu.memory_space<semaphore_mem>>)
      %dma_wait3A_119 = arith.constant 0 : i32
      %dma_wait3A_120 = tpu.memref_slice %arg6[%add3A_49, %dma_wait3A_119] : memref<10240x128xf32, #tpu.memory_space<vmem_shared>> -> memref<80x128xf32, #tpu.memory_space<vmem_shared>>
      %dma_wait3A_121 = arith.constant 0 : i32
      %dma_wait3A_122 = tpu.memref_slice %arg6[%add3A_49, %dma_wait3A_121] : memref<10240x128xf32, #tpu.memory_space<vmem_shared>> -> memref<80x128xf32, #tpu.memory_space<vmem_shared>>
      tpu.wait_dma2 semaphore(%run_scoped3A_114 : memref<!tpu.dma_semaphore, #tpu.memory_space<semaphore_mem>>) src(%arg10 : memref<80x128xf32, #tpu.memory_space<vmem>>) dst(%dma_wait3A_122 : memref<80x128xf32, #tpu.memory_space<vmem_shared>>)
      tpu.yield
    }) : () -> ()
    %add3A_50 = arith.constant 320 : i32
    %add3A_51 = arith.addi %mul3A_41, %add3A_50 : i32
    "tpu.region"() ({
      %run_scoped3A_114 = tpu.sem_alloc : memref<!tpu.dma_semaphore, #tpu.memory_space<semaphore_mem>>
      %dma_start3A_115 = arith.constant 0 : i32
      %dma_start3A_116 = tpu.memref_slice %arg6[%add3A_51, %dma_start3A_115] : memref<10240x128xf32, #tpu.memory_space<vmem_shared>> -> memref<80x128xf32, #tpu.memory_space<vmem_shared>>
      %dma_start3A_117 = arith.constant 0 : i32
      %dma_start3A_118 = tpu.memref_slice %arg6[%add3A_51, %dma_start3A_117] : memref<10240x128xf32, #tpu.memory_space<vmem_shared>> -> memref<80x128xf32, #tpu.memory_space<vmem_shared>>
      tpu.enqueue_dma source(%arg10 : memref<80x128xf32, #tpu.memory_space<vmem>>) target(%dma_start3A_118 : memref<80x128xf32, #tpu.memory_space<vmem_shared>>) target_semaphore(%run_scoped3A_114 : memref<!tpu.dma_semaphore, #tpu.memory_space<semaphore_mem>>)
      %dma_wait3A_119 = arith.constant 0 : i32
      %dma_wait3A_120 = tpu.memref_slice %arg6[%add3A_51, %dma_wait3A_119] : memref<10240x128xf32, #tpu.memory_space<vmem_shared>> -> memref<80x128xf32, #tpu.memory_space<vmem_shared>>
      %dma_wait3A_121 = arith.constant 0 : i32
      %dma_wait3A_122 = tpu.memref_slice %arg6[%add3A_51, %dma_wait3A_121] : memref<10240x128xf32, #tpu.memory_space<vmem_shared>> -> memref<80x128xf32, #tpu.memory_space<vmem_shared>>
      tpu.wait_dma2 semaphore(%run_scoped3A_114 : memref<!tpu.dma_semaphore, #tpu.memory_space<semaphore_mem>>) src(%arg10 : memref<80x128xf32, #tpu.memory_space<vmem>>) dst(%dma_wait3A_122 : memref<80x128xf32, #tpu.memory_space<vmem_shared>>)
      tpu.yield
    }) : () -> ()
    %add3A_52 = arith.constant 400 : i32
    %add3A_53 = arith.addi %mul3A_41, %add3A_52 : i32
    "tpu.region"() ({
      %run_scoped3A_114 = tpu.sem_alloc : memref<!tpu.dma_semaphore, #tpu.memory_space<semaphore_mem>>
      %dma_start3A_115 = arith.constant 0 : i32
      %dma_start3A_116 = tpu.memref_slice %arg6[%add3A_53, %dma_start3A_115] : memref<10240x128xf32, #tpu.memory_space<vmem_shared>> -> memref<80x128xf32, #tpu.memory_space<vmem_shared>>
      %dma_start3A_117 = arith.constant 0 : i32
      %dma_start3A_118 = tpu.memref_slice %arg6[%add3A_53, %dma_start3A_117] : memref<10240x128xf32, #tpu.memory_space<vmem_shared>> -> memref<80x128xf32, #tpu.memory_space<vmem_shared>>
      tpu.enqueue_dma source(%arg10 : memref<80x128xf32, #tpu.memory_space<vmem>>) target(%dma_start3A_118 : memref<80x128xf32, #tpu.memory_space<vmem_shared>>) target_semaphore(%run_scoped3A_114 : memref<!tpu.dma_semaphore, #tpu.memory_space<semaphore_mem>>)
      %dma_wait3A_119 = arith.constant 0 : i32
      %dma_wait3A_120 = tpu.memref_slice %arg6[%add3A_53, %dma_wait3A_119] : memref<10240x128xf32, #tpu.memory_space<vmem_shared>> -> memref<80x128xf32, #tpu.memory_space<vmem_shared>>
      %dma_wait3A_121 = arith.constant 0 : i32
      %dma_wait3A_122 = tpu.memref_slice %arg6[%add3A_53, %dma_wait3A_121] : memref<10240x128xf32, #tpu.memory_space<vmem_shared>> -> memref<80x128xf32, #tpu.memory_space<vmem_shared>>
      tpu.wait_dma2 semaphore(%run_scoped3A_114 : memref<!tpu.dma_semaphore, #tpu.memory_space<semaphore_mem>>) src(%arg10 : memref<80x128xf32, #tpu.memory_space<vmem>>) dst(%dma_wait3A_122 : memref<80x128xf32, #tpu.memory_space<vmem_shared>>)
      tpu.yield
    }) : () -> ()
    %add3A_54 = arith.constant 480 : i32
    %add3A_55 = arith.addi %mul3A_41, %add3A_54 : i32
    "tpu.region"() ({
      %run_scoped3A_114 = tpu.sem_alloc : memref<!tpu.dma_semaphore, #tpu.memory_space<semaphore_mem>>
      %dma_start3A_115 = arith.constant 0 : i32
      %dma_start3A_116 = tpu.memref_slice %arg6[%add3A_55, %dma_start3A_115] : memref<10240x128xf32, #tpu.memory_space<vmem_shared>> -> memref<80x128xf32, #tpu.memory_space<vmem_shared>>
      %dma_start3A_117 = arith.constant 0 : i32
      %dma_start3A_118 = tpu.memref_slice %arg6[%add3A_55, %dma_start3A_117] : memref<10240x128xf32, #tpu.memory_space<vmem_shared>> -> memref<80x128xf32, #tpu.memory_space<vmem_shared>>
      tpu.enqueue_dma source(%arg10 : memref<80x128xf32, #tpu.memory_space<vmem>>) target(%dma_start3A_118 : memref<80x128xf32, #tpu.memory_space<vmem_shared>>) target_semaphore(%run_scoped3A_114 : memref<!tpu.dma_semaphore, #tpu.memory_space<semaphore_mem>>)
      %dma_wait3A_119 = arith.constant 0 : i32
      %dma_wait3A_120 = tpu.memref_slice %arg6[%add3A_55, %dma_wait3A_119] : memref<10240x128xf32, #tpu.memory_space<vmem_shared>> -> memref<80x128xf32, #tpu.memory_space<vmem_shared>>
      %dma_wait3A_121 = arith.constant 0 : i32
      %dma_wait3A_122 = tpu.memref_slice %arg6[%add3A_55, %dma_wait3A_121] : memref<10240x128xf32, #tpu.memory_space<vmem_shared>> -> memref<80x128xf32, #tpu.memory_space<vmem_shared>>
      tpu.wait_dma2 semaphore(%run_scoped3A_114 : memref<!tpu.dma_semaphore, #tpu.memory_space<semaphore_mem>>) src(%arg10 : memref<80x128xf32, #tpu.memory_space<vmem>>) dst(%dma_wait3A_122 : memref<80x128xf32, #tpu.memory_space<vmem_shared>>)
      tpu.yield
    }) : () -> ()
    %add3A_56 = arith.constant 560 : i32
    %add3A_57 = arith.addi %mul3A_41, %add3A_56 : i32
    "tpu.region"() ({
      %run_scoped3A_114 = tpu.sem_alloc : memref<!tpu.dma_semaphore, #tpu.memory_space<semaphore_mem>>
      %dma_start3A_115 = arith.constant 0 : i32
      %dma_start3A_116 = tpu.memref_slice %arg6[%add3A_57, %dma_start3A_115] : memref<10240x128xf32, #tpu.memory_space<vmem_shared>> -> memref<80x128xf32, #tpu.memory_space<vmem_shared>>
      %dma_start3A_117 = arith.constant 0 : i32
      %dma_start3A_118 = tpu.memref_slice %arg6[%add3A_57, %dma_start3A_117] : memref<10240x128xf32, #tpu.memory_space<vmem_shared>> -> memref<80x128xf32, #tpu.memory_space<vmem_shared>>
      tpu.enqueue_dma source(%arg10 : memref<80x128xf32, #tpu.memory_space<vmem>>) target(%dma_start3A_118 : memref<80x128xf32, #tpu.memory_space<vmem_shared>>) target_semaphore(%run_scoped3A_114 : memref<!tpu.dma_semaphore, #tpu.memory_space<semaphore_mem>>)
      %dma_wait3A_119 = arith.constant 0 : i32
      %dma_wait3A_120 = tpu.memref_slice %arg6[%add3A_57, %dma_wait3A_119] : memref<10240x128xf32, #tpu.memory_space<vmem_shared>> -> memref<80x128xf32, #tpu.memory_space<vmem_shared>>
      %dma_wait3A_121 = arith.constant 0 : i32
      %dma_wait3A_122 = tpu.memref_slice %arg6[%add3A_57, %dma_wait3A_121] : memref<10240x128xf32, #tpu.memory_space<vmem_shared>> -> memref<80x128xf32, #tpu.memory_space<vmem_shared>>
      tpu.wait_dma2 semaphore(%run_scoped3A_114 : memref<!tpu.dma_semaphore, #tpu.memory_space<semaphore_mem>>) src(%arg10 : memref<80x128xf32, #tpu.memory_space<vmem>>) dst(%dma_wait3A_122 : memref<80x128xf32, #tpu.memory_space<vmem_shared>>)
      tpu.yield
    }) : () -> ()
    "tpu.region"() ({
      %run_scoped3A_114 = tpu.sem_alloc : memref<!tpu.dma_semaphore, #tpu.memory_space<semaphore_mem>>
      %dma_start3A_115 = tpu.memref_slice %arg7[%mul3A_41] : memref<10240xf32, #tpu.memory_space<vmem_shared>> -> memref<640xf32, #tpu.memory_space<vmem_shared>>
      %dma_start3A_116 = tpu.memref_slice %arg7[%mul3A_41] : memref<10240xf32, #tpu.memory_space<vmem_shared>> -> memref<640xf32, #tpu.memory_space<vmem_shared>>
      tpu.enqueue_dma source(%arg12 : memref<640xf32, #tpu.memory_space<vmem>>) target(%dma_start3A_116 : memref<640xf32, #tpu.memory_space<vmem_shared>>) target_semaphore(%run_scoped3A_114 : memref<!tpu.dma_semaphore, #tpu.memory_space<semaphore_mem>>)
      %dma_wait3A_117 = tpu.memref_slice %arg7[%mul3A_41] : memref<10240xf32, #tpu.memory_space<vmem_shared>> -> memref<640xf32, #tpu.memory_space<vmem_shared>>
      %dma_wait3A_118 = tpu.memref_slice %arg7[%mul3A_41] : memref<10240xf32, #tpu.memory_space<vmem_shared>> -> memref<640xf32, #tpu.memory_space<vmem_shared>>
      tpu.wait_dma2 semaphore(%run_scoped3A_114 : memref<!tpu.dma_semaphore, #tpu.memory_space<semaphore_mem>>) src(%arg12 : memref<640xf32, #tpu.memory_space<vmem>>) dst(%dma_wait3A_118 : memref<640xf32, #tpu.memory_space<vmem_shared>>)
      tpu.yield
    }) : () -> ()
    %barrier3A = arith.constant 0 : index
    tpu.barrier barrier_id(%barrier3A)
    %run_scoped3A = arith.constant 0 : i32
    "tpu.region"() ({
      %run_scoped3A_114 = tpu.sem_alloc : memref<!tpu.dma_semaphore, #tpu.memory_space<semaphore_mem>>
      %dma_start3A_115 = arith.constant 0 : i32
      %dma_start3A_116 = arith.constant 0 : i32
      %dma_start3A_117 = tpu.memref_slice %arg3[%run_scoped3A, %add3A, %dma_start3A_115, %dma_start3A_116] : memref<2x32x125x80xi32, #tpu.memory_space<hbm>> -> memref<1x1x125x80xi32, #tpu.memory_space<hbm>>
      %dma_start3A_118 = tpu.memref_squeeze %dma_start3A_117 : memref<1x1x125x80xi32, #tpu.memory_space<hbm>> -> memref<125x80xi32, #tpu.memory_space<hbm>>
      %dma_start3A_119 = arith.constant 0 : i32
      %dma_start3A_120 = arith.constant 0 : i32
      %dma_start3A_121 = tpu.memref_slice %arg3[%run_scoped3A, %add3A, %dma_start3A_119, %dma_start3A_120] : memref<2x32x125x80xi32, #tpu.memory_space<hbm>> -> memref<1x1x125x80xi32, #tpu.memory_space<hbm>>
      %dma_start3A_122 = tpu.memref_squeeze %dma_start3A_121 : memref<1x1x125x80xi32, #tpu.memory_space<hbm>> -> memref<125x80xi32, #tpu.memory_space<hbm>>
      tpu.enqueue_dma source(%dma_start3A_122 : memref<125x80xi32, #tpu.memory_space<hbm>>) target(%arg8 : memref<125x80xi32, #tpu.memory_space<vmem>>) target_semaphore(%run_scoped3A_114 : memref<!tpu.dma_semaphore, #tpu.memory_space<semaphore_mem>>)
      %dma_wait3A_123 = arith.constant 0 : i32
      %dma_wait3A_124 = arith.constant 0 : i32
      %dma_wait3A_125 = tpu.memref_slice %arg3[%run_scoped3A, %add3A, %dma_wait3A_123, %dma_wait3A_124] : memref<2x32x125x80xi32, #tpu.memory_space<hbm>> -> memref<1x1x125x80xi32, #tpu.memory_space<hbm>>
      %dma_wait3A_126 = tpu.memref_squeeze %dma_wait3A_125 : memref<1x1x125x80xi32, #tpu.memory_space<hbm>> -> memref<125x80xi32, #tpu.memory_space<hbm>>
      %dma_wait3A_127 = arith.constant 0 : i32
      %dma_wait3A_128 = arith.constant 0 : i32
      %dma_wait3A_129 = tpu.memref_slice %arg3[%run_scoped3A, %add3A, %dma_wait3A_127, %dma_wait3A_128] : memref<2x32x125x80xi32, #tpu.memory_space<hbm>> -> memref<1x1x125x80xi32, #tpu.memory_space<hbm>>
      %dma_wait3A_130 = tpu.memref_squeeze %dma_wait3A_129 : memref<1x1x125x80xi32, #tpu.memory_space<hbm>> -> memref<125x80xi32, #tpu.memory_space<hbm>>
      tpu.wait_dma2 semaphore(%run_scoped3A_114 : memref<!tpu.dma_semaphore, #tpu.memory_space<semaphore_mem>>) src(%dma_wait3A_130 : memref<125x80xi32, #tpu.memory_space<hbm>>) dst(%arg8 : memref<125x80xi32, #tpu.memory_space<vmem>>)
      tpu.yield
    }) : () -> ()
    %run_scoped3A_58 = arith.constant 1 : i32
    "tpu.region"() ({
      %run_scoped3A_114 = tpu.sem_alloc : memref<!tpu.dma_semaphore, #tpu.memory_space<semaphore_mem>>
      %dma_start3A_115 = arith.constant 0 : i32
      %dma_start3A_116 = arith.constant 0 : i32
      %dma_start3A_117 = tpu.memref_slice %arg3[%run_scoped3A_58, %add3A, %dma_start3A_115, %dma_start3A_116] : memref<2x32x125x80xi32, #tpu.memory_space<hbm>> -> memref<1x1x125x80xi32, #tpu.memory_space<hbm>>
      %dma_start3A_118 = tpu.memref_squeeze %dma_start3A_117 : memref<1x1x125x80xi32, #tpu.memory_space<hbm>> -> memref<125x80xi32, #tpu.memory_space<hbm>>
      %dma_start3A_119 = arith.constant 0 : i32
      %dma_start3A_120 = arith.constant 0 : i32
      %dma_start3A_121 = tpu.memref_slice %arg3[%run_scoped3A_58, %add3A, %dma_start3A_119, %dma_start3A_120] : memref<2x32x125x80xi32, #tpu.memory_space<hbm>> -> memref<1x1x125x80xi32, #tpu.memory_space<hbm>>
      %dma_start3A_122 = tpu.memref_squeeze %dma_start3A_121 : memref<1x1x125x80xi32, #tpu.memory_space<hbm>> -> memref<125x80xi32, #tpu.memory_space<hbm>>
      tpu.enqueue_dma source(%dma_start3A_122 : memref<125x80xi32, #tpu.memory_space<hbm>>) target(%arg9 : memref<125x80xi32, #tpu.memory_space<vmem>>) target_semaphore(%run_scoped3A_114 : memref<!tpu.dma_semaphore, #tpu.memory_space<semaphore_mem>>)
      %dma_wait3A_123 = arith.constant 0 : i32
      %dma_wait3A_124 = arith.constant 0 : i32
      %dma_wait3A_125 = tpu.memref_slice %arg3[%run_scoped3A_58, %add3A, %dma_wait3A_123, %dma_wait3A_124] : memref<2x32x125x80xi32, #tpu.memory_space<hbm>> -> memref<1x1x125x80xi32, #tpu.memory_space<hbm>>
      %dma_wait3A_126 = tpu.memref_squeeze %dma_wait3A_125 : memref<1x1x125x80xi32, #tpu.memory_space<hbm>> -> memref<125x80xi32, #tpu.memory_space<hbm>>
      %dma_wait3A_127 = arith.constant 0 : i32
      %dma_wait3A_128 = arith.constant 0 : i32
      %dma_wait3A_129 = tpu.memref_slice %arg3[%run_scoped3A_58, %add3A, %dma_wait3A_127, %dma_wait3A_128] : memref<2x32x125x80xi32, #tpu.memory_space<hbm>> -> memref<1x1x125x80xi32, #tpu.memory_space<hbm>>
      %dma_wait3A_130 = tpu.memref_squeeze %dma_wait3A_129 : memref<1x1x125x80xi32, #tpu.memory_space<hbm>> -> memref<125x80xi32, #tpu.memory_space<hbm>>
      tpu.wait_dma2 semaphore(%run_scoped3A_114 : memref<!tpu.dma_semaphore, #tpu.memory_space<semaphore_mem>>) src(%dma_wait3A_130 : memref<125x80xi32, #tpu.memory_space<hbm>>) dst(%arg9 : memref<125x80xi32, #tpu.memory_space<vmem>>)
      tpu.yield
    }) : () -> ()
    %dma_start3A = arith.constant 0 : i32
    %dma_start3A_59 = arith.constant 0 : i32
    %dma_start3A_60 = tpu.memref_slice %arg8[%dma_start3A, %dma_start3A_59] : memref<125x80xi32, #tpu.memory_space<vmem>> -> memref<1x80xi32, #tpu.memory_space<vmem>>
    %dma_start3A_61 = tpu.memref_squeeze %dma_start3A_60 : memref<1x80xi32, #tpu.memory_space<vmem>> -> memref<80xi32, #tpu.memory_space<vmem>>
    %dma_start3A_62 = arith.constant 0 : i32
    %dma_start3A_63 = arith.constant 0 : i32
    %dma_start3A_64 = tpu.memref_slice %arg2[%dma_start3A_62, %dma_start3A_63] : memref<10000x128xf32, #tpu.memory_space<hbm>> -> memref<10000x128xf32, #tpu.memory_space<hbm>>
    tpu.enqueue_indirect_dma source(%dma_start3A_64 : memref<10000x128xf32, #tpu.memory_space<hbm>>) target(%arg10 : memref<80x128xf32, #tpu.memory_space<vmem>>) offsets(%dma_start3A_61 : memref<80xi32, #tpu.memory_space<vmem>>) semaphore(%arg14 : memref<!tpu.dma_semaphore, #tpu.memory_space<semaphore_mem>>)
    %scan3A_65 = arith.constant 0 : i32
    %scan3A_66 = arith.constant 62 : i32
    %scan3A_67 = arith.addi %scan3A_65, %scan3A_66 : i32
    %scan3A_68 = arith.constant 1 : i32
    scf.for %scan3A_114 = %scan3A_65 to %scan3A_67 step %scan3A_68  : i32 {
      %mul3A_115 = arith.constant 1 : i32
      %mul3A_116 = arith.muli %scan3A_114, %mul3A_115 : i32
      %add3A_117 = arith.constant 0 : i32
      %add3A_118 = arith.addi %add3A_117, %mul3A_116 : i32
      %mul3A_119 = arith.constant 2 : i32
      %mul3A_120 = arith.muli %mul3A_119, %add3A_118 : i32
      %add3A_121 = arith.constant 1 : i32
      %add3A_122 = arith.addi %mul3A_120, %add3A_121 : i32
      %dma_start3A_123 = arith.constant 0 : i32
      %dma_start3A_124 = tpu.memref_slice %arg8[%add3A_122, %dma_start3A_123] : memref<125x80xi32, #tpu.memory_space<vmem>> -> memref<1x80xi32, #tpu.memory_space<vmem>>
      %dma_start3A_125 = tpu.memref_squeeze %dma_start3A_124 : memref<1x80xi32, #tpu.memory_space<vmem>> -> memref<80xi32, #tpu.memory_space<vmem>>
      %dma_start3A_126 = arith.constant 0 : i32
      %dma_start3A_127 = arith.constant 0 : i32
      %dma_start3A_128 = tpu.memref_slice %arg2[%dma_start3A_126, %dma_start3A_127] : memref<10000x128xf32, #tpu.memory_space<hbm>> -> memref<10000x128xf32, #tpu.memory_space<hbm>>
      tpu.enqueue_indirect_dma source(%dma_start3A_128 : memref<10000x128xf32, #tpu.memory_space<hbm>>) target(%arg11 : memref<80x128xf32, #tpu.memory_space<vmem>>) offsets(%dma_start3A_125 : memref<80xi32, #tpu.memory_space<vmem>>) semaphore(%arg15 : memref<!tpu.dma_semaphore, #tpu.memory_space<semaphore_mem>>)
      %dma_wait3A_129 = arith.constant 0 : i32
      %dma_wait3A_130 = arith.constant 0 : i32
      %dma_wait3A_131 = tpu.memref_slice %arg8[%dma_wait3A_129, %dma_wait3A_130] : memref<125x80xi32, #tpu.memory_space<vmem>> -> memref<1x80xi32, #tpu.memory_space<vmem>>
      %dma_wait3A_132 = tpu.memref_squeeze %dma_wait3A_131 : memref<1x80xi32, #tpu.memory_space<vmem>> -> memref<80xi32, #tpu.memory_space<vmem>>
      %dma_wait3A_133 = arith.constant 0 : i32
      %dma_wait3A_134 = arith.constant 0 : i32
      %dma_wait3A_135 = tpu.memref_slice %arg2[%dma_wait3A_133, %dma_wait3A_134] : memref<10000x128xf32, #tpu.memory_space<hbm>> -> memref<10000x128xf32, #tpu.memory_space<hbm>>
      tpu.wait_indirect_dma semaphore(%arg14 : memref<!tpu.dma_semaphore, #tpu.memory_space<semaphore_mem>>) src(%dma_wait3A_135 : memref<10000x128xf32, #tpu.memory_space<hbm>>) dst(%arg10 : memref<80x128xf32, #tpu.memory_space<vmem>>)
      "tpu.region"() ({
        %run_scoped3A_165 = tpu.sem_alloc : memref<!tpu.dma_semaphore, #tpu.memory_space<semaphore_mem>>
        %dma_start3A_166 = arith.constant 0 : i32
        %dma_start3A_167 = tpu.memref_slice %arg9[%mul3A_120, %dma_start3A_166] : memref<125x80xi32, #tpu.memory_space<vmem>> -> memref<1x80xi32, #tpu.memory_space<vmem>>
        %dma_start3A_168 = tpu.memref_squeeze %dma_start3A_167 : memref<1x80xi32, #tpu.memory_space<vmem>> -> memref<80xi32, #tpu.memory_space<vmem>>
        %dma_start3A_169 = arith.constant 0 : i32
        %dma_start3A_170 = arith.constant 0 : i32
        %dma_start3A_171 = tpu.memref_slice %arg6[%dma_start3A_169, %dma_start3A_170] : memref<10240x128xf32, #tpu.memory_space<vmem_shared>> -> memref<10240x128xf32, #tpu.memory_space<vmem_shared>>
        tpu.enqueue_indirect_dma source(%arg10 : memref<80x128xf32, #tpu.memory_space<vmem>>) target(%dma_start3A_171 : memref<10240x128xf32, #tpu.memory_space<vmem_shared>>) offsets(%dma_start3A_168 : memref<80xi32, #tpu.memory_space<vmem>>) semaphore(%run_scoped3A_165 : memref<!tpu.dma_semaphore, #tpu.memory_space<semaphore_mem>>) {add = true}
        %dma_wait3A_172 = arith.constant 0 : i32
        %dma_wait3A_173 = tpu.memref_slice %arg9[%mul3A_120, %dma_wait3A_172] : memref<125x80xi32, #tpu.memory_space<vmem>> -> memref<1x80xi32, #tpu.memory_space<vmem>>
        %dma_wait3A_174 = tpu.memref_squeeze %dma_wait3A_173 : memref<1x80xi32, #tpu.memory_space<vmem>> -> memref<80xi32, #tpu.memory_space<vmem>>
        %dma_wait3A_175 = arith.constant 0 : i32
        %dma_wait3A_176 = arith.constant 0 : i32
        %dma_wait3A_177 = tpu.memref_slice %arg6[%dma_wait3A_175, %dma_wait3A_176] : memref<10240x128xf32, #tpu.memory_space<vmem_shared>> -> memref<10240x128xf32, #tpu.memory_space<vmem_shared>>
        tpu.wait_indirect_dma semaphore(%run_scoped3A_165 : memref<!tpu.dma_semaphore, #tpu.memory_space<semaphore_mem>>) src(%arg10 : memref<80x128xf32, #tpu.memory_space<vmem>>) dst(%dma_wait3A_177 : memref<10240x128xf32, #tpu.memory_space<vmem_shared>>)
        tpu.yield
      }) : () -> ()
      %dma_start3A_136 = arith.constant 0 : i32
      %dma_start3A_137 = tpu.memref_slice %arg9[%mul3A_120, %dma_start3A_136] : memref<125x80xi32, #tpu.memory_space<vmem>> -> memref<1x80xi32, #tpu.memory_space<vmem>>
      %dma_start3A_138 = tpu.memref_squeeze %dma_start3A_137 : memref<1x80xi32, #tpu.memory_space<vmem>> -> memref<80xi32, #tpu.memory_space<vmem>>
      %dma_start3A_139 = arith.constant 0 : i32
      %dma_start3A_140 = tpu.memref_slice %arg7[%dma_start3A_139] : memref<10240xf32, #tpu.memory_space<vmem_shared>> -> memref<10240xf32, #tpu.memory_space<vmem_shared>>
      tpu.enqueue_indirect_dma source(%arg13 : memref<80xf32, #tpu.memory_space<vmem>>) target(%dma_start3A_140 : memref<10240xf32, #tpu.memory_space<vmem_shared>>) offsets(%dma_start3A_138 : memref<80xi32, #tpu.memory_space<vmem>>) semaphore(%arg16 : memref<!tpu.dma_semaphore, #tpu.memory_space<semaphore_mem>>) {add = true}
      %add3A_141 = arith.constant 2 : i32
      %add3A_142 = arith.addi %mul3A_120, %add3A_141 : i32
      %dma_start3A_143 = arith.constant 0 : i32
      %dma_start3A_144 = tpu.memref_slice %arg8[%add3A_142, %dma_start3A_143] : memref<125x80xi32, #tpu.memory_space<vmem>> -> memref<1x80xi32, #tpu.memory_space<vmem>>
      %dma_start3A_145 = tpu.memref_squeeze %dma_start3A_144 : memref<1x80xi32, #tpu.memory_space<vmem>> -> memref<80xi32, #tpu.memory_space<vmem>>
      %dma_start3A_146 = arith.constant 0 : i32
      %dma_start3A_147 = arith.constant 0 : i32
      %dma_start3A_148 = tpu.memref_slice %arg2[%dma_start3A_146, %dma_start3A_147] : memref<10000x128xf32, #tpu.memory_space<hbm>> -> memref<10000x128xf32, #tpu.memory_space<hbm>>
      tpu.enqueue_indirect_dma source(%dma_start3A_148 : memref<10000x128xf32, #tpu.memory_space<hbm>>) target(%arg10 : memref<80x128xf32, #tpu.memory_space<vmem>>) offsets(%dma_start3A_145 : memref<80xi32, #tpu.memory_space<vmem>>) semaphore(%arg14 : memref<!tpu.dma_semaphore, #tpu.memory_space<semaphore_mem>>)
      %dma_wait3A_149 = arith.constant 0 : i32
      %dma_wait3A_150 = arith.constant 0 : i32
      %dma_wait3A_151 = tpu.memref_slice %arg8[%dma_wait3A_149, %dma_wait3A_150] : memref<125x80xi32, #tpu.memory_space<vmem>> -> memref<1x80xi32, #tpu.memory_space<vmem>>
      %dma_wait3A_152 = tpu.memref_squeeze %dma_wait3A_151 : memref<1x80xi32, #tpu.memory_space<vmem>> -> memref<80xi32, #tpu.memory_space<vmem>>
      %dma_wait3A_153 = arith.constant 0 : i32
      %dma_wait3A_154 = arith.constant 0 : i32
      %dma_wait3A_155 = tpu.memref_slice %arg2[%dma_wait3A_153, %dma_wait3A_154] : memref<10000x128xf32, #tpu.memory_space<hbm>> -> memref<10000x128xf32, #tpu.memory_space<hbm>>
      tpu.wait_indirect_dma semaphore(%arg15 : memref<!tpu.dma_semaphore, #tpu.memory_space<semaphore_mem>>) src(%dma_wait3A_155 : memref<10000x128xf32, #tpu.memory_space<hbm>>) dst(%arg11 : memref<80x128xf32, #tpu.memory_space<vmem>>)
      %add3A_156 = arith.constant 1 : i32
      %add3A_157 = arith.addi %mul3A_120, %add3A_156 : i32
      "tpu.region"() ({
        %run_scoped3A_165 = tpu.sem_alloc : memref<!tpu.dma_semaphore, #tpu.memory_space<semaphore_mem>>
        %dma_start3A_166 = arith.constant 0 : i32
        %dma_start3A_167 = tpu.memref_slice %arg9[%add3A_157, %dma_start3A_166] : memref<125x80xi32, #tpu.memory_space<vmem>> -> memref<1x80xi32, #tpu.memory_space<vmem>>
        %dma_start3A_168 = tpu.memref_squeeze %dma_start3A_167 : memref<1x80xi32, #tpu.memory_space<vmem>> -> memref<80xi32, #tpu.memory_space<vmem>>
        %dma_start3A_169 = arith.constant 0 : i32
        %dma_start3A_170 = arith.constant 0 : i32
        %dma_start3A_171 = tpu.memref_slice %arg6[%dma_start3A_169, %dma_start3A_170] : memref<10240x128xf32, #tpu.memory_space<vmem_shared>> -> memref<10240x128xf32, #tpu.memory_space<vmem_shared>>
        tpu.enqueue_indirect_dma source(%arg11 : memref<80x128xf32, #tpu.memory_space<vmem>>) target(%dma_start3A_171 : memref<10240x128xf32, #tpu.memory_space<vmem_shared>>) offsets(%dma_start3A_168 : memref<80xi32, #tpu.memory_space<vmem>>) semaphore(%run_scoped3A_165 : memref<!tpu.dma_semaphore, #tpu.memory_space<semaphore_mem>>) {add = true}
        %dma_wait3A_172 = arith.constant 0 : i32
        %dma_wait3A_173 = tpu.memref_slice %arg9[%add3A_157, %dma_wait3A_172] : memref<125x80xi32, #tpu.memory_space<vmem>> -> memref<1x80xi32, #tpu.memory_space<vmem>>
        %dma_wait3A_174 = tpu.memref_squeeze %dma_wait3A_173 : memref<1x80xi32, #tpu.memory_space<vmem>> -> memref<80xi32, #tpu.memory_space<vmem>>
        %dma_wait3A_175 = arith.constant 0 : i32
        %dma_wait3A_176 = arith.constant 0 : i32
        %dma_wait3A_177 = tpu.memref_slice %arg6[%dma_wait3A_175, %dma_wait3A_176] : memref<10240x128xf32, #tpu.memory_space<vmem_shared>> -> memref<10240x128xf32, #tpu.memory_space<vmem_shared>>
        tpu.wait_indirect_dma semaphore(%run_scoped3A_165 : memref<!tpu.dma_semaphore, #tpu.memory_space<semaphore_mem>>) src(%arg11 : memref<80x128xf32, #tpu.memory_space<vmem>>) dst(%dma_wait3A_177 : memref<10240x128xf32, #tpu.memory_space<vmem_shared>>)
        tpu.yield
      }) : () -> ()
      %dma_start3A_158 = arith.constant 0 : i32
      %dma_start3A_159 = tpu.memref_slice %arg9[%add3A_157, %dma_start3A_158] : memref<125x80xi32, #tpu.memory_space<vmem>> -> memref<1x80xi32, #tpu.memory_space<vmem>>
      %dma_start3A_160 = tpu.memref_squeeze %dma_start3A_159 : memref<1x80xi32, #tpu.memory_space<vmem>> -> memref<80xi32, #tpu.memory_space<vmem>>
      %dma_start3A_161 = arith.constant 0 : i32
      %dma_start3A_162 = tpu.memref_slice %arg7[%dma_start3A_161] : memref<10240xf32, #tpu.memory_space<vmem_shared>> -> memref<10240xf32, #tpu.memory_space<vmem_shared>>
      tpu.enqueue_indirect_dma source(%arg13 : memref<80xf32, #tpu.memory_space<vmem>>) target(%dma_start3A_162 : memref<10240xf32, #tpu.memory_space<vmem_shared>>) offsets(%dma_start3A_160 : memref<80xi32, #tpu.memory_space<vmem>>) semaphore(%arg16 : memref<!tpu.dma_semaphore, #tpu.memory_space<semaphore_mem>>) {add = true}
      %ge3A = arith.constant 2 : i32
      %ge3A_163 = arith.cmpi sge, %add3A_118, %ge3A : i32
      %convert_element_type3A = arith.extui %ge3A_163 : i1 to i32
      %cond3A = arith.constant 0 : i32
      %cond3A_164 = arith.cmpi ne, %convert_element_type3A, %cond3A : i32
      scf.if %cond3A_164 {
        %dma_wait3A_165 = arith.constant 0 : i32
        %dma_wait3A_166 = arith.constant 0 : i32
        %dma_wait3A_167 = tpu.memref_slice %arg9[%dma_wait3A_165, %dma_wait3A_166] : memref<125x80xi32, #tpu.memory_space<vmem>> -> memref<1x80xi32, #tpu.memory_space<vmem>>
        %dma_wait3A_168 = tpu.memref_squeeze %dma_wait3A_167 : memref<1x80xi32, #tpu.memory_space<vmem>> -> memref<80xi32, #tpu.memory_space<vmem>>
        %dma_wait3A_169 = arith.constant 0 : i32
        %dma_wait3A_170 = tpu.memref_slice %arg7[%dma_wait3A_169] : memref<10240xf32, #tpu.memory_space<vmem_shared>> -> memref<10240xf32, #tpu.memory_space<vmem_shared>>
        tpu.wait_indirect_dma semaphore(%arg16 : memref<!tpu.dma_semaphore, #tpu.memory_space<semaphore_mem>>) src(%arg13 : memref<80xf32, #tpu.memory_space<vmem>>) dst(%dma_wait3A_170 : memref<10240xf32, #tpu.memory_space<vmem_shared>>)
        %dma_wait3A_171 = arith.constant 0 : i32
        %dma_wait3A_172 = arith.constant 0 : i32
        %dma_wait3A_173 = tpu.memref_slice %arg9[%dma_wait3A_171, %dma_wait3A_172] : memref<125x80xi32, #tpu.memory_space<vmem>> -> memref<1x80xi32, #tpu.memory_space<vmem>>
        %dma_wait3A_174 = tpu.memref_squeeze %dma_wait3A_173 : memref<1x80xi32, #tpu.memory_space<vmem>> -> memref<80xi32, #tpu.memory_space<vmem>>
        %dma_wait3A_175 = arith.constant 0 : i32
        %dma_wait3A_176 = tpu.memref_slice %arg7[%dma_wait3A_175] : memref<10240xf32, #tpu.memory_space<vmem_shared>> -> memref<10240xf32, #tpu.memory_space<vmem_shared>>
        tpu.wait_indirect_dma semaphore(%arg16 : memref<!tpu.dma_semaphore, #tpu.memory_space<semaphore_mem>>) src(%arg13 : memref<80xf32, #tpu.memory_space<vmem>>) dst(%dma_wait3A_176 : memref<10240xf32, #tpu.memory_space<vmem_shared>>)
      } else {
      }
    }
    %scan3A_69 = arith.constant 62 : i32
    %dma_wait3A = arith.constant 0 : i32
    %dma_wait3A_70 = arith.constant 0 : i32
    %dma_wait3A_71 = tpu.memref_slice %arg8[%dma_wait3A, %dma_wait3A_70] : memref<125x80xi32, #tpu.memory_space<vmem>> -> memref<1x80xi32, #tpu.memory_space<vmem>>
    %dma_wait3A_72 = tpu.memref_squeeze %dma_wait3A_71 : memref<1x80xi32, #tpu.memory_space<vmem>> -> memref<80xi32, #tpu.memory_space<vmem>>
    %dma_wait3A_73 = arith.constant 0 : i32
    %dma_wait3A_74 = arith.constant 0 : i32
    %dma_wait3A_75 = tpu.memref_slice %arg2[%dma_wait3A_73, %dma_wait3A_74] : memref<10000x128xf32, #tpu.memory_space<hbm>> -> memref<10000x128xf32, #tpu.memory_space<hbm>>
    tpu.wait_indirect_dma semaphore(%arg14 : memref<!tpu.dma_semaphore, #tpu.memory_space<semaphore_mem>>) src(%dma_wait3A_75 : memref<10000x128xf32, #tpu.memory_space<hbm>>) dst(%arg10 : memref<80x128xf32, #tpu.memory_space<vmem>>)
    %run_scoped3A_76 = arith.constant 124 : i32
    "tpu.region"() ({
      %run_scoped3A_114 = tpu.sem_alloc : memref<!tpu.dma_semaphore, #tpu.memory_space<semaphore_mem>>
      %dma_start3A_115 = arith.constant 0 : i32
      %dma_start3A_116 = tpu.memref_slice %arg9[%run_scoped3A_76, %dma_start3A_115] : memref<125x80xi32, #tpu.memory_space<vmem>> -> memref<1x80xi32, #tpu.memory_space<vmem>>
      %dma_start3A_117 = tpu.memref_squeeze %dma_start3A_116 : memref<1x80xi32, #tpu.memory_space<vmem>> -> memref<80xi32, #tpu.memory_space<vmem>>
      %dma_start3A_118 = arith.constant 0 : i32
      %dma_start3A_119 = arith.constant 0 : i32
      %dma_start3A_120 = tpu.memref_slice %arg6[%dma_start3A_118, %dma_start3A_119] : memref<10240x128xf32, #tpu.memory_space<vmem_shared>> -> memref<10240x128xf32, #tpu.memory_space<vmem_shared>>
      tpu.enqueue_indirect_dma source(%arg10 : memref<80x128xf32, #tpu.memory_space<vmem>>) target(%dma_start3A_120 : memref<10240x128xf32, #tpu.memory_space<vmem_shared>>) offsets(%dma_start3A_117 : memref<80xi32, #tpu.memory_space<vmem>>) semaphore(%run_scoped3A_114 : memref<!tpu.dma_semaphore, #tpu.memory_space<semaphore_mem>>) {add = true}
      %dma_wait3A_121 = arith.constant 0 : i32
      %dma_wait3A_122 = tpu.memref_slice %arg9[%run_scoped3A_76, %dma_wait3A_121] : memref<125x80xi32, #tpu.memory_space<vmem>> -> memref<1x80xi32, #tpu.memory_space<vmem>>
      %dma_wait3A_123 = tpu.memref_squeeze %dma_wait3A_122 : memref<1x80xi32, #tpu.memory_space<vmem>> -> memref<80xi32, #tpu.memory_space<vmem>>
      %dma_wait3A_124 = arith.constant 0 : i32
      %dma_wait3A_125 = arith.constant 0 : i32
      %dma_wait3A_126 = tpu.memref_slice %arg6[%dma_wait3A_124, %dma_wait3A_125] : memref<10240x128xf32, #tpu.memory_space<vmem_shared>> -> memref<10240x128xf32, #tpu.memory_space<vmem_shared>>
      tpu.wait_indirect_dma semaphore(%run_scoped3A_114 : memref<!tpu.dma_semaphore, #tpu.memory_space<semaphore_mem>>) src(%arg10 : memref<80x128xf32, #tpu.memory_space<vmem>>) dst(%dma_wait3A_126 : memref<10240x128xf32, #tpu.memory_space<vmem_shared>>)
      tpu.yield
    }) : () -> ()
    %dma_start3A_77 = arith.constant 124 : i32
    %dma_start3A_78 = arith.constant 0 : i32
    %dma_start3A_79 = tpu.memref_slice %arg9[%dma_start3A_77, %dma_start3A_78] : memref<125x80xi32, #tpu.memory_space<vmem>> -> memref<1x80xi32, #tpu.memory_space<vmem>>
    %dma_start3A_80 = tpu.memref_squeeze %dma_start3A_79 : memref<1x80xi32, #tpu.memory_space<vmem>> -> memref<80xi32, #tpu.memory_space<vmem>>
    %dma_start3A_81 = arith.constant 0 : i32
    %dma_start3A_82 = tpu.memref_slice %arg7[%dma_start3A_81] : memref<10240xf32, #tpu.memory_space<vmem_shared>> -> memref<10240xf32, #tpu.memory_space<vmem_shared>>
    tpu.enqueue_indirect_dma source(%arg13 : memref<80xf32, #tpu.memory_space<vmem>>) target(%dma_start3A_82 : memref<10240xf32, #tpu.memory_space<vmem_shared>>) offsets(%dma_start3A_80 : memref<80xi32, #tpu.memory_space<vmem>>) semaphore(%arg16 : memref<!tpu.dma_semaphore, #tpu.memory_space<semaphore_mem>>) {add = true}
    %dma_wait3A_83 = arith.constant 0 : i32
    %dma_wait3A_84 = arith.constant 0 : i32
    %dma_wait3A_85 = tpu.memref_slice %arg9[%dma_wait3A_83, %dma_wait3A_84] : memref<125x80xi32, #tpu.memory_space<vmem>> -> memref<1x80xi32, #tpu.memory_space<vmem>>
    %dma_wait3A_86 = tpu.memref_squeeze %dma_wait3A_85 : memref<1x80xi32, #tpu.memory_space<vmem>> -> memref<80xi32, #tpu.memory_space<vmem>>
    %dma_wait3A_87 = arith.constant 0 : i32
    %dma_wait3A_88 = tpu.memref_slice %arg7[%dma_wait3A_87] : memref<10240xf32, #tpu.memory_space<vmem_shared>> -> memref<10240xf32, #tpu.memory_space<vmem_shared>>
    tpu.wait_indirect_dma semaphore(%arg16 : memref<!tpu.dma_semaphore, #tpu.memory_space<semaphore_mem>>) src(%arg13 : memref<80xf32, #tpu.memory_space<vmem>>) dst(%dma_wait3A_88 : memref<10240xf32, #tpu.memory_space<vmem_shared>>)
    %dma_wait3A_89 = arith.constant 0 : i32
    %dma_wait3A_90 = arith.constant 0 : i32
    %dma_wait3A_91 = tpu.memref_slice %arg9[%dma_wait3A_89, %dma_wait3A_90] : memref<125x80xi32, #tpu.memory_space<vmem>> -> memref<1x80xi32, #tpu.memory_space<vmem>>
    %dma_wait3A_92 = tpu.memref_squeeze %dma_wait3A_91 : memref<1x80xi32, #tpu.memory_space<vmem>> -> memref<80xi32, #tpu.memory_space<vmem>>
    %dma_wait3A_93 = arith.constant 0 : i32
    %dma_wait3A_94 = tpu.memref_slice %arg7[%dma_wait3A_93] : memref<10240xf32, #tpu.memory_space<vmem_shared>> -> memref<10240xf32, #tpu.memory_space<vmem_shared>>
    tpu.wait_indirect_dma semaphore(%arg16 : memref<!tpu.dma_semaphore, #tpu.memory_space<semaphore_mem>>) src(%arg13 : memref<80xf32, #tpu.memory_space<vmem>>) dst(%dma_wait3A_94 : memref<10240xf32, #tpu.memory_space<vmem_shared>>)
    %dma_wait3A_95 = arith.constant 0 : i32
    %dma_wait3A_96 = arith.constant 0 : i32
    %dma_wait3A_97 = tpu.memref_slice %arg9[%dma_wait3A_95, %dma_wait3A_96] : memref<125x80xi32, #tpu.memory_space<vmem>> -> memref<1x80xi32, #tpu.memory_space<vmem>>
    %dma_wait3A_98 = tpu.memref_squeeze %dma_wait3A_97 : memref<1x80xi32, #tpu.memory_space<vmem>> -> memref<80xi32, #tpu.memory_space<vmem>>
    %dma_wait3A_99 = arith.constant 0 : i32
    %dma_wait3A_100 = tpu.memref_slice %arg7[%dma_wait3A_99] : memref<10240xf32, #tpu.memory_space<vmem_shared>> -> memref<10240xf32, #tpu.memory_space<vmem_shared>>
    tpu.wait_indirect_dma semaphore(%arg16 : memref<!tpu.dma_semaphore, #tpu.memory_space<semaphore_mem>>) src(%arg13 : memref<80xf32, #tpu.memory_space<vmem>>) dst(%dma_wait3A_100 : memref<10240xf32, #tpu.memory_space<vmem_shared>>)
    %dma_wait3A_101 = arith.constant 0 : i32
    %dma_wait3A_102 = arith.constant 0 : i32
    %dma_wait3A_103 = tpu.memref_slice %arg9[%dma_wait3A_101, %dma_wait3A_102] : memref<125x80xi32, #tpu.memory_space<vmem>> -> memref<1x80xi32, #tpu.memory_space<vmem>>
    %dma_wait3A_104 = tpu.memref_squeeze %dma_wait3A_103 : memref<1x80xi32, #tpu.memory_space<vmem>> -> memref<80xi32, #tpu.memory_space<vmem>>
    %dma_wait3A_105 = arith.constant 0 : i32
    %dma_wait3A_106 = tpu.memref_slice %arg7[%dma_wait3A_105] : memref<10240xf32, #tpu.memory_space<vmem_shared>> -> memref<10240xf32, #tpu.memory_space<vmem_shared>>
    tpu.wait_indirect_dma semaphore(%arg16 : memref<!tpu.dma_semaphore, #tpu.memory_space<semaphore_mem>>) src(%arg13 : memref<80xf32, #tpu.memory_space<vmem>>) dst(%dma_wait3A_106 : memref<10240xf32, #tpu.memory_space<vmem_shared>>)
    %dma_wait3A_107 = arith.constant 0 : i32
    %dma_wait3A_108 = arith.constant 0 : i32
    %dma_wait3A_109 = tpu.memref_slice %arg9[%dma_wait3A_107, %dma_wait3A_108] : memref<125x80xi32, #tpu.memory_space<vmem>> -> memref<1x80xi32, #tpu.memory_space<vmem>>
    %dma_wait3A_110 = tpu.memref_squeeze %dma_wait3A_109 : memref<1x80xi32, #tpu.memory_space<vmem>> -> memref<80xi32, #tpu.memory_space<vmem>>
    %dma_wait3A_111 = arith.constant 0 : i32
    %dma_wait3A_112 = tpu.memref_slice %arg7[%dma_wait3A_111] : memref<10240xf32, #tpu.memory_space<vmem_shared>> -> memref<10240xf32, #tpu.memory_space<vmem_shared>>
    tpu.wait_indirect_dma semaphore(%arg16 : memref<!tpu.dma_semaphore, #tpu.memory_space<semaphore_mem>>) src(%arg13 : memref<80xf32, #tpu.memory_space<vmem>>) dst(%dma_wait3A_112 : memref<10240xf32, #tpu.memory_space<vmem_shared>>)
    %barrier3A_113 = arith.constant 0 : index
    tpu.barrier barrier_id(%barrier3A_113)
    "tpu.region"() ({
      %run_scoped3A_114 = tpu.sem_alloc : memref<!tpu.dma_semaphore, #tpu.memory_space<semaphore_mem>>
      %dma_start3A_115 = arith.constant 0 : i32
      %dma_start3A_116 = tpu.memref_slice %arg4[%arg0, %mul3A_41, %dma_start3A_115] : memref<2x10240x128xf32, #tpu.memory_space<hbm>> -> memref<1x640x128xf32, #tpu.memory_space<hbm>>
      %dma_start3A_117 = tpu.memref_squeeze %dma_start3A_116 : memref<1x640x128xf32, #tpu.memory_space<hbm>> -> memref<640x128xf32, #tpu.memory_space<hbm>>
      %dma_start3A_118 = arith.constant 0 : i32
      %dma_start3A_119 = tpu.memref_slice %arg6[%mul3A_41, %dma_start3A_118] : memref<10240x128xf32, #tpu.memory_space<vmem_shared>> -> memref<640x128xf32, #tpu.memory_space<vmem_shared>>
      tpu.enqueue_dma source(%dma_start3A_119 : memref<640x128xf32, #tpu.memory_space<vmem_shared>>) target(%dma_start3A_117 : memref<640x128xf32, #tpu.memory_space<hbm>>) target_semaphore(%run_scoped3A_114 : memref<!tpu.dma_semaphore, #tpu.memory_space<semaphore_mem>>)
      %dma_wait3A_120 = arith.constant 0 : i32
      %dma_wait3A_121 = tpu.memref_slice %arg4[%arg0, %mul3A_41, %dma_wait3A_120] : memref<2x10240x128xf32, #tpu.memory_space<hbm>> -> memref<1x640x128xf32, #tpu.memory_space<hbm>>
      %dma_wait3A_122 = tpu.memref_squeeze %dma_wait3A_121 : memref<1x640x128xf32, #tpu.memory_space<hbm>> -> memref<640x128xf32, #tpu.memory_space<hbm>>
      %dma_wait3A_123 = arith.constant 0 : i32
      %dma_wait3A_124 = tpu.memref_slice %arg6[%mul3A_41, %dma_wait3A_123] : memref<10240x128xf32, #tpu.memory_space<vmem_shared>> -> memref<640x128xf32, #tpu.memory_space<vmem_shared>>
      tpu.wait_dma2 semaphore(%run_scoped3A_114 : memref<!tpu.dma_semaphore, #tpu.memory_space<semaphore_mem>>) src(%dma_wait3A_124 : memref<640x128xf32, #tpu.memory_space<vmem_shared>>) dst(%dma_wait3A_122 : memref<640x128xf32, #tpu.memory_space<hbm>>)
      tpu.yield
    }) : () -> ()
    "tpu.region"() ({
      %run_scoped3A_114 = tpu.sem_alloc : memref<!tpu.dma_semaphore, #tpu.memory_space<semaphore_mem>>
      %dma_start3A_115 = tpu.memref_slice %arg5[%arg0, %mul3A_41] : memref<2x10240xf32, #tpu.memory_space<hbm>> -> memref<1x640xf32, #tpu.memory_space<hbm>>
      %dma_start3A_116 = tpu.memref_squeeze %dma_start3A_115 : memref<1x640xf32, #tpu.memory_space<hbm>> -> memref<640xf32, #tpu.memory_space<hbm>>
      %dma_start3A_117 = tpu.memref_slice %arg7[%mul3A_41] : memref<10240xf32, #tpu.memory_space<vmem_shared>> -> memref<640xf32, #tpu.memory_space<vmem_shared>>
      tpu.enqueue_dma source(%dma_start3A_117 : memref<640xf32, #tpu.memory_space<vmem_shared>>) target(%dma_start3A_116 : memref<640xf32, #tpu.memory_space<hbm>>) target_semaphore(%run_scoped3A_114 : memref<!tpu.dma_semaphore, #tpu.memory_space<semaphore_mem>>)
      %dma_wait3A_118 = tpu.memref_slice %arg5[%arg0, %mul3A_41] : memref<2x10240xf32, #tpu.memory_space<hbm>> -> memref<1x640xf32, #tpu.memory_space<hbm>>
      %dma_wait3A_119 = tpu.memref_squeeze %dma_wait3A_118 : memref<1x640xf32, #tpu.memory_space<hbm>> -> memref<640xf32, #tpu.memory_space<hbm>>
      %dma_wait3A_120 = tpu.memref_slice %arg7[%mul3A_41] : memref<10240xf32, #tpu.memory_space<vmem_shared>> -> memref<640xf32, #tpu.memory_space<vmem_shared>>
      tpu.wait_dma2 semaphore(%run_scoped3A_114 : memref<!tpu.dma_semaphore, #tpu.memory_space<semaphore_mem>>) src(%dma_wait3A_120 : memref<640xf32, #tpu.memory_space<vmem_shared>>) dst(%dma_wait3A_119 : memref<640xf32, #tpu.memory_space<hbm>>)
      tpu.yield
    }) : () -> ()
    return
  }
}

module attributes {stable_mosaic.version = 14 : i64} {
  func.func @_densea_body(%arg0: i32, %arg1: memref<2000x128xf32, #tpu.memory_space<vmem>>, %arg2: memref<128x128xf32, #tpu.memory_space<vmem>>, %arg3: memref<2000x128xf32, #tpu.memory_space<vmem>>) attributes {dimension_semantics = [#tpu.dimension_semantics<arbitrary>], iteration_bounds = array<i64: 5>, scalar_prefetch = 0 : i64, scratch_operands = 0 : i64, tpu.core_type = #tpu.core_type<tc>, window_params = [{transform_indices = @transform_0, window_bounds = array<i64: 2000, 128>}, {pipeline_mode = #tpu.pipeline_mode<synchronous>, transform_indices = @transform_1, window_bounds = array<i64: 128, 128>}, {transform_indices = @transform_2, window_bounds = array<i64: 2000, 128>}]} {
    %get3A = arith.constant 0 : index
    %get3A_0 = arith.constant 0 : index
    %get3A_1 = vector.load %arg1[%get3A, %get3A_0] : memref<2000x128xf32, #tpu.memory_space<vmem>>, vector<2000x128xf32>
    %get3A_2 = arith.constant 0 : index
    %get3A_3 = arith.constant 0 : index
    %get3A_4 = vector.load %arg2[%get3A_2, %get3A_3] : memref<128x128xf32, #tpu.memory_space<vmem>>, vector<128x128xf32>
    %dot_general3A = arith.constant dense<0.000000e+00> : vector<2000x128xf32>
    %dot_general3A_5 = tpu.matmul %get3A_1, %get3A_4, %dot_general3A {dimension_numbers = #tpu.dot_dimension_numbers<[1], [0], [0], [1], [0, 0, 1, 1], [], []>, transpose_lhs_hint = false} : vector<2000x128xf32>, vector<128x128xf32>, vector<2000x128xf32> -> vector<2000x128xf32>
    %swap3A = arith.constant 0 : index
    %swap3A_6 = arith.constant 0 : index
    %swap3A_7 = vector.load %arg3[%swap3A, %swap3A_6] : memref<2000x128xf32, #tpu.memory_space<vmem>>, vector<2000x128xf32>
    tpu.vector_store %arg3[%swap3A, %swap3A_6], %dot_general3A_5 {strides = array<i32>} : memref<2000x128xf32, #tpu.memory_space<vmem>>, vector<2000x128xf32>,
    return
  }
  func.func @transform_0(%arg0: i32) -> (i32, i32) {
    %c0_i32 = arith.constant 0 : i32
    %c0_i32_0 = arith.constant 0 : i32
    return %arg0, %c0_i32 : i32, i32
  }
  func.func @transform_1(%arg0: i32) -> (i32, i32) {
    %c0_i32 = arith.constant 0 : i32
    %c0_i32_0 = arith.constant 0 : i32
    %c0_i32_1 = arith.constant 0 : i32
    return %c0_i32, %c0_i32_0 : i32, i32
  }
  func.func @transform_2(%arg0: i32) -> (i32, i32) {
    %c0_i32 = arith.constant 0 : i32
    %c0_i32_0 = arith.constant 0 : i32
    return %arg0, %c0_i32 : i32, i32
  }
}

module attributes {stable_mosaic.version = 14 : i64} {
  func.func @_denseb_body(%arg0: i32, %arg1: memref<2x2000x128xf32, #tpu.memory_space<vmem>>, %arg2: memref<2000x2xf32, #tpu.memory_space<vmem>>, %arg3: memref<2000x128xf32, #tpu.memory_space<vmem>>, %arg4: memref<128x128xf32, #tpu.memory_space<vmem>>, %arg5: memref<2000x128xf32, #tpu.memory_space<vmem>>) attributes {dimension_semantics = [#tpu.dimension_semantics<arbitrary>], iteration_bounds = array<i64: 5>, scalar_prefetch = 0 : i64, scratch_operands = 0 : i64, tpu.core_type = #tpu.core_type<tc>, window_params = [{transform_indices = @transform_0, window_bounds = array<i64: 2, 2000, 128>}, {transform_indices = @transform_1, window_bounds = array<i64: 2000, 2>}, {transform_indices = @transform_2, window_bounds = array<i64: 2000, 128>}, {pipeline_mode = #tpu.pipeline_mode<synchronous>, transform_indices = @transform_3, window_bounds = array<i64: 128, 128>}, {transform_indices = @transform_4, window_bounds = array<i64: 2000, 128>}]} {
    %get3A = arith.constant 0 : index
    %get3A_0 = arith.constant 0 : index
    %get3A_1 = arith.constant 0 : index
    %get3A_2 = vector.load %arg1[%get3A, %get3A_0, %get3A_1] : memref<2x2000x128xf32, #tpu.memory_space<vmem>>, vector<1x2000x128xf32>
    %get3A_3 = vector.shape_cast %get3A_2 : vector<1x2000x128xf32> to vector<2000x128xf32>
    %get3A_4 = arith.constant 1 : index
    %get3A_5 = arith.constant 0 : index
    %get3A_6 = arith.constant 0 : index
    %get3A_7 = vector.load %arg1[%get3A_4, %get3A_5, %get3A_6] : memref<2x2000x128xf32, #tpu.memory_space<vmem>>, vector<1x2000x128xf32>
    %get3A_8 = vector.shape_cast %get3A_7 : vector<1x2000x128xf32> to vector<2000x128xf32>
    %add3A = arith.addf %get3A_3, %get3A_8 : vector<2000x128xf32>
    %get3A_9 = arith.constant 0 : index
    %get3A_10 = arith.constant 0 : index
    %get3A_11 = vector.load %arg2[%get3A_9, %get3A_10] : memref<2000x2xf32, #tpu.memory_space<vmem>>, vector<2000x1xf32>
    %get3A_12 = arith.constant 0 : index
    %get3A_13 = arith.constant 1 : index
    %get3A_14 = vector.load %arg2[%get3A_12, %get3A_13] : memref<2000x2xf32, #tpu.memory_space<vmem>>, vector<2000x1xf32>
    %add3A_15 = arith.addf %get3A_11, %get3A_14 : vector<2000x1xf32>
    %max3A = arith.constant 1.000000e+00 : f32
    %max3A_16 = vector.broadcast %max3A : f32 to vector<2000x1xf32>
    %max3A_17 = arith.maximumf %add3A_15, %max3A_16 : vector<2000x1xf32>
    %div3A = vector.broadcast %max3A_17 : vector<2000x1xf32> to vector<2000x128xf32>
    %div3A_18 = arith.divf %add3A, %div3A : vector<2000x128xf32>
    %get3A_19 = arith.constant 0 : index
    %get3A_20 = arith.constant 0 : index
    %get3A_21 = vector.load %arg3[%get3A_19, %get3A_20] : memref<2000x128xf32, #tpu.memory_space<vmem>>, vector<2000x128xf32>
    %get3A_22 = arith.constant 0 : index
    %get3A_23 = arith.constant 0 : index
    %get3A_24 = vector.load %arg4[%get3A_22, %get3A_23] : memref<128x128xf32, #tpu.memory_space<vmem>>, vector<128x128xf32>
    %dot_general3A = arith.constant dense<0.000000e+00> : vector<2000x128xf32>
    %dot_general3A_25 = tpu.matmul %div3A_18, %get3A_24, %dot_general3A {dimension_numbers = #tpu.dot_dimension_numbers<[1], [0], [0], [1], [0, 0, 1, 1], [], []>, transpose_lhs_hint = false} : vector<2000x128xf32>, vector<128x128xf32>, vector<2000x128xf32> -> vector<2000x128xf32>
    %add3A_26 = arith.addf %get3A_21, %dot_general3A_25 : vector<2000x128xf32>
    %max3A_27 = arith.constant 0.000000e+00 : f32
    %max3A_28 = vector.broadcast %max3A_27 : f32 to vector<2000x128xf32>
    %max3A_29 = arith.maximumf %add3A_26, %max3A_28 : vector<2000x128xf32>
    %swap3A = arith.constant 0 : index
    %swap3A_30 = arith.constant 0 : index
    %swap3A_31 = vector.load %arg5[%swap3A, %swap3A_30] : memref<2000x128xf32, #tpu.memory_space<vmem>>, vector<2000x128xf32>
    tpu.vector_store %arg5[%swap3A, %swap3A_30], %max3A_29 {strides = array<i32>} : memref<2000x128xf32, #tpu.memory_space<vmem>>, vector<2000x128xf32>,
    return
  }
  func.func @transform_0(%arg0: i32) -> (i32, i32, i32) {
    %c0_i32 = arith.constant 0 : i32
    %c0_i32_0 = arith.constant 0 : i32
    %c0_i32_1 = arith.constant 0 : i32
    return %c0_i32, %arg0, %c0_i32_0 : i32, i32, i32
  }
  func.func @transform_1(%arg0: i32) -> (i32, i32) {
    %c0_i32 = arith.constant 0 : i32
    %c0_i32_0 = arith.constant 0 : i32
    return %arg0, %c0_i32 : i32, i32
  }
  func.func @transform_2(%arg0: i32) -> (i32, i32) {
    %c0_i32 = arith.constant 0 : i32
    %c0_i32_0 = arith.constant 0 : i32
    return %arg0, %c0_i32 : i32, i32
  }
  func.func @transform_3(%arg0: i32) -> (i32, i32) {
    %c0_i32 = arith.constant 0 : i32
    %c0_i32_0 = arith.constant 0 : i32
    %c0_i32_1 = arith.constant 0 : i32
    return %c0_i32, %c0_i32_0 : i32, i32
  }
  func.func @transform_4(%arg0: i32) -> (i32, i32) {
    %c0_i32 = arith.constant 0 : i32
    %c0_i32_0 = arith.constant 0 : i32
    return %arg0, %c0_i32 : i32, i32
  }
}

module attributes {stable_mosaic.version = 14 : i64} {
  func.func @_score_body(%arg0: i32, %arg1: memref<2048x128xf32, #tpu.memory_space<vmem>>, %arg2: memref<2048x128xf32, #tpu.memory_space<vmem>>, %arg3: memref<2048xf32, #tpu.memory_space<vmem>>, %arg4: memref<2048xf32, #tpu.memory_space<vmem>>) attributes {dimension_semantics = [#tpu.dimension_semantics<arbitrary>], iteration_bounds = array<i64: 8>, scalar_prefetch = 0 : i64, scratch_operands = 0 : i64, tpu.core_type = #tpu.core_type<tc>, window_params = [{transform_indices = @transform_0, window_bounds = array<i64: 2048, 128>}, {transform_indices = @transform_1, window_bounds = array<i64: 2048, 128>}, {transform_indices = @transform_2, window_bounds = array<i64: 2048>}, {transform_indices = @transform_3, window_bounds = array<i64: 2048>}]} {
    %get3A = arith.constant 0 : index
    %get3A_0 = arith.constant 0 : index
    %get3A_1 = vector.load %arg1[%get3A, %get3A_0] : memref<2048x128xf32, #tpu.memory_space<vmem>>, vector<2048x128xf32>
    %get3A_2 = arith.constant 0 : index
    %get3A_3 = arith.constant 0 : index
    %get3A_4 = vector.load %arg2[%get3A_2, %get3A_3] : memref<2048x128xf32, #tpu.memory_space<vmem>>, vector<2048x128xf32>
    %mul3A = arith.mulf %get3A_1, %get3A_4 : vector<2048x128xf32>
    %reduce_sum3A = arith.constant dense<0.000000e+00> : vector<2048xf32>
    %reduce_sum3A_5 = vector.multi_reduction <add>, %mul3A, %reduce_sum3A [1] : vector<2048x128xf32> to vector<2048xf32>
    %get3A_6 = arith.constant 0 : index
    %get3A_7 = vector.load %arg3[%get3A_6] : memref<2048xf32, #tpu.memory_space<vmem>>, vector<2048xf32>
    %add3A = arith.addf %reduce_sum3A_5, %get3A_7 : vector<2048xf32>
    %swap3A = arith.constant 0 : index
    %swap3A_8 = vector.load %arg4[%swap3A] : memref<2048xf32, #tpu.memory_space<vmem>>, vector<2048xf32>
    tpu.vector_store %arg4[%swap3A], %add3A {strides = array<i32>} : memref<2048xf32, #tpu.memory_space<vmem>>, vector<2048xf32>,
    return
  }
  func.func @transform_0(%arg0: i32) -> (i32, i32) {
    %c0_i32 = arith.constant 0 : i32
    %c0_i32_0 = arith.constant 0 : i32
    return %arg0, %c0_i32 : i32, i32
  }
  func.func @transform_1(%arg0: i32) -> (i32, i32) {
    %c0_i32 = arith.constant 0 : i32
    %c0_i32_0 = arith.constant 0 : i32
    return %arg0, %c0_i32 : i32, i32
  }
  func.func @transform_2(%arg0: i32) -> i32 {
    %c0_i32 = arith.constant 0 : i32
    return %arg0 : i32
  }
  func.func @transform_3(%arg0: i32) -> i32 {
    %c0_i32 = arith.constant 0 : i32
    return %arg0 : i32
  }
}

</mosaic_0001>

<sc_bundles>
// kernel: kernel.10.cloned.1.call-start
scs
__scs_entry_jumppad:
0x0: {  	(pc) =	sbr.rel $0x88, $3  }
0x1: {  	(tag) =	ssettag $0x0;
	lr =	simm.s32 $0x1  }
0x2: {  	[smem:$0x3F9A] =	sst lr;
	_ =	strace $0xD0000000  }
0x3: {  	_ = 	snop  }
0x4: {  	_ = 	snop  }
0x5: {  	_ = 	snop  }
0x6: {  	_ = 	snop  }
0x7: {  	_ = 	snop  }
__scs_overlays_trampoline_lowered:
0x8: {  	[smem:$0x3FA9] =	sst s0  }
0x9: {  	[smem:$0x3FAA] =	sst s1  }
0xa: {  	[smem:$0x3FAB] =	sst s2  }
0xb: {  	[smem:$0x3FAC] =	sst s3  }
0xc: {  	[smem:$0x3FAD] =	sst s4  }
0xd: {  	[smem:$0x3FAE] =	sst s5  }
0xe: {  	[smem:$0x3FAF] =	sst s6  }
0xf: {  	[smem:$0x3FB0] =	sst s7  }
0x10: {  	[smem:$0x3FB1] =	sst s8  }
0x11: {  	[smem:$0x3FB2] =	sst s9;
	s0 =	simm.s32 @!p0 $0x0  }
0x12: {  	s1 =	sld [smem:$0x3F98];
	s0 =	simm.s32 @p0 $0x1  }
0x13: {  	[smem:$0x3FB3] =	sst s0;
	s0 =	simm.s32 @!p1 $0x0  }
0x14: {  	s2 =	sld [smem:$0x3F97];
	s0 =	simm.s32 @p1 $0x1  }
0x15: {  	[smem:$0x3FB4] =	sst s0;
	s0 =	simm.s32 @!p2 $0x0  }
0x16: {  	s3 =	sld [smem:$0x3FDB];
	s0 =	simm.s32 @p2 $0x1  }
0x17: {  	s4 =	simm.s32 $0x1BF5;
	[smem:$0x3FB6] =	sst s0  }
0x18: {  	s0 =	sld [smem:$0x3F99];
	_ =	swait.ge [sflag:s4], $0x0  }
0x19: {  	s7 =	sld [smem:$0x3F9A]  }
0x1a: {  	s8 =	sadd.s32 $0xFFFFE003, lr  }
0x1b: {  	s9 =	sadd.s32 $0xFFFFFEF7, lr;
	s5 =	simm.s32 $0xFFFFFFFF;
	p2 =	slt.u32 s8, $0xFFFFF086  }
0x1c: {  	p1 =	slt.u32 s9, $0xF7A;
	s5 =	simm.s32 @!p2 $0x0  }
0x1d: {  	s5 =	simm.s32 @p1 $0x1;
	p0 =	seq.s32 s7, s2  }
0x1e: {  	s7 =	smul.u32 @!p0 $0xF7A, s2;
	p2 =	seq.s32 @!p0 s5, $0x0  }
0x1f: {  	s9 =	smul.u32 $0xF7A, s1;
	s8 =	simm.s32 @!p0 $0x1BF5;
	p2 =	por !p2, p0  }
0x20: {  	[sflag:s8] =	ssyncset.s32 @!p0 $0xFFFFF086;
	s6 =	sadd.s32 @!p0 s3, s7;
	s7 =	simm.s32 @!p0 $0x108  }
0x21: {  	s3 =	sadd.s32 s3, s9;
	s6 =	sadd.s32 @!p0 $0x88, s6;
	s7 =	simm.s32 @p2 $0x1082  }
0x22: {  	[simem:s7], [sflag:s8] =	dma.local @!p0 [hbm:s6], $0xF7A  }
0x23: {  	s9 =	sor.u32 $0xD0000000, s2;
	s6 =	simm.s32 $0x108;
	_ =	swait.ge @!p0 [sflag:s8], $0x0  }
0x24: {  	s3 =	sadd.s32 $0x88, s3;
	s6 =	simm.s32 @!p1 $0x1082;
	[sflag:s4] =	ssyncset.s32 $0xFFFFF086  }
0x25: {  	[simem:s6], [sflag:s4] =	dma.local [hbm:s3], $0xF7A  }
0x26: {  	[smem:$0x3F9A] =	sst s1;
	(tag) =	ssettag s2;
	_ =	strace s9  }
0x27: {  	s1 =	sld [smem:$0x3FAA]  }
0x28: {  	s2 =	sld [smem:$0x3FAB]  }
0x29: {  	s4 =	sld [smem:$0x3FAD]  }
0x2a: {  	p0 =	seq.s32 s5, $0x0;
	s5 =	sld [smem:$0x3FAE]  }
0x2b: {  	s6 =	sld [smem:$0x3FAF]  }
0x2c: {  	s7 =	sld [smem:$0x3FB0]  }
0x2d: {  	s3 =	simm.s32 $0x108;
	s8 =	sld [smem:$0x3FB1]  }
0x2e: {  	s3 =	simm.s32 @!p0 $0x1082;
	s9 =	sld [smem:$0x3FB2]  }
0x2f: {  	lr =	sadd.s32 s0, s3;
	s0 =	sld [smem:$0x3FA9]  }
0x30: {  	s3 =	sld [smem:$0x3FAC]  }
0x31: {  	[smem:$0x3FB5] =	sst s10  }
0x32: {  	s10 =	sld [smem:$0x3FB3];
	_ =	sdelay $0x3  }
0x33: {  	p0 =	seq.s32 s10, $0x1;
	s10 =	sld [smem:$0x3FB5];
	_ =	sdelay $0x3  }
0x34: {  	[smem:$0x3FB5] =	sst s10  }
0x35: {  	s10 =	sld [smem:$0x3FB4];
	_ =	sdelay $0x3  }
0x36: {  	p1 =	seq.s32 s10, $0x1;
	s10 =	sld [smem:$0x3FB5];
	_ =	sdelay $0x3  }
0x37: {  	[smem:$0x3FB5] =	sst s10  }
0x38: {  	s10 =	sld [smem:$0x3FB6]  }
0x39: {  	_ = 	snop;
	(pc) =	sbr.ind lr, $3  }
0x3a: {  	_ = 	snop  }
0x3b: {  	_ = 	snop  }
0x3c: {  	p2 =	seq.s32 s10, $0x1;
	s10 =	sld [smem:$0x3FB5]  }
0x3d: {  	_ =	shalt  }
0x3e: {  	_ =	shalt  }
0x3f: {  	_ =	shalt  }
0x40: {  	_ =	shalt  }
0x41: {  	_ =	shalt  }
0x42: {  	_ =	shalt  }
0x43: {  	_ =	shalt  }
0x44: {  	_ =	shalt  }
0x45: {  	_ =	shalt  }
0x46: {  	_ =	shalt  }
0x47: {  	_ =	shalt  }
0x48: {  	_ =	shalt  }
0x49: {  	_ =	shalt  }
0x4a: {  	_ =	shalt  }
0x4b: {  	_ =	shalt  }
0x4c: {  	_ =	shalt  }
0x4d: {  	_ =	shalt  }
0x4e: {  	_ =	shalt  }
0x4f: {  	_ =	shalt  }
0x50: {  	_ =	shalt  }
0x51: {  	_ =	shalt  }
0x52: {  	_ =	shalt  }
0x53: {  	_ =	shalt  }
0x54: {  	_ =	shalt  }
0x55: {  	_ =	shalt  }
0x56: {  	_ =	shalt  }
0x57: {  	_ =	shalt  }
0x58: {  	_ =	shalt  }
0x59: {  	_ =	shalt  }
0x5a: {  	_ =	shalt  }
0x5b: {  	_ =	shalt  }
0x5c: {  	_ =	shalt  }
0x5d: {  	_ =	shalt  }
0x5e: {  	_ =	shalt  }
0x5f: {  	_ =	shalt  }
0x60: {  	_ =	shalt  }
0x61: {  	_ =	shalt  }
0x62: {  	_ =	shalt  }
0x63: {  	_ =	shalt  }
0x64: {  	_ =	shalt  }
0x65: {  	_ =	shalt  }
0x66: {  	_ =	shalt  }
0x67: {  	_ =	shalt  }
0x68: {  	_ =	shalt  }
0x69: {  	_ =	shalt  }
0x6a: {  	_ =	shalt  }
0x6b: {  	_ =	shalt  }
0x6c: {  	_ =	shalt  }
0x6d: {  	_ =	shalt  }
0x6e: {  	_ =	shalt  }
0x6f: {  	_ =	shalt  }
0x70: {  	_ =	shalt  }
0x71: {  	_ =	shalt  }
0x72: {  	_ =	shalt  }
0x73: {  	_ =	shalt  }
0x74: {  	_ =	shalt  }
0x75: {  	_ =	shalt  }
0x76: {  	_ =	shalt  }
0x77: {  	_ =	shalt  }
0x78: {  	_ =	shalt  }
0x79: {  	_ =	shalt  }
0x7a: {  	_ =	shalt  }
0x7b: {  	_ =	shalt  }
0x7c: {  	_ =	shalt  }
0x7d: {  	_ =	shalt  }
0x7e: {  	_ =	shalt  }
0x7f: {  	_ =	shalt  }
0x80: {  	_ =	shalt  }
0x81: {  	_ =	shalt  }
0x82: {  	_ =	shalt  }
0x83: {  	_ =	shalt  }
0x84: {  	_ =	shalt  }
0x85: {  	_ =	shalt  }
0x86: {  	_ =	shalt  }
0x87: {  	_ =	shalt  }
.Lfunc_end0:
.L_simem_size_0:
called_computation.1_lowered:
.L_overlay_start_0:
0x88: {  	s2 =	sld [smem:$0x3FD9]  }
0x89: {  	s3 =	sld [smem:$0x3FFE];
	_ =	sdelay $0x1  }
0x8a: {  	s1 =	srdreg.scid  }
0x8b: {  	s0 =	sand.u32 $0x1, s1  }
0x8c: {  	s17 =	sshll.u32 s0, $0xA;
	s2 =	sadd.s32 s3, s2  }
0x8d: {  	s2 =	sadd.s32 s2, s17  }
0x8e: {  	[smem:$0x3FC1] =	sst s2  }
0x8f: {  	_ = 	snop  }
0x90: {  	s2 =	sld [smem:$0x3FC7]  }
0x91: {  	s18 =	sld [smem:$0x3FC6]  }
0x92: {  	s4 =	sld [smem:$0x3FC3]  }
0x93: {  	s5 =	sld [smem:$0x3FD0];
	(tm) =	ssettm $0x1  }
0x94: {  	s6 =	sld [smem:$0x3FFB];
	_ =	sdelay $0x3  }
0x95: {  	_ =	strace s6  }
0x96: {  	s6 =	sld [smem:$0x3FFC];
	_ =	sdelay $0x3  }
0x97: {  	_ =	strace s6  }
0x98: {  	s6 =	sld [smem:$0x3FFD];
	_ =	sdelay $0x3  }
0x99: {  	_ =	strace s6  }
0x9a: {  	_ =	strace $0x8FFFFFFF  }
0x9b: {  	s19 =	sld [smem:$0x3FDB];
	_ =	sdelay $0x1  }
0x9c: {  	s7 =	simm.s32 $_scs_section_size  }
0x9d: {  	s8 =	simm.s32 $_size__tile_overlayer_lowered;
	s9 =	simm.s32 $_tile_overlayer_lowered  }
0x9e: {  	s22 =	simm.s32 $0x1BFF;
	s21 =	sshll.u32 s9, $0x1;
	s6 =	sadd.s32 s7, s19  }
0x9f: {  	s10 =	simm.s32 $0x0;
	s20 =	sshll.u32 s8, $0x1;
	s8 =	sadd.s32 s21, s6  }
0xa0: {  	[timem:s10], [sflag:s22] =	dma.local [hbm:s8], s20  }
0xa1: {  	_ =	swait.ge [sflag:s22], s20  }
0xa2: {  	s7 =	ssub.s32 $0x0, s20;
	[sflag:s22] =	ssyncset.done $0x0  }
0xa3: {  	[sflag:s22] =	ssyncadd.s32 s7;
	_ =	sdelay $0x1  }
0xa4: {  	s23 =	simm.s32 $0x1B8B  }
0xa5: {  	_ =	swait.ge [sflag:s23], $0x1  }
0xa6: {  	[sflag:s23] =	ssyncset.done $0x0  }
0xa7: {  	s25 =	simm.s32 $0x1B8E;
	s24 =	sld [smem:$0x3FFE];
	[sflag:s23] =	ssyncadd.s32 $0xFFFFFFFF  }
0xa8: {  	s26 =	simm.s32 $execute0_lowered;
	[smem:$0x3FD2] =	sst s25  }
0xa9: {  	s8 =	sshll.u32 s26, $0x1;
	_ =	strace $0x80000049;
	[dreg:$0x1] =	wrdreg $0xFFFFFFFF  }
0xaa: {  	s28 =	simm.s32 $_size_execute0_lowered;
	s6 =	sadd.s32 s6, s8;
	[dreg:$0x0] =	wrdreg $0x0  }
0xab: {  	s8 =	sshll.u32 s28, $0x1;
	[dreg:$0x2] =	wrdreg s6  }
0xac: {  	[dreg:$0x3] =	wrdreg s8  }
0xad: {  	[dreg:$0x4] =	wrdreg $0xC0  }
0xae: {  	_ =	task [dreg:s10], $0x5FFFF  }
0xaf: {  	[dreg:$0x1] =	wrdreg $0xFFFFFFFF  }
0xb0: {  	[dreg:$0x0] =	wrdreg $0x60  }
0xb1: {  	[dreg:$0x2] =	wrdreg s24  }
0xb2: {  	[dreg:$0x3] =	wrdreg s2  }
0xb3: {  	[dreg:$0x4] =	wrdreg s18  }
0xb4: {  	[dreg:$0x5] =	wrdreg s4  }
0xb5: {  	[dreg:$0x6] =	wrdreg s5  }
0xb6: {  	[dreg:$0x7] =	wrdreg $0x9  }
0xb7: {  	_ =	task.clear_ibuf [dreg:s10], $0x8FFFF;
	_ =	strace $0x90000049  }
0xb8: {  	s29 =	simm.s32 $0x9;
	_ =	strace $0x8000004B  }
0xb9: {  	_ =	swait.ge [sflag:s29], $0x1  }
0xba: {  	[sflag:s29] =	ssyncadd.s32 $0xFFFFFFFF  }
0xbb: {  	_ =	strace $0x9000004B  }
0xbc: {  	_ =	sfence  }
0xbd: {  	s30 =	sld [smem:$0x0];
	_ =	sdelay $0x2  }
0xbe: {  	s31 =	sshll.u32 s1, $0xD;
	s1 =	sshrl.u32 s1, $0x2  }
0xbf: {  	s3 =	sand.u32 $0x4000, s31;
	s1 =	sadd.s32 s1, s30  }
0xc0: {  	s0 =	sor.u32 s3, s0;
	s1 =	sshll.u32 s1, $0x11  }
0xc1: {  	s0 =	sor.u32 s1, s0  }
0xc2: {  	s0 =	sadd.s32 $0x8F2B, s0  }
0xc3: {  	[sflag:s0] =	ssyncadd.remote.s32 $0x1  }
0xc4: {  	_ =	sfence.sel $0xFFFF  }
0xc5: {  	[dreg:$0x0] =	wrdreg $0xFFFFFFFF;
	(pc) =	sbr.abs _section_cstart, $3  }
0xc6: {  	[dreg:$0x1] =	wrdreg $0xFFFFFFFF  }
0xc7: {  	_ =	task.clear_ibuf [dreg:s10], $0x2FFFF;
	_ =	strace $0x9FFFFFFF  }
0xc8: {  	(tm) =	ssettm $0x7FFFFFFF  }
0xc9: {  	_ =	shalt  }
tec
execute0_lowered:
.L_overlay_start_1:
0x0: {  	(tag) =	ssettag $0x1  }
0x1: {  	s1 =	rddreg [dreg:$0x0]  }
0x2: {  	s3 =	rddreg [dreg:$0x1]  }
0x3: {  	s4 =	rddreg [dreg:$0x2]  }
0x4: {  	s0 =	rddreg [dreg:$0x3]  }
0x5: {  	s2 =	srdreg.scid;
	s11 =	stileid.u32  }
0x6: {  	s8 =	rddreg [dreg:$0x4];
	s28 =	simm.s32 $0x380;
	s29 =	simm.s32 $0x3  }
0x7: {  	s30 =	simm.s32 $0x4;
	s31 =	simm.s32 $0x5;
	[dreg:$0x6] =	wrdreg s0  }
0x8: {  	s5 =	sand.u32 $0x1, s2;
	s7 =	sshll.u32 s11, $0x9;
	s2 =	simm.s32 $0x0  }
0x9: {  	s9 =	sadd.s32 $0x29600, s1;
	s10 =	sadd.s32 $0x69600, s1;
	s6 =	sshll.u32 s5, $0xD  }
0xa: {  	[smem:$0x7FF] =	sst s2;
	s5 =	ssub.s32 $0x2, s5;
	s6 =	sor.u32 s7, s6  }
0xb: {  	_ =	strace $0x8000004A;
	s19 =	sshrl.u32 s5, $0x1;
	s7 =	sshrl.u32 s6, $0x3  }
0xc: {  	s13 =	sshll.u32 s6, $0x4;
	s16 =	sor.u32 $0x80, s6;
	s20 =	sor.u32 $0x100, s6  }
0xd: {  	s24 =	sor.u32 $0x180, s6;
	s3 =	sadd.s32 s3, s7;
	s12 =	sadd.s32 s4, s7  }
0xe: {  	s14 =	sadd.s32 s9, s13;
	s15 =	sadd.s32 s10, s13;
	s17 =	sadd.s32 s8, s7  }
0xf: {  	s18 =	sshll.u32 s16, $0x4;
	s4 =	sshrl.u32 s16, $0x3;
	[dreg:$0x7] =	wrdreg s3  }
0x10: {  	s21 =	sshll.u32 s20, $0x4;
	s23 =	sshrl.u32 s20, $0x3;
	[dreg:$0x8] =	wrdreg s12  }
0x11: {  	s25 =	sshll.u32 s24, $0x4;
	s26 =	sshrl.u32 s24, $0x3;
	[dreg:$0x9] =	wrdreg s14  }
0x12: {  	s13 =	simm.s32 $0x80;
	s16 =	simm.s32 $0x8400;
	[dreg:$0xa] =	wrdreg s15  }
0x13: {  	s20 =	simm.s32 $0x10400;
	s24 =	simm.s32 $0x2;
	[dreg:$0xb] =	wrdreg s17  }
0x14: {  	s11 =	sadd.s32 s9, s18;
	s3 =	sadd.s32 $0x2400, s1;
	s7 =	sadd.s32 s10, s18  }
0x15: {  	s4 =	sadd.s32 s8, s4;
	s1 =	ssub.s32 s5, s19;
	s22 =	sadd.s32 s9, s21  }
0x16: {  	s5 =	sadd.s32 s8, s23;
	s6 =	sadd.s32 s9, s25;
	s8 =	sadd.s32 s8, s26  }
0x17: {  	s12 =	simm.s32 $0x18400;
	s14 =	simm.s32 $0x400;
	[dreg:$0xc] =	wrdreg s11  }
0x18: {  	s15 =	simm.s32 $0x4400;
	s17 =	simm.s32 $0x280;
	[dreg:$0xd] =	wrdreg s7  }
0x19: {  	s18 =	simm.s32 $0xC400;
	s19 =	simm.s32 $0x100;
	[dreg:$0xe] =	wrdreg s4  }
0x1a: {  	s23 =	simm.s32 $0x1;
	s26 =	simm.s32 $0x180;
	[dreg:$0xf] =	wrdreg s22  }
0x1b: {  	s4 =	sadd.s32 s10, s21;
	s7 =	sadd.s32 s10, s25;
	s9 =	smax.u32 s1, $0x1  }
0x1c: {  	s10 =	simm.s32 $0x7;
	s11 =	simm.s32 $0x200;
	s21 =	simm.s32 $0x300  }
0x1d: {  	s22 =	simm.s32 $0x14400;
	s25 =	simm.s32 $0x1AB18;
	s1 =	simm.s32 $0x6  }
.LBB2_1:
0x1e: {  	s0 =	rddreg [dreg:$0x7]  }
0x1f: {  	[tilespmem:s2], [sflag:$0x7] =	stream.linear.gather [hbm4b:s0+s2], $0x200, $0x38;
	[tilespmem:$0x1AB98] =	vst v63  }
0x20: {  	_ =	swait.ge [sflag:s10], $0x200  }
0x21: {  	[sflag:s10] =	ssyncset.done $0x0  }
0x22: {  	s0 =	rddreg [dreg:$0x8];
	[sflag:s10] =	ssyncadd.s32 $0xFFFFFE00  }
0x23: {  	[tilespmem:s11], [sflag:$0x7] =	stream.linear.gather [hbm4b:s0+s2], $0x200, $0x38;
	[tilespmem:$0x1AB98] =	vst v63  }
0x24: {  	_ =	swait.ge [sflag:s10], $0x200  }
0x25: {  	[sflag:s10] =	ssyncset.done $0x0  }
0x26: {  	s0 =	rddreg [dreg:$0x6];
	[sflag:s10] =	ssyncadd.s32 $0xFFFFFE00  }
0x27: {  	[tilespmem:s12], [sflag:$0x7] =	stream.linear.gather [hbm4b:s0+s2], $0x2718, $0x38;
	[tilespmem:$0x1AB98] =	vst v63  }
0x28: {  	_ =	swait.ge [sflag:s10], $0x2718  }
0x29: {  	[sflag:s10] =	ssyncset.done $0x0  }
0x2a: {  	[sflag:s10] =	ssyncadd.s32 $0xFFFFD8E8  }
0x2b: {  	[tilespmem:s14], [sflag:$0x1] =	stream.indirect.gather [hbm4b:s3+s13], $0x80, s2, s13, $0xb8;
	[tilespmem:$0x1AB98] =	vst v63  }
0x2c: {  	_ = 	snop  }
0x2d: {  	[tilespmem:s15], [sflag:$0x2] =	stream.indirect.gather [hbm4b:s3+s13], $0x80, s11, s13, $0xb8;
	[tilespmem:$0x1AB98] =	vst v63  }
0x2e: {  	_ = 	snop  }
0x2f: {  	[tilespmem:s16], [sflag:$0x3] =	stream.indirect.gather [hbm4b:s3+s13], $0x80, s13, s13, $0xb8;
	[tilespmem:$0x1AB98] =	vst v63  }
0x30: {  	_ = 	snop  }
0x31: {  	[tilespmem:s18], [sflag:$0x4] =	stream.indirect.gather [hbm4b:s3+s13], $0x80, s17, s13, $0xb8;
	[tilespmem:$0x1AB98] =	vst v63  }
0x32: {  	_ = 	snop  }
0x33: {  	[tilespmem:s20], [sflag:$0x5] =	stream.indirect.gather [hbm4b:s3+s13], $0x80, s19, s13, $0xb8;
	[tilespmem:$0x1AB98] =	vst v63  }
0x34: {  	_ = 	snop  }
0x35: {  	[tilespmem:s22], [sflag:$0x6] =	stream.indirect.gather [hbm4b:s3+s13], $0x80, s21, s13, $0xb8;
	[tilespmem:$0x1AB98] =	vst v63  }
0x36: {  	v0 =	vld [tilespmem:$0x0]  }
0x37: {  	v1 =	vld [tilespmem:$0x200];
	_ =	sdelay $0x3  }
0x38: {  	v0 =	vadd.s32 $0x1, v0  }
0x39: {  	v1 =	vadd.s32 $0x1, v1;
	_ =	sdelay $0x1  }
0x3a: {  	v2 =	vld [tilespmem:$0x10]  }
0x3b: {  	v3 =	vld [tilespmem:$0x210]  }
0x3c: {  	v0 =	vld.idx.msk [tilespmem:v0+s12+$0x0], $0xffff  }
0x3d: {  	v1 =	vld.idx.msk [tilespmem:v1+s12+$0x0], $0xffff;
	_ =	sdelay $0x2  }
0x3e: {  	v2 =	vadd.s32 $0x1, v2  }
0x3f: {  	v3 =	vadd.s32 $0x1, v3  }
0x40: {  	v0 =	vadd.f32 v1, v0  }
0x41: {  	v30 =	vld [tilespmem:$0x20]  }
0x42: {  	v33 =	vld [tilespmem:$0x220];
	[tilespmem:$0x1AB18] =	vst v0  }
0x43: {  	v31 =	vld.idx.msk [tilespmem:v2+s12+$0x0], $0xffff  }
0x44: {  	v32 =	vld.idx.msk [tilespmem:v3+s12+$0x0], $0xffff;
	_ =	sdelay $0x2  }
0x45: {  	v0 =	vadd.s32 $0x1, v30  }
0x46: {  	v34 =	vadd.s32 $0x1, v33  }
0x47: {  	v1 =	vadd.f32 v32, v31  }
0x48: {  	v35 =	vld [tilespmem:$0x30]  }
0x49: {  	v36 =	vld [tilespmem:$0x230];
	[tilespmem:$0x1AB28] =	vst v1  }
0x4a: {  	v0 =	vld.idx.msk [tilespmem:v0+s12+$0x0], $0xffff  }
0x4b: {  	v2 =	vld.idx.msk [tilespmem:v34+s12+$0x0], $0xffff;
	_ =	sdelay $0x2  }
0x4c: {  	v1 =	vadd.s32 $0x1, v35  }
0x4d: {  	v3 =	vadd.s32 $0x1, v36  }
0x4e: {  	v0 =	vadd.f32 v2, v0  }
0x4f: {  	v37 =	vld [tilespmem:$0x40]  }
0x50: {  	v39 =	vld [tilespmem:$0x240];
	[tilespmem:$0x1AB38] =	vst v0  }
0x51: {  	v1 =	vld.idx.msk [tilespmem:v1+s12+$0x0], $0xffff  }
0x52: {  	v38 =	vld.idx.msk [tilespmem:v3+s12+$0x0], $0xffff;
	_ =	sdelay $0x2  }
0x53: {  	v0 =	vadd.s32 $0x1, v37  }
0x54: {  	v40 =	vadd.s32 $0x1, v39  }
0x55: {  	v1 =	vadd.f32 v38, v1  }
0x56: {  	v41 =	vld [tilespmem:$0x50]  }
0x57: {  	v42 =	vld [tilespmem:$0x250];
	[tilespmem:$0x1AB48] =	vst v1  }
0x58: {  	v0 =	vld.idx.msk [tilespmem:v0+s12+$0x0], $0xffff  }
0x59: {  	v2 =	vld.idx.msk [tilespmem:v40+s12+$0x0], $0xffff;
	_ =	sdelay $0x2  }
0x5a: {  	v1 =	vadd.s32 $0x1, v41  }
0x5b: {  	v3 =	vadd.s32 $0x1, v42  }
0x5c: {  	v0 =	vadd.f32 v2, v0  }
0x5d: {  	v43 =	vld [tilespmem:$0x60]  }
0x5e: {  	v45 =	vld [tilespmem:$0x260];
	[tilespmem:$0x1AB58] =	vst v0  }
0x5f: {  	v1 =	vld.idx.msk [tilespmem:v1+s12+$0x0], $0xffff  }
0x60: {  	v44 =	vld.idx.msk [tilespmem:v3+s12+$0x0], $0xffff;
	_ =	sdelay $0x2  }
0x61: {  	v0 =	vadd.s32 $0x1, v43  }
0x62: {  	v46 =	vadd.s32 $0x1, v45  }
0x63: {  	v1 =	vadd.f32 v44, v1  }
0x64: {  	v47 =	vld [tilespmem:$0x70]  }
0x65: {  	v48 =	vld [tilespmem:$0x270];
	[tilespmem:$0x1AB68] =	vst v1  }
0x66: {  	v0 =	vld.idx.msk [tilespmem:v0+s12+$0x0], $0xffff  }
0x67: {  	v2 =	vld.idx.msk [tilespmem:v46+s12+$0x0], $0xffff;
	_ =	sdelay $0x2  }
0x68: {  	v1 =	vadd.s32 $0x1, v47  }
0x69: {  	v3 =	vadd.s32 $0x1, v48  }
0x6a: {  	v0 =	vadd.f32 v2, v0;
	_ =	sdelay $0x1  }
0x6b: {  	[tilespmem:$0x1AB78] =	vst v0  }
0x6c: {  	v0 =	vld.idx.msk [tilespmem:v1+s12+$0x0], $0xffff  }
0x6d: {  	v49 =	vld.idx.msk [tilespmem:v3+s12+$0x0], $0xffff;
	_ =	sdelay $0x4  }
0x6e: {  	v0 =	vadd.f32 v49, v0;
	_ =	sdelay $0x1  }
0x6f: {  	[tilespmem:$0x1AB88] =	vst v0  }
0x70: {  	_ =	swait.ge [sflag:s23], $0x4000  }
0x71: {  	[sflag:s23] =	ssyncset.done $0x0  }
0x72: {  	[sflag:s23] =	ssyncadd.s32 $0xFFFFC000  }
0x73: {  	_ =	swait.ge [sflag:s24], $0x4000  }
0x74: {  	[sflag:s24] =	ssyncset.done $0x0  }
0x75: {  	s0 =	rddreg [dreg:$0x9];
	[sflag:s24] =	ssyncadd.s32 $0xFFFFC000  }
0x76: {  	[hbm4b:s0+s2] =	stream.linear.scatter [tilespmem:s14], [sflag:$0x7], $0x4000, $0x38;
	[tilespmem:$0x1AB98] =	vst v63  }
0x77: {  	_ =	swait.ge [sflag:s10], $0x4000  }
0x78: {  	[sflag:s10] =	ssyncset.done $0x0  }
0x79: {  	s0 =	rddreg [dreg:$0xa];
	[sflag:s10] =	ssyncadd.s32 $0xFFFFC000  }
0x7a: {  	[hbm4b:s0+s2] =	stream.linear.scatter [tilespmem:s15], [sflag:$0x7], $0x4000, $0x38;
	[tilespmem:$0x1AB98] =	vst v63  }
0x7b: {  	_ =	swait.ge [sflag:s10], $0x4000  }
0x7c: {  	[sflag:s10] =	ssyncset.done $0x0  }
0x7d: {  	s0 =	rddreg [dreg:$0xb];
	[sflag:s10] =	ssyncadd.s32 $0xFFFFC000  }
0x7e: {  	[hbm4b:s0+s2] =	stream.linear.scatter [tilespmem:s25], [sflag:$0x7], $0x80, $0x38;
	[tilespmem:$0x1AB98] =	vst v63  }
0x7f: {  	_ =	swait.ge [sflag:s10], $0x80  }
0x80: {  	[sflag:s10] =	ssyncset.done $0x0  }
0x81: {  	[sflag:s10] =	ssyncadd.s32 $0xFFFFFF80  }
0x82: {  	[tilespmem:s14], [sflag:$0x1] =	stream.indirect.gather [hbm4b:s3+s13], $0x80, s26, s13, $0xb8;
	[tilespmem:$0x1AB98] =	vst v63  }
0x83: {  	_ = 	snop  }
0x84: {  	[tilespmem:s15], [sflag:$0x2] =	stream.indirect.gather [hbm4b:s3+s13], $0x80, s28, s13, $0xb8;
	[tilespmem:$0x1AB98] =	vst v63  }
0x85: {  	v50 =	vld [tilespmem:$0x80]  }
0x86: {  	v51 =	vld [tilespmem:$0x280];
	_ =	sdelay $0x3  }
0x87: {  	v0 =	vadd.s32 $0x1, v50  }
0x88: {  	v1 =	vadd.s32 $0x1, v51;
	_ =	sdelay $0x1  }
0x89: {  	v52 =	vld [tilespmem:$0x90]  }
0x8a: {  	v53 =	vld [tilespmem:$0x290]  }
0x8b: {  	v0 =	vld.idx.msk [tilespmem:v0+s12+$0x0], $0xffff  }
0x8c: {  	v1 =	vld.idx.msk [tilespmem:v1+s12+$0x0], $0xffff;
	_ =	sdelay $0x2  }
0x8d: {  	v2 =	vadd.s32 $0x1, v52  }
0x8e: {  	v3 =	vadd.s32 $0x1, v53  }
0x8f: {  	v0 =	vadd.f32 v1, v0  }
0x90: {  	v54 =	vld [tilespmem:$0xA0]  }
0x91: {  	v57 =	vld [tilespmem:$0x2A0];
	[tilespmem:$0x1AB18] =	vst v0  }
0x92: {  	v55 =	vld.idx.msk [tilespmem:v2+s12+$0x0], $0xffff  }
0x93: {  	v56 =	vld.idx.msk [tilespmem:v3+s12+$0x0], $0xffff;
	_ =	sdelay $0x2  }
0x94: {  	v0 =	vadd.s32 $0x1, v54  }
0x95: {  	v58 =	vadd.s32 $0x1, v57  }
0x96: {  	v1 =	vadd.f32 v56, v55  }
0x97: {  	v59 =	vld [tilespmem:$0xB0]  }
0x98: {  	v60 =	vld [tilespmem:$0x2B0];
	[tilespmem:$0x1AB28] =	vst v1  }
0x99: {  	v0 =	vld.idx.msk [tilespmem:v0+s12+$0x0], $0xffff  }
0x9a: {  	v2 =	vld.idx.msk [tilespmem:v58+s12+$0x0], $0xffff;
	_ =	sdelay $0x2  }
0x9b: {  	v1 =	vadd.s32 $0x1, v59  }
0x9c: {  	v3 =	vadd.s32 $0x1, v60  }
0x9d: {  	v0 =	vadd.f32 v2, v0  }
0x9e: {  	v61 =	vld [tilespmem:$0xC0]  }
0x9f: {  	v63 =	vld [tilespmem:$0x2C0];
	[tilespmem:$0x1AB38] =	vst v0  }
0xa0: {  	v1 =	vld.idx.msk [tilespmem:v1+s12+$0x0], $0xffff  }
0xa1: {  	v62 =	vld.idx.msk [tilespmem:v3+s12+$0x0], $0xffff;
	_ =	sdelay $0x2  }
0xa2: {  	v0 =	vadd.s32 $0x1, v61  }
0xa3: {  	v6 =	vadd.s32 $0x1, v63  }
0xa4: {  	v1 =	vadd.f32 v62, v1  }
0xa5: {  	v7 =	vld [tilespmem:$0xD0]  }
0xa6: {  	v8 =	vld [tilespmem:$0x2D0];
	[tilespmem:$0x1AB48] =	vst v1  }
0xa7: {  	v0 =	vld.idx.msk [tilespmem:v0+s12+$0x0], $0xffff  }
0xa8: {  	v2 =	vld.idx.msk [tilespmem:v6+s12+$0x0], $0xffff;
	_ =	sdelay $0x2  }
0xa9: {  	v1 =	vadd.s32 $0x1, v7  }
0xaa: {  	v3 =	vadd.s32 $0x1, v8  }
0xab: {  	v0 =	vadd.f32 v2, v0  }
0xac: {  	v9 =	vld [tilespmem:$0xE0]  }
0xad: {  	v11 =	vld [tilespmem:$0x2E0];
	[tilespmem:$0x1AB58] =	vst v0  }
0xae: {  	v1 =	vld.idx.msk [tilespmem:v1+s12+$0x0], $0xffff  }
0xaf: {  	v10 =	vld.idx.msk [tilespmem:v3+s12+$0x0], $0xffff;
	_ =	sdelay $0x2  }
0xb0: {  	v0 =	vadd.s32 $0x1, v9  }
0xb1: {  	v12 =	vadd.s32 $0x1, v11  }
0xb2: {  	v1 =	vadd.f32 v10, v1  }
0xb3: {  	v13 =	vld [tilespmem:$0xF0]  }
0xb4: {  	v14 =	vld [tilespmem:$0x2F0];
	[tilespmem:$0x1AB68] =	vst v1  }
0xb5: {  	v0 =	vld.idx.msk [tilespmem:v0+s12+$0x0], $0xffff  }
0xb6: {  	v2 =	vld.idx.msk [tilespmem:v12+s12+$0x0], $0xffff;
	_ =	sdelay $0x2  }
0xb7: {  	v1 =	vadd.s32 $0x1, v13  }
0xb8: {  	v3 =	vadd.s32 $0x1, v14  }
0xb9: {  	v0 =	vadd.f32 v2, v0;
	_ =	sdelay $0x1  }
0xba: {  	[tilespmem:$0x1AB78] =	vst v0  }
0xbb: {  	v0 =	vld.idx.msk [tilespmem:v1+s12+$0x0], $0xffff  }
0xbc: {  	v15 =	vld.idx.msk [tilespmem:v3+s12+$0x0], $0xffff;
	_ =	sdelay $0x4  }
0xbd: {  	v0 =	vadd.f32 v15, v0;
	_ =	sdelay $0x1  }
0xbe: {  	[tilespmem:$0x1AB88] =	vst v0  }
0xbf: {  	_ =	swait.ge [sflag:s29], $0x4000  }
0xc0: {  	[sflag:s29] =	ssyncset.done $0x0  }
0xc1: {  	[sflag:s29] =	ssyncadd.s32 $0xFFFFC000  }
0xc2: {  	_ =	swait.ge [sflag:s30], $0x4000  }
0xc3: {  	[sflag:s30] =	ssyncset.done $0x0  }
0xc4: {  	s0 =	rddreg [dreg:$0xc];
	[sflag:s30] =	ssyncadd.s32 $0xFFFFC000  }
0xc5: {  	[hbm4b:s0+s2] =	stream.linear.scatter [tilespmem:s16], [sflag:$0x7], $0x4000, $0x38;
	[tilespmem:$0x1AB98] =	vst v63  }
0xc6: {  	_ =	swait.ge [sflag:s10], $0x4000  }
0xc7: {  	[sflag:s10] =	ssyncset.done $0x0  }
0xc8: {  	s0 =	rddreg [dreg:$0xd];
	[sflag:s10] =	ssyncadd.s32 $0xFFFFC000  }
0xc9: {  	[hbm4b:s0+s2] =	stream.linear.scatter [tilespmem:s18], [sflag:$0x7], $0x4000, $0x38;
	[tilespmem:$0x1AB98] =	vst v63  }
0xca: {  	_ =	swait.ge [sflag:s10], $0x4000  }
0xcb: {  	[sflag:s10] =	ssyncset.done $0x0  }
0xcc: {  	s0 =	rddreg [dreg:$0xe];
	[sflag:s10] =	ssyncadd.s32 $0xFFFFC000  }
0xcd: {  	[hbm4b:s0+s2] =	stream.linear.scatter [tilespmem:s25], [sflag:$0x7], $0x80, $0x38;
	[tilespmem:$0x1AB98] =	vst v63  }
0xce: {  	_ =	swait.ge [sflag:s10], $0x80  }
0xcf: {  	[sflag:s10] =	ssyncset.done $0x0  }
0xd0: {  	[sflag:s10] =	ssyncadd.s32 $0xFFFFFF80  }
0xd1: {  	v16 =	vld [tilespmem:$0x100]  }
0xd2: {  	v17 =	vld [tilespmem:$0x300];
	_ =	sdelay $0x3  }
0xd3: {  	v0 =	vadd.s32 $0x1, v16  }
0xd4: {  	v1 =	vadd.s32 $0x1, v17;
	_ =	sdelay $0x1  }
0xd5: {  	v18 =	vld [tilespmem:$0x110]  }
0xd6: {  	v19 =	vld [tilespmem:$0x310]  }
0xd7: {  	v0 =	vld.idx.msk [tilespmem:v0+s12+$0x0], $0xffff  }
0xd8: {  	v1 =	vld.idx.msk [tilespmem:v1+s12+$0x0], $0xffff;
	_ =	sdelay $0x2  }
0xd9: {  	v2 =	vadd.s32 $0x1, v18  }
0xda: {  	v3 =	vadd.s32 $0x1, v19  }
0xdb: {  	v0 =	vadd.f32 v1, v0  }
0xdc: {  	v20 =	vld [tilespmem:$0x120]  }
0xdd: {  	v23 =	vld [tilespmem:$0x320];
	[tilespmem:$0x1AB18] =	vst v0  }
0xde: {  	v21 =	vld.idx.msk [tilespmem:v2+s12+$0x0], $0xffff  }
0xdf: {  	v22 =	vld.idx.msk [tilespmem:v3+s12+$0x0], $0xffff;
	_ =	sdelay $0x2  }
0xe0: {  	v0 =	vadd.s32 $0x1, v20  }
0xe1: {  	v24 =	vadd.s32 $0x1, v23  }
0xe2: {  	v1 =	vadd.f32 v22, v21  }
0xe3: {  	v25 =	vld [tilespmem:$0x130]  }
0xe4: {  	v26 =	vld [tilespmem:$0x330];
	[tilespmem:$0x1AB28] =	vst v1  }
0xe5: {  	v0 =	vld.idx.msk [tilespmem:v0+s12+$0x0], $0xffff  }
0xe6: {  	v2 =	vld.idx.msk [tilespmem:v24+s12+$0x0], $0xffff;
	_ =	sdelay $0x2  }
0xe7: {  	v1 =	vadd.s32 $0x1, v25  }
0xe8: {  	v3 =	vadd.s32 $0x1, v26  }
0xe9: {  	v0 =	vadd.f32 v2, v0  }
0xea: {  	v27 =	vld [tilespmem:$0x140]  }
0xeb: {  	v29 =	vld [tilespmem:$0x340];
	[tilespmem:$0x1AB38] =	vst v0  }
0xec: {  	v1 =	vld.idx.msk [tilespmem:v1+s12+$0x0], $0xffff  }
0xed: {  	v28 =	vld.idx.msk [tilespmem:v3+s12+$0x0], $0xffff;
	_ =	sdelay $0x2  }
0xee: {  	v0 =	vadd.s32 $0x1, v27  }
0xef: {  	v30 =	vadd.s32 $0x1, v29  }
0xf0: {  	v1 =	vadd.f32 v28, v1  }
0xf1: {  	v31 =	vld [tilespmem:$0x150]  }
0xf2: {  	v32 =	vld [tilespmem:$0x350];
	[tilespmem:$0x1AB48] =	vst v1  }
0xf3: {  	v0 =	vld.idx.msk [tilespmem:v0+s12+$0x0], $0xffff  }
0xf4: {  	v2 =	vld.idx.msk [tilespmem:v30+s12+$0x0], $0xffff;
	_ =	sdelay $0x2  }
0xf5: {  	v1 =	vadd.s32 $0x1, v31  }
0xf6: {  	v3 =	vadd.s32 $0x1, v32  }
0xf7: {  	v0 =	vadd.f32 v2, v0  }
0xf8: {  	v33 =	vld [tilespmem:$0x160]  }
0xf9: {  	v35 =	vld [tilespmem:$0x360];
	[tilespmem:$0x1AB58] =	vst v0  }
0xfa: {  	v1 =	vld.idx.msk [tilespmem:v1+s12+$0x0], $0xffff  }
0xfb: {  	v34 =	vld.idx.msk [tilespmem:v3+s12+$0x0], $0xffff;
	_ =	sdelay $0x2  }
0xfc: {  	v0 =	vadd.s32 $0x1, v33  }
0xfd: {  	v36 =	vadd.s32 $0x1, v35  }
0xfe: {  	v1 =	vadd.f32 v34, v1  }
0xff: {  	v37 =	vld [tilespmem:$0x170]  }
0x100: {  	v38 =	vld [tilespmem:$0x370];
	[tilespmem:$0x1AB68] =	vst v1  }
0x101: {  	v0 =	vld.idx.msk [tilespmem:v0+s12+$0x0], $0xffff  }
0x102: {  	v2 =	vld.idx.msk [tilespmem:v36+s12+$0x0], $0xffff;
	_ =	sdelay $0x2  }
0x103: {  	v1 =	vadd.s32 $0x1, v37  }
0x104: {  	v3 =	vadd.s32 $0x1, v38  }
0x105: {  	v0 =	vadd.f32 v2, v0;
	_ =	sdelay $0x1  }
0x106: {  	[tilespmem:$0x1AB78] =	vst v0  }
0x107: {  	v0 =	vld.idx.msk [tilespmem:v1+s12+$0x0], $0xffff  }
0x108: {  	v39 =	vld.idx.msk [tilespmem:v3+s12+$0x0], $0xffff;
	_ =	sdelay $0x4  }
0x109: {  	v0 =	vadd.f32 v39, v0;
	_ =	sdelay $0x1  }
0x10a: {  	[tilespmem:$0x1AB88] =	vst v0  }
0x10b: {  	_ =	swait.ge [sflag:s31], $0x4000  }
0x10c: {  	[sflag:s31] =	ssyncset.done $0x0  }
0x10d: {  	[sflag:s31] =	ssyncadd.s32 $0xFFFFC000  }
0x10e: {  	_ =	swait.ge [sflag:s1], $0x4000  }
0x10f: {  	[sflag:s1] =	ssyncset.done $0x0  }
0x110: {  	s0 =	rddreg [dreg:$0xf];
	[sflag:s1] =	ssyncadd.s32 $0xFFFFC000  }
0x111: {  	[hbm4b:s0+s2] =	stream.linear.scatter [tilespmem:s20], [sflag:$0x7], $0x4000, $0x38;
	[tilespmem:$0x1AB98] =	vst v63  }
0x112: {  	_ =	swait.ge [sflag:s10], $0x4000  }
0x113: {  	[sflag:s10] =	ssyncset.done $0x0  }
0x114: {  	[sflag:s10] =	ssyncadd.s32 $0xFFFFC000  }
0x115: {  	[hbm4b:s4+s2] =	stream.linear.scatter [tilespmem:s22], [sflag:$0x7], $0x4000, $0x38;
	[tilespmem:$0x1AB98] =	vst v63  }
0x116: {  	_ =	swait.ge [sflag:s10], $0x4000  }
0x117: {  	[sflag:s10] =	ssyncset.done $0x0  }
0x118: {  	[sflag:s10] =	ssyncadd.s32 $0xFFFFC000  }
0x119: {  	[hbm4b:s5+s2] =	stream.linear.scatter [tilespmem:s25], [sflag:$0x7], $0x80, $0x38;
	[tilespmem:$0x1AB98] =	vst v63  }
0x11a: {  	_ =	swait.ge [sflag:s10], $0x80  }
0x11b: {  	[sflag:s10] =	ssyncset.done $0x0  }
0x11c: {  	[sflag:s10] =	ssyncadd.s32 $0xFFFFFF80  }
0x11d: {  	v40 =	vld [tilespmem:$0x180]  }
0x11e: {  	v41 =	vld [tilespmem:$0x380];
	_ =	sdelay $0x3  }
0x11f: {  	v0 =	vadd.s32 $0x1, v40  }
0x120: {  	v1 =	vadd.s32 $0x1, v41;
	_ =	sdelay $0x1  }
0x121: {  	v42 =	vld [tilespmem:$0x190]  }
0x122: {  	v43 =	vld [tilespmem:$0x390]  }
0x123: {  	v0 =	vld.idx.msk [tilespmem:v0+s12+$0x0], $0xffff  }
0x124: {  	v1 =	vld.idx.msk [tilespmem:v1+s12+$0x0], $0xffff;
	_ =	sdelay $0x2  }
0x125: {  	v2 =	vadd.s32 $0x1, v42  }
0x126: {  	v3 =	vadd.s32 $0x1, v43  }
0x127: {  	v0 =	vadd.f32 v1, v0  }
0x128: {  	v44 =	vld [tilespmem:$0x1A0]  }
0x129: {  	v47 =	vld [tilespmem:$0x3A0];
	[tilespmem:$0x1AB18] =	vst v0  }
0x12a: {  	v45 =	vld.idx.msk [tilespmem:v2+s12+$0x0], $0xffff  }
0x12b: {  	v46 =	vld.idx.msk [tilespmem:v3+s12+$0x0], $0xffff;
	_ =	sdelay $0x2  }
0x12c: {  	v0 =	vadd.s32 $0x1, v44  }
0x12d: {  	v48 =	vadd.s32 $0x1, v47  }
0x12e: {  	v1 =	vadd.f32 v46, v45  }
0x12f: {  	v49 =	vld [tilespmem:$0x1B0]  }
0x130: {  	v50 =	vld [tilespmem:$0x3B0];
	[tilespmem:$0x1AB28] =	vst v1  }
0x131: {  	v0 =	vld.idx.msk [tilespmem:v0+s12+$0x0], $0xffff  }
0x132: {  	v2 =	vld.idx.msk [tilespmem:v48+s12+$0x0], $0xffff;
	_ =	sdelay $0x2  }
0x133: {  	v1 =	vadd.s32 $0x1, v49  }
0x134: {  	v3 =	vadd.s32 $0x1, v50  }
0x135: {  	v0 =	vadd.f32 v2, v0  }
0x136: {  	v51 =	vld [tilespmem:$0x1C0]  }
0x137: {  	v53 =	vld [tilespmem:$0x3C0];
	[tilespmem:$0x1AB38] =	vst v0  }
0x138: {  	v1 =	vld.idx.msk [tilespmem:v1+s12+$0x0], $0xffff  }
0x139: {  	v52 =	vld.idx.msk [tilespmem:v3+s12+$0x0], $0xffff;
	_ =	sdelay $0x2  }
0x13a: {  	v0 =	vadd.s32 $0x1, v51  }
0x13b: {  	v54 =	vadd.s32 $0x1, v53  }
0x13c: {  	v1 =	vadd.f32 v52, v1  }
0x13d: {  	v55 =	vld [tilespmem:$0x1D0]  }
0x13e: {  	v56 =	vld [tilespmem:$0x3D0];
	[tilespmem:$0x1AB48] =	vst v1  }
0x13f: {  	v0 =	vld.idx.msk [tilespmem:v0+s12+$0x0], $0xffff  }
0x140: {  	v2 =	vld.idx.msk [tilespmem:v54+s12+$0x0], $0xffff;
	_ =	sdelay $0x2  }
0x141: {  	v1 =	vadd.s32 $0x1, v55  }
0x142: {  	v3 =	vadd.s32 $0x1, v56  }
0x143: {  	v0 =	vadd.f32 v2, v0  }
0x144: {  	v57 =	vld [tilespmem:$0x1E0]  }
0x145: {  	v59 =	vld [tilespmem:$0x3E0];
	[tilespmem:$0x1AB58] =	vst v0  }
0x146: {  	v1 =	vld.idx.msk [tilespmem:v1+s12+$0x0], $0xffff  }
0x147: {  	v58 =	vld.idx.msk [tilespmem:v3+s12+$0x0], $0xffff;
	_ =	sdelay $0x2  }
0x148: {  	v0 =	vadd.s32 $0x1, v57  }
0x149: {  	v60 =	vadd.s32 $0x1, v59  }
0x14a: {  	v1 =	vadd.f32 v58, v1  }
0x14b: {  	v61 =	vld [tilespmem:$0x1F0]  }
0x14c: {  	v62 =	vld [tilespmem:$0x3F0];
	[tilespmem:$0x1AB68] =	vst v1  }
0x14d: {  	v0 =	vld.idx.msk [tilespmem:v0+s12+$0x0], $0xffff  }
0x14e: {  	v2 =	vld.idx.msk [tilespmem:v60+s12+$0x0], $0xffff;
	_ =	sdelay $0x2  }
0x14f: {  	v1 =	vadd.s32 $0x1, v61  }
0x150: {  	v3 =	vadd.s32 $0x1, v62  }
0x151: {  	v0 =	vadd.f32 v2, v0;
	_ =	sdelay $0x1  }
0x152: {  	[tilespmem:$0x1AB78] =	vst v0  }
0x153: {  	v0 =	vld.idx.msk [tilespmem:v1+s12+$0x0], $0xffff  }
0x154: {  	v63 =	vld.idx.msk [tilespmem:v3+s12+$0x0], $0xffff;
	_ =	sdelay $0x4  }
0x155: {  	v0 =	vadd.f32 v63, v0;
	_ =	sdelay $0x1  }
0x156: {  	[tilespmem:$0x1AB88] =	vst v0  }
0x157: {  	_ =	swait.ge [sflag:s23], $0x4000  }
0x158: {  	[sflag:s23] =	ssyncset.done $0x0  }
0x159: {  	[sflag:s23] =	ssyncadd.s32 $0xFFFFC000  }
0x15a: {  	_ =	swait.ge [sflag:s24], $0x4000  }
0x15b: {  	[sflag:s24] =	ssyncset.done $0x0  }
0x15c: {  	[sflag:s24] =	ssyncadd.s32 $0xFFFFC000  }
0x15d: {  	[hbm4b:s6+s2] =	stream.linear.scatter [tilespmem:s14], [sflag:$0x7], $0x4000, $0x38;
	[tilespmem:$0x1AB98] =	vst v63  }
0x15e: {  	_ =	swait.ge [sflag:s10], $0x4000  }
0x15f: {  	[sflag:s10] =	ssyncset.done $0x0  }
0x160: {  	[sflag:s10] =	ssyncadd.s32 $0xFFFFC000  }
0x161: {  	[hbm4b:s7+s2] =	stream.linear.scatter [tilespmem:s15], [sflag:$0x7], $0x4000, $0x38;
	[tilespmem:$0x1AB98] =	vst v63  }
0x162: {  	_ =	swait.ge [sflag:s10], $0x4000  }
0x163: {  	p0 =	sne.s32 s9, $0x1;
	[sflag:s10] =	ssyncset.done $0x0  }
.Ltmp0:
0x164: {  	[sflag:s10] =	ssyncadd.s32 $0xFFFFC000;
	(pc) =	sbr.rel @p0 .LBB2_1-.Ltmp0, $4  }
0x165: {  	[hbm4b:s8+s2] =	stream.linear.scatter [tilespmem:s25], [sflag:$0x7], $0x80, $0x38;
	[tilespmem:$0x1AB98] =	vst v63  }
0x166: {  	_ =	swait.ge [sflag:s10], $0x80  }
0x167: {  	[sflag:s10] =	ssyncset.done $0x0  }
0x168: {  	s9 =	sadd.s32 $0xFFFFFFFF, s9;
	[sflag:s10] =	ssyncadd.s32 $0xFFFFFF80  }
0x169: {  	_ =	sfence.sel $0x180000  }
0x16a: {  	[bflag:$0x0] =	sbarrier.arrive $0xFFFF  }
0x16b: {  	_ =	strace $0x9000004A  }
0x16c: {  	s0 =	stileid.u32;
	[bflag:$0x2] =	sbarrier.arrive $0xFFFF  }
0x16d: {  	p0 =	sne.s32 s0, $0x0;
	s0 =	rddreg [dreg:$0x5]  }
0x16e: {  	s0 =	sadd.s32 @!p0 $0x100000, s0  }
0x16f: {  	[sflag:s0] =	ssyncadd.tile.s32 @!p0 $0x1;
	_ =	shalt  }
.Lfunc_end2:
_tile_overlayer_lowered:
.L_overlay_start_2:
0x170: {  	(tag) =	ssettag $0x2  }
0x171: {  	s0 =	rddreg [dreg:$0x0];
	s2 =	stileid.u32  }
0x172: {  	s1 =	rddreg [dreg:$0x1];
	p0 =	sne.s32 s2, $0x0  }
0x173: {  	s3 =	rddreg [dreg:$0x2];
	[bflag:$0x3] =	sbarrier.arrive $0xFFFF;
	s2 =	simm.s32 @!p0 $0x1C07  }
0x174: {  	[timem:s3], [sflag:s2] =	dma.local @!p0 [hbm:s0], s1  }
0x175: {  	s0 =	simm.s32 @!p0 $0x7  }
0x176: {  	_ =	swait.ge @!p0 [sflag:s0], s1  }
0x177: {  	s1 =	ssub.s32 @!p0 $0x0, s1;
	[sflag:s0] =	ssyncset.done @!p0 $0x0  }
0x178: {  	[sflag:s0] =	ssyncadd.s32 @!p0 s1  }
0x179: {  	[bflag:$0x3] =	sbarrier.arrive $0xFFFF  }
0x17a: {  	_ =	shalt  }

// kernel: kernel.7.cloned.1.call-start
scs
__scs_entry_jumppad:
0x0: {  	(pc) =	sbr.rel $0x88, $3  }
0x1: {  	(tag) =	ssettag $0x0;
	lr =	simm.s32 $0x1  }
0x2: {  	[smem:$0x3F9A] =	sst lr;
	_ =	strace $0xD0000000  }
0x3: {  	_ = 	snop  }
0x4: {  	_ = 	snop  }
0x5: {  	_ = 	snop  }
0x6: {  	_ = 	snop  }
0x7: {  	_ = 	snop  }
__scs_overlays_trampoline_lowered:
0x8: {  	[smem:$0x3FA9] =	sst s0  }
0x9: {  	[smem:$0x3FAA] =	sst s1  }
0xa: {  	[smem:$0x3FAB] =	sst s2  }
0xb: {  	[smem:$0x3FAC] =	sst s3  }
0xc: {  	[smem:$0x3FAD] =	sst s4  }
0xd: {  	[smem:$0x3FAE] =	sst s5  }
0xe: {  	[smem:$0x3FAF] =	sst s6  }
0xf: {  	[smem:$0x3FB0] =	sst s7  }
0x10: {  	[smem:$0x3FB1] =	sst s8  }
0x11: {  	[smem:$0x3FB2] =	sst s9;
	s0 =	simm.s32 @!p0 $0x0  }
0x12: {  	s1 =	sld [smem:$0x3F98];
	s0 =	simm.s32 @p0 $0x1  }
0x13: {  	[smem:$0x3FB3] =	sst s0;
	s0 =	simm.s32 @!p1 $0x0  }
0x14: {  	s2 =	sld [smem:$0x3F97];
	s0 =	simm.s32 @p1 $0x1  }
0x15: {  	[smem:$0x3FB4] =	sst s0;
	s0 =	simm.s32 @!p2 $0x0  }
0x16: {  	s3 =	sld [smem:$0x3FDB];
	s0 =	simm.s32 @p2 $0x1  }
0x17: {  	s4 =	simm.s32 $0x1BF5;
	[smem:$0x3FB6] =	sst s0  }
0x18: {  	s0 =	sld [smem:$0x3F99];
	_ =	swait.ge [sflag:s4], $0x0  }
0x19: {  	s7 =	sld [smem:$0x3F9A]  }
0x1a: {  	s8 =	sadd.s32 $0xFFFFE003, lr  }
0x1b: {  	s9 =	sadd.s32 $0xFFFFFEF7, lr;
	s5 =	simm.s32 $0xFFFFFFFF;
	p2 =	slt.u32 s8, $0xFFFFF086  }
0x1c: {  	p1 =	slt.u32 s9, $0xF7A;
	s5 =	simm.s32 @!p2 $0x0  }
0x1d: {  	s5 =	simm.s32 @p1 $0x1;
	p0 =	seq.s32 s7, s2  }
0x1e: {  	s7 =	smul.u32 @!p0 $0xF7A, s2;
	p2 =	seq.s32 @!p0 s5, $0x0  }
0x1f: {  	s9 =	smul.u32 $0xF7A, s1;
	s8 =	simm.s32 @!p0 $0x1BF5;
	p2 =	por !p2, p0  }
0x20: {  	[sflag:s8] =	ssyncset.s32 @!p0 $0xFFFFF086;
	s6 =	sadd.s32 @!p0 s3, s7;
	s7 =	simm.s32 @!p0 $0x108  }
0x21: {  	s3 =	sadd.s32 s3, s9;
	s6 =	sadd.s32 @!p0 $0x88, s6;
	s7 =	simm.s32 @p2 $0x1082  }
0x22: {  	[simem:s7], [sflag:s8] =	dma.local @!p0 [hbm:s6], $0xF7A  }
0x23: {  	s9 =	sor.u32 $0xD0000000, s2;
	s6 =	simm.s32 $0x108;
	_ =	swait.ge @!p0 [sflag:s8], $0x0  }
0x24: {  	s3 =	sadd.s32 $0x88, s3;
	s6 =	simm.s32 @!p1 $0x1082;
	[sflag:s4] =	ssyncset.s32 $0xFFFFF086  }
0x25: {  	[simem:s6], [sflag:s4] =	dma.local [hbm:s3], $0xF7A  }
0x26: {  	[smem:$0x3F9A] =	sst s1;
	(tag) =	ssettag s2;
	_ =	strace s9  }
0x27: {  	s1 =	sld [smem:$0x3FAA]  }
0x28: {  	s2 =	sld [smem:$0x3FAB]  }
0x29: {  	s4 =	sld [smem:$0x3FAD]  }
0x2a: {  	p0 =	seq.s32 s5, $0x0;
	s5 =	sld [smem:$0x3FAE]  }
0x2b: {  	s6 =	sld [smem:$0x3FAF]  }
0x2c: {  	s7 =	sld [smem:$0x3FB0]  }
0x2d: {  	s3 =	simm.s32 $0x108;
	s8 =	sld [smem:$0x3FB1]  }
0x2e: {  	s3 =	simm.s32 @!p0 $0x1082;
	s9 =	sld [smem:$0x3FB2]  }
0x2f: {  	lr =	sadd.s32 s0, s3;
	s0 =	sld [smem:$0x3FA9]  }
0x30: {  	s3 =	sld [smem:$0x3FAC]  }
0x31: {  	[smem:$0x3FB5] =	sst s10  }
0x32: {  	s10 =	sld [smem:$0x3FB3];
	_ =	sdelay $0x3  }
0x33: {  	p0 =	seq.s32 s10, $0x1;
	s10 =	sld [smem:$0x3FB5];
	_ =	sdelay $0x3  }
0x34: {  	[smem:$0x3FB5] =	sst s10  }
0x35: {  	s10 =	sld [smem:$0x3FB4];
	_ =	sdelay $0x3  }
0x36: {  	p1 =	seq.s32 s10, $0x1;
	s10 =	sld [smem:$0x3FB5];
	_ =	sdelay $0x3  }
0x37: {  	[smem:$0x3FB5] =	sst s10  }
0x38: {  	s10 =	sld [smem:$0x3FB6]  }
0x39: {  	_ = 	snop;
	(pc) =	sbr.ind lr, $3  }
0x3a: {  	_ = 	snop  }
0x3b: {  	_ = 	snop  }
0x3c: {  	p2 =	seq.s32 s10, $0x1;
	s10 =	sld [smem:$0x3FB5]  }
0x3d: {  	_ =	shalt  }
0x3e: {  	_ =	shalt  }
0x3f: {  	_ =	shalt  }
0x40: {  	_ =	shalt  }
0x41: {  	_ =	shalt  }
0x42: {  	_ =	shalt  }
0x43: {  	_ =	shalt  }
0x44: {  	_ =	shalt  }
0x45: {  	_ =	shalt  }
0x46: {  	_ =	shalt  }
0x47: {  	_ =	shalt  }
0x48: {  	_ =	shalt  }
0x49: {  	_ =	shalt  }
0x4a: {  	_ =	shalt  }
0x4b: {  	_ =	shalt  }
0x4c: {  	_ =	shalt  }
0x4d: {  	_ =	shalt  }
0x4e: {  	_ =	shalt  }
0x4f: {  	_ =	shalt  }
0x50: {  	_ =	shalt  }
0x51: {  	_ =	shalt  }
0x52: {  	_ =	shalt  }
0x53: {  	_ =	shalt  }
0x54: {  	_ =	shalt  }
0x55: {  	_ =	shalt  }
0x56: {  	_ =	shalt  }
0x57: {  	_ =	shalt  }
0x58: {  	_ =	shalt  }
0x59: {  	_ =	shalt  }
0x5a: {  	_ =	shalt  }
0x5b: {  	_ =	shalt  }
0x5c: {  	_ =	shalt  }
0x5d: {  	_ =	shalt  }
0x5e: {  	_ =	shalt  }
0x5f: {  	_ =	shalt  }
0x60: {  	_ =	shalt  }
0x61: {  	_ =	shalt  }
0x62: {  	_ =	shalt  }
0x63: {  	_ =	shalt  }
0x64: {  	_ =	shalt  }
0x65: {  	_ =	shalt  }
0x66: {  	_ =	shalt  }
0x67: {  	_ =	shalt  }
0x68: {  	_ =	shalt  }
0x69: {  	_ =	shalt  }
0x6a: {  	_ =	shalt  }
0x6b: {  	_ =	shalt  }
0x6c: {  	_ =	shalt  }
0x6d: {  	_ =	shalt  }
0x6e: {  	_ =	shalt  }
0x6f: {  	_ =	shalt  }
0x70: {  	_ =	shalt  }
0x71: {  	_ =	shalt  }
0x72: {  	_ =	shalt  }
0x73: {  	_ =	shalt  }
0x74: {  	_ =	shalt  }
0x75: {  	_ =	shalt  }
0x76: {  	_ =	shalt  }
0x77: {  	_ =	shalt  }
0x78: {  	_ =	shalt  }
0x79: {  	_ =	shalt  }
0x7a: {  	_ =	shalt  }
0x7b: {  	_ =	shalt  }
0x7c: {  	_ =	shalt  }
0x7d: {  	_ =	shalt  }
0x7e: {  	_ =	shalt  }
0x7f: {  	_ =	shalt  }
0x80: {  	_ =	shalt  }
0x81: {  	_ =	shalt  }
0x82: {  	_ =	shalt  }
0x83: {  	_ =	shalt  }
0x84: {  	_ =	shalt  }
0x85: {  	_ =	shalt  }
0x86: {  	_ =	shalt  }
0x87: {  	_ =	shalt  }
.Lfunc_end0:
.L_simem_size_0:
called_computation_lowered:
.L_overlay_start_0:
0x88: {  	s2 =	sld [smem:$0x3FD9]  }
0x89: {  	s3 =	sld [smem:$0x3FFE];
	_ =	sdelay $0x1  }
0x8a: {  	s1 =	srdreg.scid  }
0x8b: {  	s0 =	sand.u32 $0x1, s1  }
0x8c: {  	s17 =	sshll.u32 s0, $0xA;
	s2 =	sadd.s32 s3, s2  }
0x8d: {  	s2 =	sadd.s32 s2, s17  }
0x8e: {  	[smem:$0x3FC1] =	sst s2  }
0x8f: {  	_ = 	snop  }
0x90: {  	s2 =	sld [smem:$0x3FC9];
	(tm) =	ssettm $0x1  }
0x91: {  	s18 =	sld [smem:$0x3FFB];
	_ =	sdelay $0x3  }
0x92: {  	_ =	strace s18  }
0x93: {  	s3 =	sld [smem:$0x3FFC];
	_ =	sdelay $0x3  }
0x94: {  	_ =	strace s3  }
0x95: {  	s3 =	sld [smem:$0x3FFD];
	_ =	sdelay $0x3  }
0x96: {  	_ =	strace s3  }
0x97: {  	_ =	strace $0x8FFFFFFF  }
0x98: {  	s19 =	sld [smem:$0x3FDB];
	_ =	sdelay $0x1  }
0x99: {  	s4 =	simm.s32 $_scs_section_size  }
0x9a: {  	s5 =	simm.s32 $_size__tile_overlayer_lowered;
	s6 =	simm.s32 $_tile_overlayer_lowered  }
0x9b: {  	s22 =	simm.s32 $0x1BFF;
	s21 =	sshll.u32 s6, $0x1;
	s3 =	sadd.s32 s4, s19  }
0x9c: {  	s7 =	simm.s32 $0x0;
	s20 =	sshll.u32 s5, $0x1;
	s5 =	sadd.s32 s21, s3  }
0x9d: {  	[timem:s7], [sflag:s22] =	dma.local [hbm:s5], s20  }
0x9e: {  	_ =	swait.ge [sflag:s22], s20  }
0x9f: {  	s4 =	ssub.s32 $0x0, s20;
	[sflag:s22] =	ssyncset.done $0x0  }
0xa0: {  	[sflag:s22] =	ssyncadd.s32 s4;
	_ =	sdelay $0x1  }
0xa1: {  	s23 =	simm.s32 $0x1B8B  }
0xa2: {  	_ =	swait.ge [sflag:s23], $0x1  }
0xa3: {  	[sflag:s23] =	ssyncset.done $0x0  }
0xa4: {  	s25 =	simm.s32 $0x1B8E;
	s24 =	sld [smem:$0x3FFE];
	[sflag:s23] =	ssyncadd.s32 $0xFFFFFFFF  }
0xa5: {  	s26 =	simm.s32 $execute0_lowered;
	[smem:$0x3FD2] =	sst s25  }
0xa6: {  	s5 =	sshll.u32 s26, $0x1;
	_ =	strace $0x80000046;
	[dreg:$0x1] =	wrdreg $0xFFFFFFFF  }
0xa7: {  	s28 =	simm.s32 $_size_execute0_lowered;
	s3 =	sadd.s32 s3, s5;
	[dreg:$0x0] =	wrdreg $0x0  }
0xa8: {  	s5 =	sshll.u32 s28, $0x1;
	[dreg:$0x2] =	wrdreg s3  }
0xa9: {  	[dreg:$0x3] =	wrdreg s5  }
0xaa: {  	[dreg:$0x4] =	wrdreg $0xC0  }
0xab: {  	_ =	task [dreg:s7], $0x5FFFF  }
0xac: {  	[dreg:$0x1] =	wrdreg $0xFFFFFFFF  }
0xad: {  	[dreg:$0x0] =	wrdreg $0x60  }
0xae: {  	[dreg:$0x2] =	wrdreg s2  }
0xaf: {  	[dreg:$0x3] =	wrdreg s24  }
0xb0: {  	[dreg:$0x4] =	wrdreg $0x0  }
0xb1: {  	[dreg:$0x5] =	wrdreg $0x140000  }
0xb2: {  	[dreg:$0x6] =	wrdreg $0x9  }
0xb3: {  	_ =	task.clear_ibuf [dreg:s7], $0x7FFFF;
	_ =	strace $0x90000046  }
0xb4: {  	s29 =	simm.s32 $0x9;
	_ =	strace $0x80000048  }
0xb5: {  	_ =	swait.ge [sflag:s29], $0x1  }
0xb6: {  	[sflag:s29] =	ssyncadd.s32 $0xFFFFFFFF  }
0xb7: {  	_ =	strace $0x90000048  }
0xb8: {  	_ =	sfence  }
0xb9: {  	s30 =	sld [smem:$0x0];
	_ =	sdelay $0x2  }
0xba: {  	s31 =	sshll.u32 s1, $0xD;
	s1 =	sshrl.u32 s1, $0x2  }
0xbb: {  	s3 =	sand.u32 $0x4000, s31;
	s1 =	sadd.s32 s1, s30  }
0xbc: {  	s0 =	sor.u32 s3, s0;
	s1 =	sshll.u32 s1, $0x11  }
0xbd: {  	s0 =	sor.u32 s1, s0  }
0xbe: {  	s0 =	sadd.s32 $0x8F2B, s0  }
0xbf: {  	[sflag:s0] =	ssyncadd.remote.s32 $0x1  }
0xc0: {  	_ =	sfence.sel $0xFFFF  }
0xc1: {  	[dreg:$0x0] =	wrdreg $0xFFFFFFFF;
	(pc) =	sbr.abs _section_cstart, $3  }
0xc2: {  	[dreg:$0x1] =	wrdreg $0xFFFFFFFF  }
0xc3: {  	_ =	task.clear_ibuf [dreg:s7], $0x2FFFF;
	_ =	strace $0x9FFFFFFF  }
0xc4: {  	(tm) =	ssettm $0x7FFFFFFF  }
0xc5: {  	_ =	shalt  }
tec
execute0_lowered:
.L_overlay_start_1:
0x0: {  	(tag) =	ssettag $0x1  }
0x1: {  	s1 =	rddreg [dreg:$0x0]  }
0x2: {  	s5 =	rddreg [dreg:$0x1]  }
0x3: {  	s0 =	srdreg.scid;
	s3 =	rddreg [dreg:$0x2]  }
0x4: {  	s10 =	stileid.u32;
	s4 =	rddreg [dreg:$0x3]  }
0x5: {  	s9 =	simm.s32 $0x0;
	s28 =	simm.s32 $0x1B8A0;
	s6 =	smul.u32 $0x14000, s10  }
0x6: {  	s29 =	simm.s32 $0x1;
	s0 =	sand.u32 $0x1, s0;
	s8 =	smul.u32 $0x280, s10  }
0x7: {  	s30 =	simm.s32 $0x1E320;
	s31 =	simm.s32 $0x3;
	s7 =	smul.u32 $0x140000, s0  }
0x8: {  	[smem:$0x7FF] =	sst s9;
	s2 =	sshll.u32 s0, $0x4;
	s19 =	smul.u32 $0x2800, s0  }
0x9: {  	_ =	strace $0x80000047;
	s0 =	ssub.s32 $0x2, s0;
	s2 =	sor.u32 s10, s2  }
0xa: {  	s10 =	smul.u32 $0x50000, s10;
	s20 =	sshrl.u32 s0, $0x1;
	s14 =	sadd.s32 s8, s4  }
0xb: {  	s2 =	smul.u32 $0x2710, s2;
	s7 =	sadd.s32 s6, s7;
	s9 =	sadd.s32 s8, s19  }
0xc: {  	s0 =	ssub.s32 s0, s20;
	s6 =	sadd.s32 s6, s3;
	s20 =	simm.s32 $0x190A0  }
0xd: {  	s7 =	sshrl.u32 s7, $0x3;
	s9 =	sshrl.u32 s9, $0x3;
	s10 =	sshrl.u32 s10, $0x2  }
0xe: {  	s19 =	smax.u32 s0, $0x1;
	s0 =	simm.s32 $0x16A30;
	s21 =	sadd.s32 s10, s3  }
0xf: {  	s2 =	sshrl.u32 s2, $0x3;
	s7 =	sadd.s32 s7, s5;
	s10 =	sadd.s32 $0x2800, s21  }
0x10: {  	s2 =	sadd.s32 s2, s5;
	s22 =	sadd.s32 $0x5000, s21;
	[dreg:$0x5] =	wrdreg s10  }
0x11: {  	s5 =	sadd.s32 s9, s5;
	s23 =	sadd.s32 $0x7800, s21;
	[dreg:$0x6] =	wrdreg s22  }
0x12: {  	s24 =	sadd.s32 $0xA000, s21;
	s25 =	sadd.s32 $0xC800, s21;
	[dreg:$0x7] =	wrdreg s23  }
0x13: {  	s26 =	sadd.s32 $0xF000, s21;
	s13 =	sadd.s32 $0x11800, s21;
	[dreg:$0x8] =	wrdreg s24  }
0x14: {  	s17 =	sadd.s32 $0x16800, s7;
	s21 =	simm.s32 $0x4;
	[dreg:$0x9] =	wrdreg s25  }
0x15: {  	s7 =	simm.s32 $0x0;
	[dreg:$0xa] =	wrdreg s26;
	s15 =	sadd.s32 $0x2400, s2  }
0x16: {  	s16 =	sadd.s32 $0xC040, s2;
	s18 =	sadd.s32 $0x15E00, s5;
	s23 =	simm.s32 $0x14280  }
0x17: {  	s24 =	simm.s32 $0x16990;
	s25 =	simm.s32 $0x50;
	s2 =	simm.s32 $0x2  }
0x18: {  	v0 =	vimm.f32 $0.0e+00;
	v1 =	vimm.f32 $1.000000000e+00;
	s22 =	simm.s32 $0x169E0;
	s26 =	simm.s32 $0x16A80;
	s5 =	simm.s32 $0x19050  }
.LBB2_1:
0x19: {  	s8 =	simm.s32 $0x0;
	s9 =	simm.s32 $0x200  }
.LBB2_2:
0x1a: {  	p0 =	sne.s32 s9, $0x9E00;
	[tilespmem:s8+$0x19110] =	vst v0  }
0x1b: {  	[tilespmem:s8+$0x190A0] =	vst v0  }
0x1c: {  	[tilespmem:s8+$0x190B0] =	vst v0  }
.Ltmp0:
0x1d: {  	[tilespmem:s8+$0x190C0] =	vst v0;
	(pc) =	sbr.rel @p0 .LBB2_2-.Ltmp0, $4  }
0x1e: {  	[tilespmem:s8+$0x190D0] =	vst v0  }
0x1f: {  	[tilespmem:s8+$0x190E0] =	vst v0  }
0x20: {  	[tilespmem:s8+$0x190F0] =	vst v0  }
0x21: {  	[tilespmem:s8+$0x19100] =	vst v0;
	s8 =	sshra.s32 s9, $0x2;
	s9 =	sadd.s32 $0x200, s9  }
0x22: {  	[tilespmem:s8+$0x19110] =	vst v0  }
0x23: {  	[tilespmem:s8+$0x190A0] =	vst v0  }
0x24: {  	[tilespmem:s8+$0x190B0] =	vst v0  }
0x25: {  	[tilespmem:s8+$0x190C0] =	vst v0  }
0x26: {  	[tilespmem:s8+$0x190D0] =	vst v0  }
0x27: {  	[tilespmem:s8+$0x190E0] =	vst v0  }
0x28: {  	[tilespmem:s8+$0x190F0] =	vst v0  }
0x29: {  	[tilespmem:s8+$0x19100] =	vst v0  }
0x2a: {  	[tilespmem:$0x1E0A0] =	vst v0  }
0x2b: {  	[tilespmem:$0x1E0B0] =	vst v0  }
0x2c: {  	[tilespmem:$0x1E0C0] =	vst v0  }
0x2d: {  	[tilespmem:$0x1E0D0] =	vst v0  }
0x2e: {  	[tilespmem:$0x1E0E0] =	vst v0  }
0x2f: {  	[tilespmem:$0x1E0F0] =	vst v0  }
0x30: {  	[tilespmem:$0x1E100] =	vst v0  }
0x31: {  	[tilespmem:$0x1E110] =	vst v0  }
0x32: {  	[tilespmem:$0x1E120] =	vst v0  }
0x33: {  	[tilespmem:$0x1E130] =	vst v0  }
0x34: {  	[tilespmem:$0x1E140] =	vst v0  }
0x35: {  	[tilespmem:$0x1E150] =	vst v0  }
0x36: {  	[tilespmem:$0x1E160] =	vst v0  }
0x37: {  	[tilespmem:$0x1E170] =	vst v0  }
0x38: {  	[tilespmem:$0x1E180] =	vst v0  }
0x39: {  	[tilespmem:$0x1E190] =	vst v0  }
0x3a: {  	[tilespmem:$0x1E1A0] =	vst v0  }
0x3b: {  	[tilespmem:$0x1E1B0] =	vst v0  }
0x3c: {  	[tilespmem:$0x1E1C0] =	vst v0  }
0x3d: {  	[tilespmem:$0x1E1D0] =	vst v0  }
0x3e: {  	[tilespmem:$0x1E1E0] =	vst v0  }
0x3f: {  	[tilespmem:$0x1E1F0] =	vst v0  }
0x40: {  	[tilespmem:$0x1E200] =	vst v0  }
0x41: {  	[tilespmem:$0x1E210] =	vst v0  }
0x42: {  	[tilespmem:$0x1E220] =	vst v0  }
0x43: {  	[tilespmem:$0x1E230] =	vst v0  }
0x44: {  	[tilespmem:$0x1E240] =	vst v0  }
0x45: {  	[tilespmem:$0x1E250] =	vst v0  }
0x46: {  	[tilespmem:$0x1E260] =	vst v0  }
0x47: {  	[tilespmem:$0x1E270] =	vst v0  }
0x48: {  	[tilespmem:$0x1E280] =	vst v0  }
0x49: {  	[tilespmem:$0x1E290] =	vst v0  }
0x4a: {  	[tilespmem:$0x1E2A0] =	vst v0  }
0x4b: {  	[tilespmem:$0x1E2B0] =	vst v0  }
0x4c: {  	[tilespmem:$0x1E2C0] =	vst v0  }
0x4d: {  	[tilespmem:$0x1E2D0] =	vst v0  }
0x4e: {  	[tilespmem:$0x1E2E0] =	vst v0  }
0x4f: {  	[tilespmem:$0x1E2F0] =	vst v0  }
0x50: {  	[tilespmem:$0x1E300] =	vst v0  }
0x51: {  	[tilespmem:$0x1E310] =	vst v0  }
0x52: {  	[tilespmem:$0x1E320] =	vst v1  }
0x53: {  	[tilespmem:$0x1E330] =	vst v1  }
0x54: {  	[tilespmem:$0x1E340] =	vst v1  }
0x55: {  	[tilespmem:$0x1E350] =	vst v1  }
0x56: {  	[tilespmem:$0x1E360] =	vst v1  }
0x57: {  	[spmem:s6] =	stream.linear.scatter [tilespmem:s20], [sflag:$0x4], $0x2800, $0x38;
	[tilespmem:$0x1E370] =	vst v63  }
0x58: {  	_ =	swait.ge [sflag:s21], $0x2800  }
0x59: {  	[sflag:s21] =	ssyncset.done $0x0  }
0x5a: {  	s9 =	rddreg [dreg:$0x5];
	[sflag:s21] =	ssyncadd.s32 $0xFFFFD800  }
0x5b: {  	[spmem:s9] =	stream.linear.scatter [tilespmem:s20], [sflag:$0x4], $0x2800, $0x38;
	[tilespmem:$0x1E370] =	vst v63  }
0x5c: {  	_ =	swait.ge [sflag:s21], $0x2800  }
0x5d: {  	[sflag:s21] =	ssyncset.done $0x0  }
0x5e: {  	s10 =	rddreg [dreg:$0x6];
	[sflag:s21] =	ssyncadd.s32 $0xFFFFD800  }
0x5f: {  	[spmem:s10] =	stream.linear.scatter [tilespmem:s20], [sflag:$0x4], $0x2800, $0x38;
	[tilespmem:$0x1E370] =	vst v63  }
0x60: {  	_ =	swait.ge [sflag:s21], $0x2800  }
0x61: {  	[sflag:s21] =	ssyncset.done $0x0  }
0x62: {  	s11 =	rddreg [dreg:$0x7];
	[sflag:s21] =	ssyncadd.s32 $0xFFFFD800  }
0x63: {  	[spmem:s11] =	stream.linear.scatter [tilespmem:s20], [sflag:$0x4], $0x2800, $0x38;
	[tilespmem:$0x1E370] =	vst v63  }
0x64: {  	_ =	swait.ge [sflag:s21], $0x2800  }
0x65: {  	[sflag:s21] =	ssyncset.done $0x0  }
0x66: {  	s12 =	rddreg [dreg:$0x8];
	[sflag:s21] =	ssyncadd.s32 $0xFFFFD800  }
0x67: {  	[spmem:s12] =	stream.linear.scatter [tilespmem:s20], [sflag:$0x4], $0x2800, $0x38;
	[tilespmem:$0x1E370] =	vst v63  }
0x68: {  	_ =	swait.ge [sflag:s21], $0x2800  }
0x69: {  	[sflag:s21] =	ssyncset.done $0x0  }
0x6a: {  	s9 =	rddreg [dreg:$0x9];
	[sflag:s21] =	ssyncadd.s32 $0xFFFFD800  }
0x6b: {  	[spmem:s9] =	stream.linear.scatter [tilespmem:s20], [sflag:$0x4], $0x2800, $0x38;
	[tilespmem:$0x1E370] =	vst v63  }
0x6c: {  	_ =	swait.ge [sflag:s21], $0x2800  }
0x6d: {  	[sflag:s21] =	ssyncset.done $0x0  }
0x6e: {  	s10 =	rddreg [dreg:$0xa];
	[sflag:s21] =	ssyncadd.s32 $0xFFFFD800  }
0x6f: {  	[spmem:s10] =	stream.linear.scatter [tilespmem:s20], [sflag:$0x4], $0x2800, $0x38;
	[tilespmem:$0x1E370] =	vst v63  }
0x70: {  	_ =	swait.ge [sflag:s21], $0x2800  }
0x71: {  	[sflag:s21] =	ssyncset.done $0x0  }
0x72: {  	[sflag:s21] =	ssyncadd.s32 $0xFFFFD800  }
0x73: {  	[spmem:s13] =	stream.linear.scatter [tilespmem:s20], [sflag:$0x4], $0x2800, $0x38;
	[tilespmem:$0x1E370] =	vst v63  }
0x74: {  	_ =	swait.ge [sflag:s21], $0x2800  }
0x75: {  	[sflag:s21] =	ssyncset.done $0x0  }
0x76: {  	s11 =	simm.s32 $0x1E0A0;
	[sflag:s21] =	ssyncadd.s32 $0xFFFFD800  }
0x77: {  	[spmem:s14] =	stream.linear.scatter [tilespmem:s11], [sflag:$0x4], $0x280, $0x38;
	[tilespmem:$0x1E370] =	vst v63  }
0x78: {  	_ =	swait.ge [sflag:s21], $0x280  }
0x79: {  	[sflag:s21] =	ssyncset.done $0x0  }
0x7a: {  	[sflag:s21] =	ssyncadd.s32 $0xFFFFFD80  }
0x7b: {  	s12 =	simm.s32 $0x0;
	[bflag:$0x0] =	sbarrier.arrive $0xFFFF  }
0x7c: {  	[tilespmem:s23], [sflag:$0x4] =	stream.linear.gather [hbm4b:s15+s12], $0x2710, $0x38;
	[tilespmem:$0x1E370] =	vst v63  }
0x7d: {  	_ =	swait.ge [sflag:s21], $0x2710  }
0x7e: {  	[sflag:s21] =	ssyncset.done $0x0  }
0x7f: {  	[sflag:s21] =	ssyncadd.s32 $0xFFFFD8F0  }
0x80: {  	[tilespmem:s24], [sflag:$0x4] =	stream.linear.gather [hbm4b:s16+s12], $0x2710, $0x38;
	[tilespmem:$0x1E370] =	vst v63  }
0x81: {  	_ =	swait.ge [sflag:s21], $0x2710  }
0x82: {  	[sflag:s21] =	ssyncset.done $0x0  }
0x83: {  	[sflag:s21] =	ssyncadd.s32 $0xFFFFD8F0  }
0x84: {  	[tilespmem:s20], [sflag:$0x1] =	stream.indirect.gather [hbm4b:s1+s25], $0x80, s23, s25, $0xb8;
	[tilespmem:$0x1E370] =	vst v63  }
0x85: {  	s9 =	simm.s32 $0x142D0  }
0x86: {  	[tilespmem:s28], [sflag:$0x2] =	stream.indirect.gather [hbm4b:s1+s25], $0x80, s9, s25, $0xb8;
	[tilespmem:$0x1E370] =	vst v63  }
0x87: {  	_ =	swait.ge [sflag:s29], $0x2800  }
0x88: {  	[sflag:s29] =	ssyncset.done $0x0  }
0x89: {  	[sflag:s29] =	ssyncadd.s32 $0xFFFFD800  }
0x8a: {  	[spmem:s3] =	stream.indirect.scatter.add.f32 [tilespmem:s20], [sflag:$0x4], $0x80, s24, s25, $0xb8;
	[tilespmem:$0x1E370] =	vst v63  }
0x8b: {  	_ =	swait.ge [sflag:s21], $0x2800  }
0x8c: {  	[sflag:s21] =	ssyncset.done $0x0  }
0x8d: {  	[sflag:s21] =	ssyncadd.s32 $0xFFFFD800  }
0x8e: {  	[spmem:s4] =	stream.indirect.scatter.add.f32 [tilespmem:s30], [sflag:$0x3], $0x1, s24, s25, $0xb8;
	[tilespmem:$0x1E370] =	vst v63  }
0x8f: {  	s10 =	simm.s32 $0x14320  }
0x90: {  	[tilespmem:s20], [sflag:$0x1] =	stream.indirect.gather [hbm4b:s1+s25], $0x80, s10, s25, $0xb8;
	[tilespmem:$0x1E370] =	vst v63  }
0x91: {  	_ =	swait.ge [sflag:s2], $0x2800  }
0x92: {  	[sflag:s2] =	ssyncset.done $0x0  }
0x93: {  	[sflag:s2] =	ssyncadd.s32 $0xFFFFD800  }
0x94: {  	[spmem:s3] =	stream.indirect.scatter.add.f32 [tilespmem:s28], [sflag:$0x4], $0x80, s22, s25, $0xb8;
	[tilespmem:$0x1E370] =	vst v63  }
0x95: {  	_ =	swait.ge [sflag:s21], $0x2800  }
0x96: {  	[sflag:s21] =	ssyncset.done $0x0  }
0x97: {  	[sflag:s21] =	ssyncadd.s32 $0xFFFFD800  }
0x98: {  	[spmem:s4] =	stream.indirect.scatter.add.f32 [tilespmem:s30], [sflag:$0x3], $0x1, s22, s25, $0xb8;
	[tilespmem:$0x1E370] =	vst v63  }
0x99: {  	s11 =	simm.s32 $0x14370  }
0x9a: {  	[tilespmem:s28], [sflag:$0x2] =	stream.indirect.gather [hbm4b:s1+s25], $0x80, s11, s25, $0xb8;
	[tilespmem:$0x1E370] =	vst v63  }
0x9b: {  	_ =	swait.ge [sflag:s29], $0x2800  }
0x9c: {  	[sflag:s29] =	ssyncset.done $0x0  }
0x9d: {  	[sflag:s29] =	ssyncadd.s32 $0xFFFFD800  }
0x9e: {  	[spmem:s3] =	stream.indirect.scatter.add.f32 [tilespmem:s20], [sflag:$0x4], $0x80, s0, s25, $0xb8;
	[tilespmem:$0x1E370] =	vst v63  }
0x9f: {  	_ =	swait.ge [sflag:s21], $0x2800  }
0xa0: {  	[sflag:s21] =	ssyncset.done $0x0  }
0xa1: {  	[sflag:s21] =	ssyncadd.s32 $0xFFFFD800  }
0xa2: {  	[spmem:s4] =	stream.indirect.scatter.add.f32 [tilespmem:s30], [sflag:$0x3], $0x1, s0, s25, $0xb8;
	[tilespmem:$0x1E370] =	vst v63  }
0xa3: {  	s12 =	simm.s32 $0x143C0  }
0xa4: {  	[tilespmem:s20], [sflag:$0x1] =	stream.indirect.gather [hbm4b:s1+s25], $0x80, s12, s25, $0xb8;
	[tilespmem:$0x1E370] =	vst v63  }
0xa5: {  	_ =	swait.ge [sflag:s2], $0x2800  }
0xa6: {  	[sflag:s2] =	ssyncset.done $0x0  }
0xa7: {  	[sflag:s2] =	ssyncadd.s32 $0xFFFFD800  }
0xa8: {  	[spmem:s3] =	stream.indirect.scatter.add.f32 [tilespmem:s28], [sflag:$0x4], $0x80, s26, s25, $0xb8;
	[tilespmem:$0x1E370] =	vst v63  }
0xa9: {  	_ =	swait.ge [sflag:s21], $0x2800  }
0xaa: {  	[sflag:s21] =	ssyncset.done $0x0  }
0xab: {  	[sflag:s21] =	ssyncadd.s32 $0xFFFFD800  }
0xac: {  	[spmem:s4] =	stream.indirect.scatter.add.f32 [tilespmem:s30], [sflag:$0x3], $0x1, s26, s25, $0xb8;
	[tilespmem:$0x1E370] =	vst v63  }
0xad: {  	s9 =	simm.s32 $0x14410  }
0xae: {  	[tilespmem:s28], [sflag:$0x2] =	stream.indirect.gather [hbm4b:s1+s25], $0x80, s9, s25, $0xb8;
	[tilespmem:$0x1E370] =	vst v63  }
0xaf: {  	_ =	swait.ge [sflag:s29], $0x2800  }
0xb0: {  	[sflag:s29] =	ssyncset.done $0x0  }
0xb1: {  	s10 =	simm.s32 $0x16AD0;
	[sflag:s29] =	ssyncadd.s32 $0xFFFFD800  }
0xb2: {  	[spmem:s3] =	stream.indirect.scatter.add.f32 [tilespmem:s20], [sflag:$0x4], $0x80, s10, s25, $0xb8;
	[tilespmem:$0x1E370] =	vst v63  }
0xb3: {  	_ =	swait.ge [sflag:s21], $0x2800  }
0xb4: {  	[sflag:s21] =	ssyncset.done $0x0  }
0xb5: {  	[sflag:s21] =	ssyncadd.s32 $0xFFFFD800  }
0xb6: {  	[spmem:s4] =	stream.indirect.scatter.add.f32 [tilespmem:s30], [sflag:$0x3], $0x1, s10, s25, $0xb8;
	[tilespmem:$0x1E370] =	vst v63  }
0xb7: {  	s11 =	simm.s32 $0x14460  }
0xb8: {  	[tilespmem:s20], [sflag:$0x1] =	stream.indirect.gather [hbm4b:s1+s25], $0x80, s11, s25, $0xb8;
	[tilespmem:$0x1E370] =	vst v63  }
0xb9: {  	_ =	swait.ge [sflag:s2], $0x2800  }
0xba: {  	[sflag:s2] =	ssyncset.done $0x0  }
0xbb: {  	s12 =	simm.s32 $0x16B20;
	[sflag:s2] =	ssyncadd.s32 $0xFFFFD800  }
0xbc: {  	[spmem:s3] =	stream.indirect.scatter.add.f32 [tilespmem:s28], [sflag:$0x4], $0x80, s12, s25, $0xb8;
	[tilespmem:$0x1E370] =	vst v63  }
0xbd: {  	_ =	swait.ge [sflag:s21], $0x2800  }
0xbe: {  	[sflag:s21] =	ssyncset.done $0x0  }
0xbf: {  	[sflag:s21] =	ssyncadd.s32 $0xFFFFD800  }
0xc0: {  	[spmem:s4] =	stream.indirect.scatter.add.f32 [tilespmem:s30], [sflag:$0x3], $0x1, s12, s25, $0xb8;
	[tilespmem:$0x1E370] =	vst v63  }
0xc1: {  	_ =	swait.ge [sflag:s31], $0x50  }
0xc2: {  	[sflag:s31] =	ssyncset.done $0x0  }
0xc3: {  	[sflag:s31] =	ssyncadd.s32 $0xFFFFFFB0  }
0xc4: {  	_ =	swait.ge [sflag:s31], $0x50  }
0xc5: {  	s8 =	simm.s32 $0xFFFFDB20;
	s9 =	simm.s32 $0xFFFF6F00;
	[sflag:s31] =	ssyncset.done $0x0  }
.LBB2_4:
0xc6: {  	s10 =	sadd.s32 $0x16990, s8  }
0xc7: {  	[sflag:s31] =	ssyncadd.s32 $0xFFFFFFB0;
	s11 =	smov.u32 s9;
	s12 =	sadd.s32 $0x280, s9  }
0xc8: {  	[tilespmem:s28], [sflag:$0x2] =	stream.indirect.gather [hbm4b:s1+s25], $0x80, s10, s25, $0xb8;
	[tilespmem:$0x1E370] =	vst v63  }
0xc9: {  	p0 =	sne.s32 s9, $0xFFFFFD80;
	_ =	swait.ge [sflag:s29], $0x2800  }
0xca: {  	[sflag:s29] =	ssyncset.done $0x0  }
0xcb: {  	s9 =	sadd.s32 $0x19050, s8;
	[sflag:s29] =	ssyncadd.s32 $0xFFFFD800  }
0xcc: {  	[spmem:s3] =	stream.indirect.scatter.add.f32 [tilespmem:s20], [sflag:$0x4], $0x80, s9, s25, $0xb8;
	[tilespmem:$0x1E370] =	vst v63  }
0xcd: {  	_ =	swait.ge [sflag:s21], $0x2800  }
0xce: {  	[sflag:s21] =	ssyncset.done $0x0  }
0xcf: {  	[sflag:s21] =	ssyncadd.s32 $0xFFFFD800  }
0xd0: {  	[spmem:s4] =	stream.indirect.scatter.add.f32 [tilespmem:s30], [sflag:$0x3], $0x1, s9, s25, $0xb8;
	[tilespmem:$0x1E370] =	vst v63  }
0xd1: {  	s9 =	sadd.s32 $0x169E0, s8  }
0xd2: {  	[tilespmem:s20], [sflag:$0x1] =	stream.indirect.gather [hbm4b:s1+s25], $0x80, s9, s25, $0xb8;
	[tilespmem:$0x1E370] =	vst v63  }
0xd3: {  	_ =	swait.ge [sflag:s2], $0x2800  }
0xd4: {  	[sflag:s2] =	ssyncset.done $0x0  }
0xd5: {  	s8 =	sadd.s32 $0x190A0, s8;
	[sflag:s2] =	ssyncadd.s32 $0xFFFFD800  }
0xd6: {  	[spmem:s3] =	stream.indirect.scatter.add.f32 [tilespmem:s28], [sflag:$0x4], $0x80, s8, s25, $0xb8;
	[tilespmem:$0x1E370] =	vst v63  }
0xd7: {  	_ =	swait.ge [sflag:s21], $0x2800  }
0xd8: {  	[sflag:s21] =	ssyncset.done $0x0  }
0xd9: {  	[sflag:s21] =	ssyncadd.s32 $0xFFFFD800  }
0xda: {  	[spmem:s4] =	stream.indirect.scatter.add.f32 [tilespmem:s30], [sflag:$0x3], $0x1, s8, s25, $0xb8;
	[tilespmem:$0x1E370] =	vst v63  }
.Ltmp1:
0xdb: {  	_ =	swait.ge [sflag:s31], $0x50;
	(pc) =	sbr.rel @p0 .LBB2_4-.Ltmp1, $4  }
0xdc: {  	[sflag:s31] =	ssyncset.done $0x0  }
0xdd: {  	[sflag:s31] =	ssyncadd.s32 $0xFFFFFFB0  }
0xde: {  	_ =	swait.ge [sflag:s31], $0x50  }
0xdf: {  	s9 =	smov.u32 s12;
	s8 =	sshra.s32 s11, $0x2;
	[sflag:s31] =	ssyncset.done $0x0  }
0xe0: {  	s9 =	sadd.s32 $0x16990, s8;
	[sflag:s31] =	ssyncadd.s32 $0xFFFFFFB0  }
0xe1: {  	[tilespmem:s28], [sflag:$0x2] =	stream.indirect.gather [hbm4b:s1+s25], $0x80, s9, s25, $0xb8;
	[tilespmem:$0x1E370] =	vst v63  }
0xe2: {  	_ =	swait.ge [sflag:s29], $0x2800  }
0xe3: {  	[sflag:s29] =	ssyncset.done $0x0  }
0xe4: {  	s11 =	sadd.s32 $0x19050, s8;
	[sflag:s29] =	ssyncadd.s32 $0xFFFFD800  }
0xe5: {  	[spmem:s3] =	stream.indirect.scatter.add.f32 [tilespmem:s20], [sflag:$0x4], $0x80, s11, s25, $0xb8;
	[tilespmem:$0x1E370] =	vst v63  }
0xe6: {  	_ =	swait.ge [sflag:s21], $0x2800  }
0xe7: {  	[sflag:s21] =	ssyncset.done $0x0  }
0xe8: {  	[sflag:s21] =	ssyncadd.s32 $0xFFFFD800  }
0xe9: {  	[spmem:s4] =	stream.indirect.scatter.add.f32 [tilespmem:s30], [sflag:$0x3], $0x1, s11, s25, $0xb8;
	[tilespmem:$0x1E370] =	vst v63  }
0xea: {  	s12 =	sadd.s32 $0x169E0, s8  }
0xeb: {  	[tilespmem:s20], [sflag:$0x1] =	stream.indirect.gather [hbm4b:s1+s25], $0x80, s12, s25, $0xb8;
	[tilespmem:$0x1E370] =	vst v63  }
0xec: {  	_ =	swait.ge [sflag:s2], $0x2800  }
0xed: {  	[sflag:s2] =	ssyncset.done $0x0  }
0xee: {  	s9 =	sadd.s32 $0x190A0, s8;
	[sflag:s2] =	ssyncadd.s32 $0xFFFFD800  }
0xef: {  	[spmem:s3] =	stream.indirect.scatter.add.f32 [tilespmem:s28], [sflag:$0x4], $0x80, s9, s25, $0xb8;
	[tilespmem:$0x1E370] =	vst v63  }
0xf0: {  	_ =	swait.ge [sflag:s21], $0x2800  }
0xf1: {  	[sflag:s21] =	ssyncset.done $0x0  }
0xf2: {  	[sflag:s21] =	ssyncadd.s32 $0xFFFFD800  }
0xf3: {  	[spmem:s4] =	stream.indirect.scatter.add.f32 [tilespmem:s30], [sflag:$0x3], $0x1, s9, s25, $0xb8;
	[tilespmem:$0x1E370] =	vst v63  }
0xf4: {  	_ =	swait.ge [sflag:s31], $0x50  }
0xf5: {  	[sflag:s31] =	ssyncset.done $0x0  }
0xf6: {  	[sflag:s31] =	ssyncadd.s32 $0xFFFFFFB0  }
0xf7: {  	_ =	swait.ge [sflag:s31], $0x50  }
0xf8: {  	[sflag:s31] =	ssyncset.done $0x0  }
0xf9: {  	[sflag:s31] =	ssyncadd.s32 $0xFFFFFFB0  }
0xfa: {  	_ =	swait.ge [sflag:s29], $0x2800  }
0xfb: {  	[sflag:s29] =	ssyncset.done $0x0  }
0xfc: {  	[sflag:s29] =	ssyncadd.s32 $0xFFFFD800  }
0xfd: {  	[spmem:s3] =	stream.indirect.scatter.add.f32 [tilespmem:s20], [sflag:$0x4], $0x80, s5, s25, $0xb8;
	[tilespmem:$0x1E370] =	vst v63  }
0xfe: {  	_ =	swait.ge [sflag:s21], $0x2800  }
0xff: {  	[sflag:s21] =	ssyncset.done $0x0  }
0x100: {  	[sflag:s21] =	ssyncadd.s32 $0xFFFFD800  }
0x101: {  	[spmem:s4] =	stream.indirect.scatter.add.f32 [tilespmem:s30], [sflag:$0x3], $0x1, s5, s25, $0xb8;
	[tilespmem:$0x1E370] =	vst v63  }
0x102: {  	_ =	swait.ge [sflag:s31], $0x50  }
0x103: {  	[sflag:s31] =	ssyncset.done $0x0  }
0x104: {  	[sflag:s31] =	ssyncadd.s32 $0xFFFFFFB0  }
0x105: {  	_ =	swait.ge [sflag:s31], $0x50  }
0x106: {  	[sflag:s31] =	ssyncset.done $0x0  }
0x107: {  	[sflag:s31] =	ssyncadd.s32 $0xFFFFFFB0  }
0x108: {  	_ =	swait.ge [sflag:s31], $0x50  }
0x109: {  	[sflag:s31] =	ssyncset.done $0x0  }
0x10a: {  	[sflag:s31] =	ssyncadd.s32 $0xFFFFFFB0  }
0x10b: {  	_ =	swait.ge [sflag:s31], $0x50  }
0x10c: {  	[sflag:s31] =	ssyncset.done $0x0  }
0x10d: {  	[sflag:s31] =	ssyncadd.s32 $0xFFFFFFB0  }
0x10e: {  	_ =	swait.ge [sflag:s31], $0x50  }
0x10f: {  	s10 =	stileid.u32;
	[sflag:s31] =	ssyncset.done $0x0  }
0x110: {  	s8 =	sshll.u32 s10, $0x6;
	[sflag:s31] =	ssyncadd.s32 $0xFFFFFFB0  }
0x111: {  	s8 =	sor.u32 $0x1C04, s8;
	s11 =	sshrl.u32 s6, $0x3;
	[bflag:$0x0] =	sbarrier.arrive $0xFFFF  }
0x112: {  	[hbm:s17], [sflag:s8] =	dma.local [spmem:s11], $0x2800  }
0x113: {  	s7 =	sadd.s32 $0x1, s7;
	_ =	swait.ge [sflag:s21], $0x2800  }
0x114: {  	p0 =	sne.s32 s7, s19;
	[sflag:s21] =	ssyncset.done $0x0  }
.Ltmp2:
0x115: {  	s12 =	sshrl.u32 s14, $0x3;
	[sflag:s21] =	ssyncadd.s32 $0xFFFFD800;
	(pc) =	sbr.rel @p0 .LBB2_1-.Ltmp2, $4  }
0x116: {  	[hbm:s18], [sflag:s8] =	dma.local [spmem:s12], $0x50  }
0x117: {  	_ =	swait.ge [sflag:s21], $0x50  }
0x118: {  	[sflag:s21] =	ssyncset.done $0x0  }
0x119: {  	[sflag:s21] =	ssyncadd.s32 $0xFFFFFFB0  }
0x11a: {  	_ =	sfence.sel $0x180000  }
0x11b: {  	[bflag:$0x0] =	sbarrier.arrive $0xFFFF  }
0x11c: {  	_ =	strace $0x90000047  }
0x11d: {  	s0 =	stileid.u32;
	[bflag:$0x2] =	sbarrier.arrive $0xFFFF  }
0x11e: {  	p0 =	sne.s32 s0, $0x0;
	s0 =	rddreg [dreg:$0x4]  }
0x11f: {  	s0 =	sadd.s32 @!p0 $0x100000, s0  }
0x120: {  	[sflag:s0] =	ssyncadd.tile.s32 @!p0 $0x1;
	_ =	shalt  }
.Lfunc_end2:
_tile_overlayer_lowered:
.L_overlay_start_2:
0x121: {  	(tag) =	ssettag $0x2  }
0x122: {  	s0 =	rddreg [dreg:$0x0];
	s2 =	stileid.u32  }
0x123: {  	s1 =	rddreg [dreg:$0x1];
	p0 =	sne.s32 s2, $0x0  }
0x124: {  	s3 =	rddreg [dreg:$0x2];
	[bflag:$0x3] =	sbarrier.arrive $0xFFFF;
	s2 =	simm.s32 @!p0 $0x1C04  }
0x125: {  	[timem:s3], [sflag:s2] =	dma.local @!p0 [hbm:s0], s1  }
0x126: {  	s0 =	simm.s32 @!p0 $0x4  }
0x127: {  	_ =	swait.ge @!p0 [sflag:s0], s1  }
0x128: {  	s1 =	ssub.s32 @!p0 $0x0, s1;
	[sflag:s0] =	ssyncset.done @!p0 $0x0  }
0x129: {  	[sflag:s0] =	ssyncadd.s32 @!p0 s1  }
0x12a: {  	[bflag:$0x3] =	sbarrier.arrive $0xFFFF  }
0x12b: {  	_ =	shalt  }

</sc_bundles>
